<compile_context>
chip_gen: v7x
topology: tpu7x:2x2x1
jax: 0.10.2.dev20260603
libtpu: 0.0.44.dev20260713+nightly
codegen_flags: <defaults>
</compile_context>

<pallas_src>
import functools

import jax
import jax.numpy as jnp
import numpy as np
from jax import lax
from jax.experimental import pallas as pl
from jax.experimental.pallas import tpu as pltpu
from jax.experimental.pallas import tpu_sc as plsc

N = 10000
E = 320000
NODE_DIM = 128
EDGE_DIM = 16
EMBED = 64
HEADS = 8
HEAD_DIM = EMBED // HEADS
SCALE = HEAD_DIM ** -0.5

NP = 10240
NB = 10
BN = NP // NB
EB = 50
BE = E // EB

MW = 80


def _ln(z, g, b):
    m = jnp.mean(z, axis=-1, keepdims=True)
    v = jnp.mean((z - m) * (z - m), axis=-1, keepdims=True)
    return (z - m) * lax.rsqrt(v + 1e-5) * g + b


def _mm(a, b):
    return jax.lax.dot_general(a, b, (((1,), (0,)), ((), ())),
                               preferred_element_type=jnp.float32)


def _tr(ident, a):
    return jax.lax.dot_general(ident, a, (((1,), (1,)), ((), ())),
                               preferred_element_type=jnp.float32)


def _tr0(a, ident):
    return jax.lax.dot_general(a, ident, (((0,), (0,)), ((), ())),
                               preferred_element_type=jnp.float32)


def _node_kernel(xb, wref, center_o, cn_o, hxq_o):
    w = {k: r[...] for k, r in wref.items()}
    x = xb[:]
    h = jax.nn.relu(_ln(_mm(x, w['c_w1']) + w['c_b1'], w['c_g1'], w['c_be1']))
    h = jax.nn.relu(_ln(_mm(h, w['c_w2']) + w['c_b2'], w['c_g2'], w['c_be2']))
    center = _ln(_mm(h, w['c_w3']) + w['c_b3'], w['c_g3'], w['c_be3'])
    cn = _ln(center, w['ln1_g'], w['ln1_b'])
    hx = jax.nn.relu(_ln(_mm(x, w['nx_w1']) + w['nx_b1'], w['nx_g1'], w['nx_be1']))
    hx = _mm(hx, w['nx_w2']) + w['nx_b2']
    qn = _mm(cn, w['q_w']) + w['q_b']
    center_o[:] = center
    cn_o[:] = cn
    hxq_o[:] = jnp.concatenate([hx, qn], axis=1)


GW = 32
GC = 100
GPW = E // GW
GCH = GPW // GC
GBUF = 400
GGRP = GPW // GBUF
GPG = GBUF // GC


def _gather_body(hxq_hbm, src_hbm, dst_hbm, hxe_hbm, qe_hbm,
                 idxs_v, idxd_v, rows_hx, rows_q, sem):
    cid = lax.axis_index("c")
    sid = lax.axis_index("s")
    wid = sid * 2 + cid
    pltpu.sync_copy(src_hbm.at[wid], idxs_v)
    pltpu.sync_copy(dst_hbm.at[wid], idxd_v)

    def group(g, _):
        cps = []
        for t in range(GPG):
            r = g * GPG + t
            cps.append(pltpu.async_copy(hxq_hbm.at[idxs_v.at[r]],
                                        rows_hx.at[pl.ds(t * GC, GC)], sem))
            cps.append(pltpu.async_copy(hxq_hbm.at[idxd_v.at[r]],
                                        rows_q.at[pl.ds(t * GC, GC)], sem))
        for cp in cps:
            cp.wait()
        obase = pl.multiple_of(wid * GPW + g * GBUF, 8)
        pltpu.sync_copy(rows_hx, hxe_hbm.at[pl.ds(obase, GBUF)])
        pltpu.sync_copy(rows_q, qe_hbm.at[pl.ds(obase, GBUF)])
        return 0

    lax.fori_loop(0, GGRP, group, 0)


def _sc_gather(hxq, src, dst):
    src3d = src.reshape(GW, GCH, GC)
    dst3d = dst.reshape(GW, GCH, GC)
    return pl.kernel(
        _gather_body,
        out_type=[jax.ShapeDtypeStruct((E, 2 * EMBED), jnp.float32),
                  jax.ShapeDtypeStruct((E, 2 * EMBED), jnp.float32)],
        mesh=plsc.VectorSubcoreMesh(core_axis_name="c", subcore_axis_name="s"),
        scratch_types=[pltpu.VMEM((GCH, GC), jnp.int32),
                       pltpu.VMEM((GCH, GC), jnp.int32),
                       pltpu.VMEM((GBUF, 2 * EMBED), jnp.float32),
                       pltpu.VMEM((GBUF, 2 * EMBED), jnp.float32),
                       pltpu.SemaphoreType.DMA],
    )(hxq, src3d, dst3d)


def _edge_kernel(hxe_b, qe_b, ea_b, wref, msg_o, cmax_o):
    w = {k: r[...] for k, r in wref.items()}
    i = pl.program_id(0)
    ea = ea_b[:]
    he = jax.nn.relu(_ln(_mm(ea, w['ne_w1']) + w['ne_b1'], w['ne_g1'], w['ne_be1']))
    he = _mm(he, w['ne_w2']) + w['ne_b2']
    nbr = hxe_b[:, 0:EMBED] + he
    nbr = jax.nn.relu(_ln(nbr, w['na_g1'], w['na_be1']))
    nbr = _ln(_mm(nbr, w['na_w']) + w['na_b'], w['na_g2'], w['na_be2'])
    k = _mm(nbr, w['k_w']) + w['k_b']
    v = _mm(nbr, w['v_w']) + w['v_b']
    alpha = _mm(qe_b[:, EMBED:2 * EMBED] * k, w['seg8']) * SCALE
    msg_o[:] = jnp.concatenate(
        [v, alpha, jnp.zeros((v.shape[0], MW - EMBED - HEADS), jnp.float32)],
        axis=1)
    m8 = _tr(w['eye8'], jnp.max(alpha, axis=0, keepdims=True))
    bmax = jnp.broadcast_to(m8, (HEADS, 128))

    @pl.when(i == 0)
    def _():
        cmax_o[:] = bmax

    @pl.when(i > 0)
    def _():
        cmax_o[:] = jnp.maximum(cmax_o[:], bmax)


def _weight_kernel(msg_b, cmax_b, wref, out_o):
    w = {k: r[...] for k, r in wref.items()}
    m = msg_b[:]
    cmax_row = _tr0(cmax_b[:, 0:1], w['eye8'])
    ae = jnp.exp(m[:, EMBED:EMBED + HEADS] - cmax_row)
    aerep = _mm(ae, w['rep8h'])
    out_o[:] = jnp.concatenate(
        [m[:, 0:EMBED] * aerep, ae,
         jnp.zeros((ae.shape[0], MW - EMBED - HEADS), jnp.float32)], axis=1)


def _final_kernel(acc_b, center_b, cn_b, wref, out_o):
    w = {k: r[...] for k, r in wref.items()}
    accs = acc_b[0]
    msum = accs[:, 0:EMBED]
    denom = accs[:, EMBED:EMBED + HEADS]
    denom_rep = _mm(denom, w['rep8h'])
    denom_rep = jnp.where(denom_rep == 0.0, 1.0, denom_rep)
    agg = msum / denom_rep
    cn = cn_b[:]
    center = center_b[:]
    gate = jax.nn.sigmoid(_mm(agg, w['ih_w']) + w['ih_b'] + _mm(cn, w['hh_w']) + w['hh_b'])
    upd = agg + gate * ((_mm(cn, w['self_w']) + w['self_b']) - agg)
    center = center + _mm(upd, w['out_w']) + w['out_b']
    cn2 = _ln(center, w['ln2_g'], w['ln2_b'])
    ff = _mm(jax.nn.relu(_mm(cn2, w['m_w1']) + w['m_b1']), w['m_w2']) + w['m_b2']
    out_o[:] = center + ff


def _full(ndim):
    return pl.BlockSpec(index_map=lambda *_: tuple(0 for _ in range(ndim)))


_WMAT = ['c_w1', 'c_w2', 'c_w3', 'nx_w1', 'nx_w2', 'ne_w1', 'ne_w2',
         'na_w', 'q_w', 'k_w', 'v_w', 'self_w', 'ih_w', 'hh_w',
         'out_w', 'm_w1', 'm_w2']
_WVEC = ['c_b1', 'c_b2', 'c_b3', 'nx_b1', 'nx_b2', 'ne_b1', 'ne_b2',
         'na_b', 'q_b', 'k_b', 'v_b', 'self_b', 'ih_b', 'hh_b',
         'out_b', 'm_b1', 'm_b2',
         'c_g1', 'c_be1', 'c_g2', 'c_be2', 'c_g3', 'c_be3', 'nx_g1',
         'nx_be1', 'ne_g1', 'ne_be1', 'na_g1', 'na_be1', 'na_g2',
         'na_be2', 'ln1_g', 'ln1_b', 'ln2_g', 'ln2_b']


def _prep_weights(p):
    w = {k: p[k].T for k in _WMAT}
    w.update({k: p[k].reshape(1, -1) for k in _WVEC})
    w['seg8'] = jnp.asarray(np.repeat(np.eye(8, dtype=np.float32), 8, axis=0))
    w['rep8h'] = jnp.asarray(np.repeat(np.eye(8, dtype=np.float32), 8, axis=1))
    w['eye8'] = jnp.asarray(np.eye(8, dtype=np.float32))
    return w


@jax.jit
def _run(x, edge_index, edge_attr, params):
    w = _prep_weights(params)
    xp = jnp.pad(x, ((0, NP - N), (0, 0)))
    src = edge_index[0].astype(jnp.int32)
    dst = edge_index[1].astype(jnp.int32)

    wspec = {k: _full(jnp.ndim(v)) for k, v in w.items()}

    p1_keys = ['c_w1', 'c_b1', 'c_g1', 'c_be1', 'c_w2', 'c_b2', 'c_g2', 'c_be2',
               'c_w3', 'c_b3', 'c_g3', 'c_be3', 'ln1_g', 'ln1_b',
               'nx_w1', 'nx_b1', 'nx_g1', 'nx_be1', 'nx_w2', 'nx_b2',
               'q_w', 'q_b']
    center, cn, hxq = pl.pallas_call(
        _node_kernel,
        grid=(NB,),
        in_specs=[pl.BlockSpec((BN, NODE_DIM), lambda i: (i, 0)),
                  {k: wspec[k] for k in p1_keys}],
        out_specs=[pl.BlockSpec((BN, EMBED), lambda i: (i, 0)),
                   pl.BlockSpec((BN, EMBED), lambda i: (i, 0)),
                   pl.BlockSpec((BN, 2 * EMBED), lambda i: (i, 0))],
        out_shape=[jax.ShapeDtypeStruct((NP, EMBED), jnp.float32),
                   jax.ShapeDtypeStruct((NP, EMBED), jnp.float32),
                   jax.ShapeDtypeStruct((NP, 2 * EMBED), jnp.float32)],
    )(xp, {k: w[k] for k in p1_keys})

    hxe, qe = _sc_gather(hxq, src, dst)

    p3_keys = ['ne_w1', 'ne_b1', 'ne_g1', 'ne_be1', 'ne_w2', 'ne_b2',
               'na_g1', 'na_be1', 'na_w', 'na_b', 'na_g2', 'na_be2',
               'k_w', 'k_b', 'v_w', 'v_b', 'seg8', 'eye8']
    msg_u, cmax = pl.pallas_call(
        _edge_kernel,
        grid=(EB,),
        in_specs=[pl.BlockSpec((BE, 2 * EMBED), lambda i: (i, 0)),
                  pl.BlockSpec((BE, 2 * EMBED), lambda i: (i, 0)),
                  pl.BlockSpec((BE, EDGE_DIM), lambda i: (i, 0)),
                  {k: wspec[k] for k in p3_keys}],
        out_specs=[pl.BlockSpec((BE, MW), lambda i: (i, 0)),
                   pl.BlockSpec((HEADS, 128), lambda i: (0, 0))],
        out_shape=[jax.ShapeDtypeStruct((E, MW), jnp.float32),
                   jax.ShapeDtypeStruct((HEADS, 128), jnp.float32)],
    )(hxe, qe, edge_attr, {k: w[k] for k in p3_keys})

    p4_keys = ['eye8', 'rep8h']
    msgw = pl.pallas_call(
        _weight_kernel,
        grid=(EB,),
        in_specs=[pl.BlockSpec((BE, MW), lambda i: (i, 0)),
                  pl.BlockSpec((HEADS, 128), lambda i: (0, 0)),
                  {k: wspec[k] for k in p4_keys}],
        out_specs=pl.BlockSpec((BE, MW), lambda i: (i, 0)),
        out_shape=jax.ShapeDtypeStruct((E, MW), jnp.float32),
    )(msg_u, cmax, {k: w[k] for k in p4_keys})

    acc = jax.ops.segment_sum(msgw, dst, num_segments=NP)[None]

    p5_keys = ['ih_w', 'ih_b', 'hh_w', 'hh_b', 'self_w', 'self_b',
               'out_w', 'out_b', 'ln2_g', 'ln2_b',
               'm_w1', 'm_b1', 'm_w2', 'm_b2', 'rep8h']
    out = pl.pallas_call(
        _final_kernel,
        grid=(NB,),
        in_specs=[pl.BlockSpec((1, BN, MW), lambda i: (0, i, 0)),
                  pl.BlockSpec((BN, EMBED), lambda i: (i, 0)),
                  pl.BlockSpec((BN, EMBED), lambda i: (i, 0)),
                  {k: wspec[k] for k in p5_keys}],
        out_specs=pl.BlockSpec((BN, EMBED), lambda i: (i, 0)),
        out_shape=jax.ShapeDtypeStruct((NP, EMBED), jnp.float32),
    )(acc, center, cn, {k: w[k] for k in p5_keys})
    return out[:N]


def kernel(x, edge_index, edge_attr, params):
    return _run(x, edge_index, edge_attr, params)

# --- scband reference (transcript-rebuilt; emitter-appended) ---
"""Pipeline reference for scband-aaencoder-85718957294336 (READ-ONLY COPY).

The authoritative reference and input builder live on the scoring server;
editing this copy changes nothing except your own understanding.
"""

import jax, jax.numpy as jnp
import numpy as np

N = 10000
E = 320000
NODE_DIM = 128
EDGE_DIM = 16
EMBED = 64
HEADS = 8
HEAD_DIM = EMBED // HEADS


def _lin(key, out_d, in_d):
    k1, k2 = jax.random.split(key)
    lim = 1.0 / np.sqrt(in_d)
    w = jax.random.uniform(k1, (out_d, in_d), minval=-lim, maxval=lim, dtype=jnp.float32)
    b = jax.random.uniform(k2, (out_d,), minval=-lim, maxval=lim, dtype=jnp.float32)
    return w, b


def _ln_params(d):
    return jnp.ones((d,), jnp.float32), jnp.zeros((d,), jnp.float32)


def layer_norm(x, g, b):
    m = jnp.mean(x, axis=-1, keepdims=True)
    v = jnp.var(x, axis=-1, keepdims=True)
    return (x - m) / jnp.sqrt(v + 1e-5) * g + b


def _make_params(key):
    ks = jax.random.split(key, 24)
    p = {}
    p['c_w1'], p['c_b1'] = _lin(ks[0], EMBED, NODE_DIM)
    p['c_g1'], p['c_be1'] = _ln_params(EMBED)
    p['c_w2'], p['c_b2'] = _lin(ks[1], EMBED, EMBED)
    p['c_g2'], p['c_be2'] = _ln_params(EMBED)
    p['c_w3'], p['c_b3'] = _lin(ks[2], EMBED, EMBED)
    p['c_g3'], p['c_be3'] = _ln_params(EMBED)
    p['nx_w1'], p['nx_b1'] = _lin(ks[3], EMBED, NODE_DIM)
    p['nx_g1'], p['nx_be1'] = _ln_params(EMBED)
    p['nx_w2'], p['nx_b2'] = _lin(ks[4], EMBED, EMBED)
    p['ne_w1'], p['ne_b1'] = _lin(ks[5], EMBED, EDGE_DIM)
    p['ne_g1'], p['ne_be1'] = _ln_params(EMBED)
    p['ne_w2'], p['ne_b2'] = _lin(ks[6], EMBED, EMBED)
    p['na_g1'], p['na_be1'] = _ln_params(EMBED)
    p['na_w'], p['na_b'] = _lin(ks[7], EMBED, EMBED)
    p['na_g2'], p['na_be2'] = _ln_params(EMBED)
    p['q_w'], p['q_b'] = _lin(ks[8], EMBED, EMBED)
    p['k_w'], p['k_b'] = _lin(ks[9], EMBED, EMBED)
    p['v_w'], p['v_b'] = _lin(ks[10], EMBED, EMBED)
    p['self_w'], p['self_b'] = _lin(ks[11], EMBED, EMBED)
    p['ih_w'], p['ih_b'] = _lin(ks[12], EMBED, EMBED)
    p['hh_w'], p['hh_b'] = _lin(ks[13], EMBED, EMBED)
    p['out_w'], p['out_b'] = _lin(ks[14], EMBED, EMBED)
    p['ln1_g'], p['ln1_b'] = _ln_params(EMBED)
    p['ln2_g'], p['ln2_b'] = _ln_params(EMBED)
    p['m_w1'], p['m_b1'] = _lin(ks[15], EMBED * 4, EMBED)
    p['m_w2'], p['m_b2'] = _lin(ks[16], EMBED, EMBED * 4)
    return p


def setup_inputs(seed: int = 0):
    key = jax.random.key(seed)
    ks = jax.random.split(key, 4)
    x = jax.random.normal(ks[0], (N, NODE_DIM), dtype=jnp.float32)
    edge_index = jax.random.randint(ks[1], (2, E), 0, N).astype(jnp.int64)
    edge_attr = jax.random.normal(ks[2], (E, EDGE_DIM), dtype=jnp.float32)
    params = _make_params(ks[3])
    return {'x': x, 'edge_index': edge_index, 'edge_attr': edge_attr, 'params': params}


def _forward(x, edge_attr, p, edge_index):
    # SingleInputEmbedding (center)
    h = jax.nn.relu(layer_norm(x @ p['c_w1'].T + p['c_b1'], p['c_g1'], p['c_be1']))
    h = jax.nn.relu(layer_norm(h @ p['c_w2'].T + p['c_b2'], p['c_g2'], p['c_be2']))
    center = layer_norm(h @ p['c_w3'].T + p['c_b3'], p['c_g3'], p['c_be3'])

    src = edge_index[0]
    dst = edge_index[1]
    cn = layer_norm(center, p['ln1_g'], p['ln1_b'])

    # MultipleInputEmbedding on (x_j, edge_attr) -> nbr embed per edge
    x_j = jnp.take(x, src, axis=0)
    hx = jax.nn.relu(layer_norm(x_j @ p['nx_w1'].T + p['nx_b1'], p['nx_g1'], p['nx_be1']))
    hx = hx @ p['nx_w2'].T + p['nx_b2']
    he = jax.nn.relu(layer_norm(edge_attr @ p['ne_w1'].T + p['ne_b1'], p['ne_g1'], p['ne_be1']))
    he = he @ p['ne_w2'].T + p['ne_b2']
    nbr = hx + he
    nbr = jax.nn.relu(layer_norm(nbr, p['na_g1'], p['na_be1']))
    nbr = layer_norm(nbr @ p['na_w'].T + p['na_b'], p['na_g2'], p['na_be2'])

    # multi-head attention message passing with segment softmax over dst nodes
    c_i = jnp.take(cn, dst, axis=0)
    q = (c_i @ p['q_w'].T + p['q_b']).reshape(-1, HEADS, HEAD_DIM)
    k = (nbr @ p['k_w'].T + p['k_b']).reshape(-1, HEADS, HEAD_DIM)
    v = (nbr @ p['v_w'].T + p['v_b']).reshape(-1, HEADS, HEAD_DIM)
    scale = HEAD_DIM ** -0.5
    alpha = jnp.sum(q * k, axis=-1) * scale
    amax = jax.ops.segment_max(alpha, dst, num_segments=N)
    amax = jnp.where(jnp.isfinite(amax), amax, 0.0)
    ae = jnp.exp(alpha - jnp.take(amax, dst, axis=0))
    denom = jax.ops.segment_sum(ae, dst, num_segments=N)
    alpha_n = ae / (jnp.take(denom, dst, axis=0) + 1e-16)
    msg = (v * alpha_n[:, :, None]).reshape(-1, EMBED)
    agg = jax.ops.segment_sum(msg, dst, num_segments=N)

    # gated update (GRU-style) + out_proj; dropout = identity (eval)
    gate = jax.nn.sigmoid(agg @ p['ih_w'].T + p['ih_b'] + cn @ p['hh_w'].T + p['hh_b'])
    upd = agg + gate * ((cn @ p['self_w'].T + p['self_b']) - agg)
    mha = upd @ p['out_w'].T + p['out_b']
    center = center + mha

    # feed-forward block
    cn2 = layer_norm(center, p['ln2_g'], p['ln2_b'])
    ff = jax.nn.relu(cn2 @ p['m_w1'].T + p['m_b1']) @ p['m_w2'].T + p['m_b2']
    return center + ff


def reference(x, edge_index, edge_attr, params):
    return _forward(x, edge_attr, params, edge_index)

if __name__ == "__main__":
    import jax
    _d = setup_inputs()
    print(jax.jit(kernel)(*tuple(_d.values())))

</pallas_src>

<mosaic_0001>
#map = affine_map<(d0, d1) -> (0, 0)>
#map1 = affine_map<(d0, d1) -> (0, 0, 0)>
module attributes {stable_mosaic.version = 14 : i64} {
  func.func @_gather_body(%arg0: i32, %arg1: i32, %arg2: memref<10240x128xf32, #tpu.memory_space<hbm>>, %arg3: memref<32x100x100xi32, #tpu.memory_space<hbm>>, %arg4: memref<32x100x100xi32, #tpu.memory_space<hbm>>, %arg5: memref<320000x128xf32, #tpu.memory_space<hbm>>, %arg6: memref<320000x128xf32, #tpu.memory_space<hbm>>, %arg7: memref<100x100xi32, #tpu.memory_space<vmem>>, %arg8: memref<100x100xi32, #tpu.memory_space<vmem>>, %arg9: memref<400x128xf32, #tpu.memory_space<vmem>>, %arg10: memref<400x128xf32, #tpu.memory_space<vmem>>, %arg11: memref<!tpu.dma_semaphore, #tpu.memory_space<semaphore_mem>>) attributes {dimension_semantics = [#tpu.dimension_semantics<core_parallel>, #tpu.dimension_semantics<subcore_parallel>], iteration_bounds = array<i64: 2, 16>, scalar_prefetch = 0 : i64, scratch_operands = 5 : i64, tpu.core_type = #tpu.core_type<sc_vector_subcore>, window_params = [{transform_indices = #map}, {transform_indices = #map1}, {transform_indices = #map1}, {transform_indices = #map}, {transform_indices = #map}]} {
    %mul3A = arith.constant 2 : i32
    %mul3A_0 = arith.muli %arg1, %mul3A : i32
    %add3A = arith.addi %mul3A_0, %arg0 : i32
    "tpu.region"() ({
      %run_scoped3A = tpu.sem_alloc : memref<!tpu.dma_semaphore, #tpu.memory_space<semaphore_mem>>
      %dma_start3A = arith.constant 0 : i32
      %dma_start3A_7 = arith.constant 0 : i32
      %dma_start3A_8 = tpu.memref_slice %arg3[%add3A, %dma_start3A, %dma_start3A_7] : memref<32x100x100xi32, #tpu.memory_space<hbm>> -> memref<1x100x100xi32, #tpu.memory_space<hbm>>
      %dma_start3A_9 = tpu.memref_squeeze %dma_start3A_8 : memref<1x100x100xi32, #tpu.memory_space<hbm>> -> memref<100x100xi32, #tpu.memory_space<hbm>>
      %dma_start3A_10 = arith.constant 0 : i32
      %dma_start3A_11 = arith.constant 0 : i32
      %dma_start3A_12 = tpu.memref_slice %arg3[%add3A, %dma_start3A_10, %dma_start3A_11] : memref<32x100x100xi32, #tpu.memory_space<hbm>> -> memref<1x100x100xi32, #tpu.memory_space<hbm>>
      %dma_start3A_13 = tpu.memref_squeeze %dma_start3A_12 : memref<1x100x100xi32, #tpu.memory_space<hbm>> -> memref<100x100xi32, #tpu.memory_space<hbm>>
      tpu.enqueue_dma source(%dma_start3A_13 : memref<100x100xi32, #tpu.memory_space<hbm>>) target(%arg7 : memref<100x100xi32, #tpu.memory_space<vmem>>) target_semaphore(%run_scoped3A : memref<!tpu.dma_semaphore, #tpu.memory_space<semaphore_mem>>)
      %dma_wait3A = arith.constant 0 : i32
      %dma_wait3A_14 = arith.constant 0 : i32
      %dma_wait3A_15 = tpu.memref_slice %arg3[%add3A, %dma_wait3A, %dma_wait3A_14] : memref<32x100x100xi32, #tpu.memory_space<hbm>> -> memref<1x100x100xi32, #tpu.memory_space<hbm>>
      %dma_wait3A_16 = tpu.memref_squeeze %dma_wait3A_15 : memref<1x100x100xi32, #tpu.memory_space<hbm>> -> memref<100x100xi32, #tpu.memory_space<hbm>>
      %dma_wait3A_17 = arith.constant 0 : i32
      %dma_wait3A_18 = arith.constant 0 : i32
      %dma_wait3A_19 = tpu.memref_slice %arg3[%add3A, %dma_wait3A_17, %dma_wait3A_18] : memref<32x100x100xi32, #tpu.memory_space<hbm>> -> memref<1x100x100xi32, #tpu.memory_space<hbm>>
      %dma_wait3A_20 = tpu.memref_squeeze %dma_wait3A_19 : memref<1x100x100xi32, #tpu.memory_space<hbm>> -> memref<100x100xi32, #tpu.memory_space<hbm>>
      tpu.wait_dma2 semaphore(%run_scoped3A : memref<!tpu.dma_semaphore, #tpu.memory_space<semaphore_mem>>) src(%dma_wait3A_20 : memref<100x100xi32, #tpu.memory_space<hbm>>) dst(%arg7 : memref<100x100xi32, #tpu.memory_space<vmem>>)
      tpu.yield
    }) : () -> ()
    "tpu.region"() ({
      %run_scoped3A = tpu.sem_alloc : memref<!tpu.dma_semaphore, #tpu.memory_space<semaphore_mem>>
      %dma_start3A = arith.constant 0 : i32
      %dma_start3A_7 = arith.constant 0 : i32
      %dma_start3A_8 = tpu.memref_slice %arg4[%add3A, %dma_start3A, %dma_start3A_7] : memref<32x100x100xi32, #tpu.memory_space<hbm>> -> memref<1x100x100xi32, #tpu.memory_space<hbm>>
      %dma_start3A_9 = tpu.memref_squeeze %dma_start3A_8 : memref<1x100x100xi32, #tpu.memory_space<hbm>> -> memref<100x100xi32, #tpu.memory_space<hbm>>
      %dma_start3A_10 = arith.constant 0 : i32
      %dma_start3A_11 = arith.constant 0 : i32
      %dma_start3A_12 = tpu.memref_slice %arg4[%add3A, %dma_start3A_10, %dma_start3A_11] : memref<32x100x100xi32, #tpu.memory_space<hbm>> -> memref<1x100x100xi32, #tpu.memory_space<hbm>>
      %dma_start3A_13 = tpu.memref_squeeze %dma_start3A_12 : memref<1x100x100xi32, #tpu.memory_space<hbm>> -> memref<100x100xi32, #tpu.memory_space<hbm>>
      tpu.enqueue_dma source(%dma_start3A_13 : memref<100x100xi32, #tpu.memory_space<hbm>>) target(%arg8 : memref<100x100xi32, #tpu.memory_space<vmem>>) target_semaphore(%run_scoped3A : memref<!tpu.dma_semaphore, #tpu.memory_space<semaphore_mem>>)
      %dma_wait3A = arith.constant 0 : i32
      %dma_wait3A_14 = arith.constant 0 : i32
      %dma_wait3A_15 = tpu.memref_slice %arg4[%add3A, %dma_wait3A, %dma_wait3A_14] : memref<32x100x100xi32, #tpu.memory_space<hbm>> -> memref<1x100x100xi32, #tpu.memory_space<hbm>>
      %dma_wait3A_16 = tpu.memref_squeeze %dma_wait3A_15 : memref<1x100x100xi32, #tpu.memory_space<hbm>> -> memref<100x100xi32, #tpu.memory_space<hbm>>
      %dma_wait3A_17 = arith.constant 0 : i32
      %dma_wait3A_18 = arith.constant 0 : i32
      %dma_wait3A_19 = tpu.memref_slice %arg4[%add3A, %dma_wait3A_17, %dma_wait3A_18] : memref<32x100x100xi32, #tpu.memory_space<hbm>> -> memref<1x100x100xi32, #tpu.memory_space<hbm>>
      %dma_wait3A_20 = tpu.memref_squeeze %dma_wait3A_19 : memref<1x100x100xi32, #tpu.memory_space<hbm>> -> memref<100x100xi32, #tpu.memory_space<hbm>>
      tpu.wait_dma2 semaphore(%run_scoped3A : memref<!tpu.dma_semaphore, #tpu.memory_space<semaphore_mem>>) src(%dma_wait3A_20 : memref<100x100xi32, #tpu.memory_space<hbm>>) dst(%arg8 : memref<100x100xi32, #tpu.memory_space<vmem>>)
      tpu.yield
    }) : () -> ()
    %scan3A = arith.constant 0 : i32
    %scan3A_1 = arith.constant 0 : i32
    %scan3A_2 = arith.constant 25 : i32
    %scan3A_3 = arith.addi %scan3A_1, %scan3A_2 : i32
    %scan3A_4 = arith.constant 1 : i32
    %scan3A_5 = scf.for %scan3A_7 = %scan3A_1 to %scan3A_3 step %scan3A_4 iter_args(%scan3A_8 = %scan3A) -> (i32)  : i32 {
      %mul3A_9 = arith.constant 4 : i32
      %mul3A_10 = arith.muli %scan3A_7, %mul3A_9 : i32
      %add3A_11 = arith.constant 0 : i32
      %add3A_12 = arith.addi %mul3A_10, %add3A_11 : i32
      %dma_start3A = arith.constant 0 : i32
      %dma_start3A_13 = arith.constant 0 : i32
      %dma_start3A_14 = tpu.memref_slice %arg9[%dma_start3A, %dma_start3A_13] : memref<400x128xf32, #tpu.memory_space<vmem>> -> memref<100x128xf32, #tpu.memory_space<vmem>>
      %dma_start3A_15 = arith.constant 0 : i32
      %dma_start3A_16 = tpu.memref_slice %arg7[%add3A_12, %dma_start3A_15] : memref<100x100xi32, #tpu.memory_space<vmem>> -> memref<1x100xi32, #tpu.memory_space<vmem>>
      %dma_start3A_17 = tpu.memref_squeeze %dma_start3A_16 : memref<1x100xi32, #tpu.memory_space<vmem>> -> memref<100xi32, #tpu.memory_space<vmem>>
      %dma_start3A_18 = arith.constant 0 : i32
      %dma_start3A_19 = arith.constant 0 : i32
      %dma_start3A_20 = tpu.memref_slice %arg2[%dma_start3A_18, %dma_start3A_19] : memref<10240x128xf32, #tpu.memory_space<hbm>> -> memref<10240x128xf32, #tpu.memory_space<hbm>>
      tpu.enqueue_indirect_dma source(%dma_start3A_20 : memref<10240x128xf32, #tpu.memory_space<hbm>>) target(%dma_start3A_14 : memref<100x128xf32, #tpu.memory_space<vmem>>) offsets(%dma_start3A_17 : memref<100xi32, #tpu.memory_space<vmem>>) semaphore(%arg11 : memref<!tpu.dma_semaphore, #tpu.memory_space<semaphore_mem>>)
      %dma_start3A_21 = arith.constant 0 : i32
      %dma_start3A_22 = arith.constant 0 : i32
      %dma_start3A_23 = tpu.memref_slice %arg10[%dma_start3A_21, %dma_start3A_22] : memref<400x128xf32, #tpu.memory_space<vmem>> -> memref<100x128xf32, #tpu.memory_space<vmem>>
      %dma_start3A_24 = arith.constant 0 : i32
      %dma_start3A_25 = tpu.memref_slice %arg8[%add3A_12, %dma_start3A_24] : memref<100x100xi32, #tpu.memory_space<vmem>> -> memref<1x100xi32, #tpu.memory_space<vmem>>
      %dma_start3A_26 = tpu.memref_squeeze %dma_start3A_25 : memref<1x100xi32, #tpu.memory_space<vmem>> -> memref<100xi32, #tpu.memory_space<vmem>>
      %dma_start3A_27 = arith.constant 0 : i32
      %dma_start3A_28 = arith.constant 0 : i32
      %dma_start3A_29 = tpu.memref_slice %arg2[%dma_start3A_27, %dma_start3A_28] : memref<10240x128xf32, #tpu.memory_space<hbm>> -> memref<10240x128xf32, #tpu.memory_space<hbm>>
      tpu.enqueue_indirect_dma source(%dma_start3A_29 : memref<10240x128xf32, #tpu.memory_space<hbm>>) target(%dma_start3A_23 : memref<100x128xf32, #tpu.memory_space<vmem>>) offsets(%dma_start3A_26 : memref<100xi32, #tpu.memory_space<vmem>>) semaphore(%arg11 : memref<!tpu.dma_semaphore, #tpu.memory_space<semaphore_mem>>)
      %mul3A_30 = arith.constant 4 : i32
      %mul3A_31 = arith.muli %scan3A_7, %mul3A_30 : i32
      %add3A_32 = arith.constant 1 : i32
      %add3A_33 = arith.addi %mul3A_31, %add3A_32 : i32
      %dma_start3A_34 = arith.constant 100 : i32
      %dma_start3A_35 = arith.constant 0 : i32
      %dma_start3A_36 = tpu.memref_slice %arg9[%dma_start3A_34, %dma_start3A_35] : memref<400x128xf32, #tpu.memory_space<vmem>> -> memref<100x128xf32, #tpu.memory_space<vmem>>
      %dma_start3A_37 = arith.constant 0 : i32
      %dma_start3A_38 = tpu.memref_slice %arg7[%add3A_33, %dma_start3A_37] : memref<100x100xi32, #tpu.memory_space<vmem>> -> memref<1x100xi32, #tpu.memory_space<vmem>>
      %dma_start3A_39 = tpu.memref_squeeze %dma_start3A_38 : memref<1x100xi32, #tpu.memory_space<vmem>> -> memref<100xi32, #tpu.memory_space<vmem>>
      %dma_start3A_40 = arith.constant 0 : i32
      %dma_start3A_41 = arith.constant 0 : i32
      %dma_start3A_42 = tpu.memref_slice %arg2[%dma_start3A_40, %dma_start3A_41] : memref<10240x128xf32, #tpu.memory_space<hbm>> -> memref<10240x128xf32, #tpu.memory_space<hbm>>
      tpu.enqueue_indirect_dma source(%dma_start3A_42 : memref<10240x128xf32, #tpu.memory_space<hbm>>) target(%dma_start3A_36 : memref<100x128xf32, #tpu.memory_space<vmem>>) offsets(%dma_start3A_39 : memref<100xi32, #tpu.memory_space<vmem>>) semaphore(%arg11 : memref<!tpu.dma_semaphore, #tpu.memory_space<semaphore_mem>>)
      %dma_start3A_43 = arith.constant 100 : i32
      %dma_start3A_44 = arith.constant 0 : i32
      %dma_start3A_45 = tpu.memref_slice %arg10[%dma_start3A_43, %dma_start3A_44] : memref<400x128xf32, #tpu.memory_space<vmem>> -> memref<100x128xf32, #tpu.memory_space<vmem>>
      %dma_start3A_46 = arith.constant 0 : i32
      %dma_start3A_47 = tpu.memref_slice %arg8[%add3A_33, %dma_start3A_46] : memref<100x100xi32, #tpu.memory_space<vmem>> -> memref<1x100xi32, #tpu.memory_space<vmem>>
      %dma_start3A_48 = tpu.memref_squeeze %dma_start3A_47 : memref<1x100xi32, #tpu.memory_space<vmem>> -> memref<100xi32, #tpu.memory_space<vmem>>
      %dma_start3A_49 = arith.constant 0 : i32
      %dma_start3A_50 = arith.constant 0 : i32
      %dma_start3A_51 = tpu.memref_slice %arg2[%dma_start3A_49, %dma_start3A_50] : memref<10240x128xf32, #tpu.memory_space<hbm>> -> memref<10240x128xf32, #tpu.memory_space<hbm>>
      tpu.enqueue_indirect_dma source(%dma_start3A_51 : memref<10240x128xf32, #tpu.memory_space<hbm>>) target(%dma_start3A_45 : memref<100x128xf32, #tpu.memory_space<vmem>>) offsets(%dma_start3A_48 : memref<100xi32, #tpu.memory_space<vmem>>) semaphore(%arg11 : memref<!tpu.dma_semaphore, #tpu.memory_space<semaphore_mem>>)
      %mul3A_52 = arith.constant 4 : i32
      %mul3A_53 = arith.muli %scan3A_7, %mul3A_52 : i32
      %add3A_54 = arith.constant 2 : i32
      %add3A_55 = arith.addi %mul3A_53, %add3A_54 : i32
      %dma_start3A_56 = arith.constant 200 : i32
      %dma_start3A_57 = arith.constant 0 : i32
      %dma_start3A_58 = tpu.memref_slice %arg9[%dma_start3A_56, %dma_start3A_57] : memref<400x128xf32, #tpu.memory_space<vmem>> -> memref<100x128xf32, #tpu.memory_space<vmem>>
      %dma_start3A_59 = arith.constant 0 : i32
      %dma_start3A_60 = tpu.memref_slice %arg7[%add3A_55, %dma_start3A_59] : memref<100x100xi32, #tpu.memory_space<vmem>> -> memref<1x100xi32, #tpu.memory_space<vmem>>
      %dma_start3A_61 = tpu.memref_squeeze %dma_start3A_60 : memref<1x100xi32, #tpu.memory_space<vmem>> -> memref<100xi32, #tpu.memory_space<vmem>>
      %dma_start3A_62 = arith.constant 0 : i32
      %dma_start3A_63 = arith.constant 0 : i32
      %dma_start3A_64 = tpu.memref_slice %arg2[%dma_start3A_62, %dma_start3A_63] : memref<10240x128xf32, #tpu.memory_space<hbm>> -> memref<10240x128xf32, #tpu.memory_space<hbm>>
      tpu.enqueue_indirect_dma source(%dma_start3A_64 : memref<10240x128xf32, #tpu.memory_space<hbm>>) target(%dma_start3A_58 : memref<100x128xf32, #tpu.memory_space<vmem>>) offsets(%dma_start3A_61 : memref<100xi32, #tpu.memory_space<vmem>>) semaphore(%arg11 : memref<!tpu.dma_semaphore, #tpu.memory_space<semaphore_mem>>)
      %dma_start3A_65 = arith.constant 200 : i32
      %dma_start3A_66 = arith.constant 0 : i32
      %dma_start3A_67 = tpu.memref_slice %arg10[%dma_start3A_65, %dma_start3A_66] : memref<400x128xf32, #tpu.memory_space<vmem>> -> memref<100x128xf32, #tpu.memory_space<vmem>>
      %dma_start3A_68 = arith.constant 0 : i32
      %dma_start3A_69 = tpu.memref_slice %arg8[%add3A_55, %dma_start3A_68] : memref<100x100xi32, #tpu.memory_space<vmem>> -> memref<1x100xi32, #tpu.memory_space<vmem>>
      %dma_start3A_70 = tpu.memref_squeeze %dma_start3A_69 : memref<1x100xi32, #tpu.memory_space<vmem>> -> memref<100xi32, #tpu.memory_space<vmem>>
      %dma_start3A_71 = arith.constant 0 : i32
      %dma_start3A_72 = arith.constant 0 : i32
      %dma_start3A_73 = tpu.memref_slice %arg2[%dma_start3A_71, %dma_start3A_72] : memref<10240x128xf32, #tpu.memory_space<hbm>> -> memref<10240x128xf32, #tpu.memory_space<hbm>>
      tpu.enqueue_indirect_dma source(%dma_start3A_73 : memref<10240x128xf32, #tpu.memory_space<hbm>>) target(%dma_start3A_67 : memref<100x128xf32, #tpu.memory_space<vmem>>) offsets(%dma_start3A_70 : memref<100xi32, #tpu.memory_space<vmem>>) semaphore(%arg11 : memref<!tpu.dma_semaphore, #tpu.memory_space<semaphore_mem>>)
      %mul3A_74 = arith.constant 4 : i32
      %mul3A_75 = arith.muli %scan3A_7, %mul3A_74 : i32
      %add3A_76 = arith.constant 3 : i32
      %add3A_77 = arith.addi %mul3A_75, %add3A_76 : i32
      %dma_start3A_78 = arith.constant 300 : i32
      %dma_start3A_79 = arith.constant 0 : i32
      %dma_start3A_80 = tpu.memref_slice %arg9[%dma_start3A_78, %dma_start3A_79] : memref<400x128xf32, #tpu.memory_space<vmem>> -> memref<100x128xf32, #tpu.memory_space<vmem>>
      %dma_start3A_81 = arith.constant 0 : i32
      %dma_start3A_82 = tpu.memref_slice %arg7[%add3A_77, %dma_start3A_81] : memref<100x100xi32, #tpu.memory_space<vmem>> -> memref<1x100xi32, #tpu.memory_space<vmem>>
      %dma_start3A_83 = tpu.memref_squeeze %dma_start3A_82 : memref<1x100xi32, #tpu.memory_space<vmem>> -> memref<100xi32, #tpu.memory_space<vmem>>
      %dma_start3A_84 = arith.constant 0 : i32
      %dma_start3A_85 = arith.constant 0 : i32
      %dma_start3A_86 = tpu.memref_slice %arg2[%dma_start3A_84, %dma_start3A_85] : memref<10240x128xf32, #tpu.memory_space<hbm>> -> memref<10240x128xf32, #tpu.memory_space<hbm>>
      tpu.enqueue_indirect_dma source(%dma_start3A_86 : memref<10240x128xf32, #tpu.memory_space<hbm>>) target(%dma_start3A_80 : memref<100x128xf32, #tpu.memory_space<vmem>>) offsets(%dma_start3A_83 : memref<100xi32, #tpu.memory_space<vmem>>) semaphore(%arg11 : memref<!tpu.dma_semaphore, #tpu.memory_space<semaphore_mem>>)
      %dma_start3A_87 = arith.constant 300 : i32
      %dma_start3A_88 = arith.constant 0 : i32
      %dma_start3A_89 = tpu.memref_slice %arg10[%dma_start3A_87, %dma_start3A_88] : memref<400x128xf32, #tpu.memory_space<vmem>> -> memref<100x128xf32, #tpu.memory_space<vmem>>
      %dma_start3A_90 = arith.constant 0 : i32
      %dma_start3A_91 = tpu.memref_slice %arg8[%add3A_77, %dma_start3A_90] : memref<100x100xi32, #tpu.memory_space<vmem>> -> memref<1x100xi32, #tpu.memory_space<vmem>>
      %dma_start3A_92 = tpu.memref_squeeze %dma_start3A_91 : memref<1x100xi32, #tpu.memory_space<vmem>> -> memref<100xi32, #tpu.memory_space<vmem>>
      %dma_start3A_93 = arith.constant 0 : i32
      %dma_start3A_94 = arith.constant 0 : i32
      %dma_start3A_95 = tpu.memref_slice %arg2[%dma_start3A_93, %dma_start3A_94] : memref<10240x128xf32, #tpu.memory_space<hbm>> -> memref<10240x128xf32, #tpu.memory_space<hbm>>
      tpu.enqueue_indirect_dma source(%dma_start3A_95 : memref<10240x128xf32, #tpu.memory_space<hbm>>) target(%dma_start3A_89 : memref<100x128xf32, #tpu.memory_space<vmem>>) offsets(%dma_start3A_92 : memref<100xi32, #tpu.memory_space<vmem>>) semaphore(%arg11 : memref<!tpu.dma_semaphore, #tpu.memory_space<semaphore_mem>>)
      %dma_wait3A = arith.constant 0 : i32
      %dma_wait3A_96 = arith.constant 0 : i32
      %dma_wait3A_97 = tpu.memref_slice %arg9[%dma_wait3A, %dma_wait3A_96] : memref<400x128xf32, #tpu.memory_space<vmem>> -> memref<100x128xf32, #tpu.memory_space<vmem>>
      %dma_wait3A_98 = arith.constant 0 : i32
      %dma_wait3A_99 = tpu.memref_slice %arg7[%add3A_12, %dma_wait3A_98] : memref<100x100xi32, #tpu.memory_space<vmem>> -> memref<1x100xi32, #tpu.memory_space<vmem>>
      %dma_wait3A_100 = tpu.memref_squeeze %dma_wait3A_99 : memref<1x100xi32, #tpu.memory_space<vmem>> -> memref<100xi32, #tpu.memory_space<vmem>>
      %dma_wait3A_101 = arith.constant 0 : i32
      %dma_wait3A_102 = arith.constant 0 : i32
      %dma_wait3A_103 = tpu.memref_slice %arg2[%dma_wait3A_101, %dma_wait3A_102] : memref<10240x128xf32, #tpu.memory_space<hbm>> -> memref<10240x128xf32, #tpu.memory_space<hbm>>
      tpu.wait_indirect_dma semaphore(%arg11 : memref<!tpu.dma_semaphore, #tpu.memory_space<semaphore_mem>>) src(%dma_wait3A_103 : memref<10240x128xf32, #tpu.memory_space<hbm>>) dst(%dma_wait3A_97 : memref<100x128xf32, #tpu.memory_space<vmem>>)
      %dma_wait3A_104 = arith.constant 0 : i32
      %dma_wait3A_105 = arith.constant 0 : i32
      %dma_wait3A_106 = tpu.memref_slice %arg10[%dma_wait3A_104, %dma_wait3A_105] : memref<400x128xf32, #tpu.memory_space<vmem>> -> memref<100x128xf32, #tpu.memory_space<vmem>>
      %dma_wait3A_107 = arith.constant 0 : i32
      %dma_wait3A_108 = tpu.memref_slice %arg8[%add3A_12, %dma_wait3A_107] : memref<100x100xi32, #tpu.memory_space<vmem>> -> memref<1x100xi32, #tpu.memory_space<vmem>>
      %dma_wait3A_109 = tpu.memref_squeeze %dma_wait3A_108 : memref<1x100xi32, #tpu.memory_space<vmem>> -> memref<100xi32, #tpu.memory_space<vmem>>
      %dma_wait3A_110 = arith.constant 0 : i32
      %dma_wait3A_111 = arith.constant 0 : i32
      %dma_wait3A_112 = tpu.memref_slice %arg2[%dma_wait3A_110, %dma_wait3A_111] : memref<10240x128xf32, #tpu.memory_space<hbm>> -> memref<10240x128xf32, #tpu.memory_space<hbm>>
      tpu.wait_indirect_dma semaphore(%arg11 : memref<!tpu.dma_semaphore, #tpu.memory_space<semaphore_mem>>) src(%dma_wait3A_112 : memref<10240x128xf32, #tpu.memory_space<hbm>>) dst(%dma_wait3A_106 : memref<100x128xf32, #tpu.memory_space<vmem>>)
      %dma_wait3A_113 = arith.constant 100 : i32
      %dma_wait3A_114 = arith.constant 0 : i32
      %dma_wait3A_115 = tpu.memref_slice %arg9[%dma_wait3A_113, %dma_wait3A_114] : memref<400x128xf32, #tpu.memory_space<vmem>> -> memref<100x128xf32, #tpu.memory_space<vmem>>
      %dma_wait3A_116 = arith.constant 0 : i32
      %dma_wait3A_117 = tpu.memref_slice %arg7[%add3A_33, %dma_wait3A_116] : memref<100x100xi32, #tpu.memory_space<vmem>> -> memref<1x100xi32, #tpu.memory_space<vmem>>
      %dma_wait3A_118 = tpu.memref_squeeze %dma_wait3A_117 : memref<1x100xi32, #tpu.memory_space<vmem>> -> memref<100xi32, #tpu.memory_space<vmem>>
      %dma_wait3A_119 = arith.constant 0 : i32
      %dma_wait3A_120 = arith.constant 0 : i32
      %dma_wait3A_121 = tpu.memref_slice %arg2[%dma_wait3A_119, %dma_wait3A_120] : memref<10240x128xf32, #tpu.memory_space<hbm>> -> memref<10240x128xf32, #tpu.memory_space<hbm>>
      tpu.wait_indirect_dma semaphore(%arg11 : memref<!tpu.dma_semaphore, #tpu.memory_space<semaphore_mem>>) src(%dma_wait3A_121 : memref<10240x128xf32, #tpu.memory_space<hbm>>) dst(%dma_wait3A_115 : memref<100x128xf32, #tpu.memory_space<vmem>>)
      %dma_wait3A_122 = arith.constant 100 : i32
      %dma_wait3A_123 = arith.constant 0 : i32
      %dma_wait3A_124 = tpu.memref_slice %arg10[%dma_wait3A_122, %dma_wait3A_123] : memref<400x128xf32, #tpu.memory_space<vmem>> -> memref<100x128xf32, #tpu.memory_space<vmem>>
      %dma_wait3A_125 = arith.constant 0 : i32
      %dma_wait3A_126 = tpu.memref_slice %arg8[%add3A_33, %dma_wait3A_125] : memref<100x100xi32, #tpu.memory_space<vmem>> -> memref<1x100xi32, #tpu.memory_space<vmem>>
      %dma_wait3A_127 = tpu.memref_squeeze %dma_wait3A_126 : memref<1x100xi32, #tpu.memory_space<vmem>> -> memref<100xi32, #tpu.memory_space<vmem>>
      %dma_wait3A_128 = arith.constant 0 : i32
      %dma_wait3A_129 = arith.constant 0 : i32
      %dma_wait3A_130 = tpu.memref_slice %arg2[%dma_wait3A_128, %dma_wait3A_129] : memref<10240x128xf32, #tpu.memory_space<hbm>> -> memref<10240x128xf32, #tpu.memory_space<hbm>>
      tpu.wait_indirect_dma semaphore(%arg11 : memref<!tpu.dma_semaphore, #tpu.memory_space<semaphore_mem>>) src(%dma_wait3A_130 : memref<10240x128xf32, #tpu.memory_space<hbm>>) dst(%dma_wait3A_124 : memref<100x128xf32, #tpu.memory_space<vmem>>)
      %dma_wait3A_131 = arith.constant 200 : i32
      %dma_wait3A_132 = arith.constant 0 : i32
      %dma_wait3A_133 = tpu.memref_slice %arg9[%dma_wait3A_131, %dma_wait3A_132] : memref<400x128xf32, #tpu.memory_space<vmem>> -> memref<100x128xf32, #tpu.memory_space<vmem>>
      %dma_wait3A_134 = arith.constant 0 : i32
      %dma_wait3A_135 = tpu.memref_slice %arg7[%add3A_55, %dma_wait3A_134] : memref<100x100xi32, #tpu.memory_space<vmem>> -> memref<1x100xi32, #tpu.memory_space<vmem>>
      %dma_wait3A_136 = tpu.memref_squeeze %dma_wait3A_135 : memref<1x100xi32, #tpu.memory_space<vmem>> -> memref<100xi32, #tpu.memory_space<vmem>>
      %dma_wait3A_137 = arith.constant 0 : i32
      %dma_wait3A_138 = arith.constant 0 : i32
      %dma_wait3A_139 = tpu.memref_slice %arg2[%dma_wait3A_137, %dma_wait3A_138] : memref<10240x128xf32, #tpu.memory_space<hbm>> -> memref<10240x128xf32, #tpu.memory_space<hbm>>
      tpu.wait_indirect_dma semaphore(%arg11 : memref<!tpu.dma_semaphore, #tpu.memory_space<semaphore_mem>>) src(%dma_wait3A_139 : memref<10240x128xf32, #tpu.memory_space<hbm>>) dst(%dma_wait3A_133 : memref<100x128xf32, #tpu.memory_space<vmem>>)
      %dma_wait3A_140 = arith.constant 200 : i32
      %dma_wait3A_141 = arith.constant 0 : i32
      %dma_wait3A_142 = tpu.memref_slice %arg10[%dma_wait3A_140, %dma_wait3A_141] : memref<400x128xf32, #tpu.memory_space<vmem>> -> memref<100x128xf32, #tpu.memory_space<vmem>>
      %dma_wait3A_143 = arith.constant 0 : i32
      %dma_wait3A_144 = tpu.memref_slice %arg8[%add3A_55, %dma_wait3A_143] : memref<100x100xi32, #tpu.memory_space<vmem>> -> memref<1x100xi32, #tpu.memory_space<vmem>>
      %dma_wait3A_145 = tpu.memref_squeeze %dma_wait3A_144 : memref<1x100xi32, #tpu.memory_space<vmem>> -> memref<100xi32, #tpu.memory_space<vmem>>
      %dma_wait3A_146 = arith.constant 0 : i32
      %dma_wait3A_147 = arith.constant 0 : i32
      %dma_wait3A_148 = tpu.memref_slice %arg2[%dma_wait3A_146, %dma_wait3A_147] : memref<10240x128xf32, #tpu.memory_space<hbm>> -> memref<10240x128xf32, #tpu.memory_space<hbm>>
      tpu.wait_indirect_dma semaphore(%arg11 : memref<!tpu.dma_semaphore, #tpu.memory_space<semaphore_mem>>) src(%dma_wait3A_148 : memref<10240x128xf32, #tpu.memory_space<hbm>>) dst(%dma_wait3A_142 : memref<100x128xf32, #tpu.memory_space<vmem>>)
      %dma_wait3A_149 = arith.constant 300 : i32
      %dma_wait3A_150 = arith.constant 0 : i32
      %dma_wait3A_151 = tpu.memref_slice %arg9[%dma_wait3A_149, %dma_wait3A_150] : memref<400x128xf32, #tpu.memory_space<vmem>> -> memref<100x128xf32, #tpu.memory_space<vmem>>
      %dma_wait3A_152 = arith.constant 0 : i32
      %dma_wait3A_153 = tpu.memref_slice %arg7[%add3A_77, %dma_wait3A_152] : memref<100x100xi32, #tpu.memory_space<vmem>> -> memref<1x100xi32, #tpu.memory_space<vmem>>
      %dma_wait3A_154 = tpu.memref_squeeze %dma_wait3A_153 : memref<1x100xi32, #tpu.memory_space<vmem>> -> memref<100xi32, #tpu.memory_space<vmem>>
      %dma_wait3A_155 = arith.constant 0 : i32
      %dma_wait3A_156 = arith.constant 0 : i32
      %dma_wait3A_157 = tpu.memref_slice %arg2[%dma_wait3A_155, %dma_wait3A_156] : memref<10240x128xf32, #tpu.memory_space<hbm>> -> memref<10240x128xf32, #tpu.memory_space<hbm>>
      tpu.wait_indirect_dma semaphore(%arg11 : memref<!tpu.dma_semaphore, #tpu.memory_space<semaphore_mem>>) src(%dma_wait3A_157 : memref<10240x128xf32, #tpu.memory_space<hbm>>) dst(%dma_wait3A_151 : memref<100x128xf32, #tpu.memory_space<vmem>>)
      %dma_wait3A_158 = arith.constant 300 : i32
      %dma_wait3A_159 = arith.constant 0 : i32
      %dma_wait3A_160 = tpu.memref_slice %arg10[%dma_wait3A_158, %dma_wait3A_159] : memref<400x128xf32, #tpu.memory_space<vmem>> -> memref<100x128xf32, #tpu.memory_space<vmem>>
      %dma_wait3A_161 = arith.constant 0 : i32
      %dma_wait3A_162 = tpu.memref_slice %arg8[%add3A_77, %dma_wait3A_161] : memref<100x100xi32, #tpu.memory_space<vmem>> -> memref<1x100xi32, #tpu.memory_space<vmem>>
      %dma_wait3A_163 = tpu.memref_squeeze %dma_wait3A_162 : memref<1x100xi32, #tpu.memory_space<vmem>> -> memref<100xi32, #tpu.memory_space<vmem>>
      %dma_wait3A_164 = arith.constant 0 : i32
      %dma_wait3A_165 = arith.constant 0 : i32
      %dma_wait3A_166 = tpu.memref_slice %arg2[%dma_wait3A_164, %dma_wait3A_165] : memref<10240x128xf32, #tpu.memory_space<hbm>> -> memref<10240x128xf32, #tpu.memory_space<hbm>>
      tpu.wait_indirect_dma semaphore(%arg11 : memref<!tpu.dma_semaphore, #tpu.memory_space<semaphore_mem>>) src(%dma_wait3A_166 : memref<10240x128xf32, #tpu.memory_space<hbm>>) dst(%dma_wait3A_160 : memref<100x128xf32, #tpu.memory_space<vmem>>)
      %mul3A_167 = arith.constant 10000 : i32
      %mul3A_168 = arith.muli %add3A, %mul3A_167 : i32
      %mul3A_169 = arith.constant 400 : i32
      %mul3A_170 = arith.muli %scan3A_7, %mul3A_169 : i32
      %add3A_171 = arith.addi %mul3A_168, %mul3A_170 : i32
      %multiple_of3A = tpu.assume_multiple %add3A_171, 8 : i32
      "tpu.region"() ({
        %run_scoped3A = tpu.sem_alloc : memref<!tpu.dma_semaphore, #tpu.memory_space<semaphore_mem>>
        %dma_start3A_173 = arith.constant 0 : i32
        %dma_start3A_174 = tpu.memref_slice %arg5[%multiple_of3A, %dma_start3A_173] : memref<320000x128xf32, #tpu.memory_space<hbm>> -> memref<400x128xf32, #tpu.memory_space<hbm>>
        %dma_start3A_175 = arith.constant 0 : i32
        %dma_start3A_176 = tpu.memref_slice %arg5[%multiple_of3A, %dma_start3A_175] : memref<320000x128xf32, #tpu.memory_space<hbm>> -> memref<400x128xf32, #tpu.memory_space<hbm>>
        tpu.enqueue_dma source(%arg9 : memref<400x128xf32, #tpu.memory_space<vmem>>) target(%dma_start3A_176 : memref<400x128xf32, #tpu.memory_space<hbm>>) target_semaphore(%run_scoped3A : memref<!tpu.dma_semaphore, #tpu.memory_space<semaphore_mem>>)
        %dma_wait3A_177 = arith.constant 0 : i32
        %dma_wait3A_178 = tpu.memref_slice %arg5[%multiple_of3A, %dma_wait3A_177] : memref<320000x128xf32, #tpu.memory_space<hbm>> -> memref<400x128xf32, #tpu.memory_space<hbm>>
        %dma_wait3A_179 = arith.constant 0 : i32
        %dma_wait3A_180 = tpu.memref_slice %arg5[%multiple_of3A, %dma_wait3A_179] : memref<320000x128xf32, #tpu.memory_space<hbm>> -> memref<400x128xf32, #tpu.memory_space<hbm>>
        tpu.wait_dma2 semaphore(%run_scoped3A : memref<!tpu.dma_semaphore, #tpu.memory_space<semaphore_mem>>) src(%arg9 : memref<400x128xf32, #tpu.memory_space<vmem>>) dst(%dma_wait3A_180 : memref<400x128xf32, #tpu.memory_space<hbm>>)
        tpu.yield
      }) : () -> ()
      "tpu.region"() ({
        %run_scoped3A = tpu.sem_alloc : memref<!tpu.dma_semaphore, #tpu.memory_space<semaphore_mem>>
        %dma_start3A_173 = arith.constant 0 : i32
        %dma_start3A_174 = tpu.memref_slice %arg6[%multiple_of3A, %dma_start3A_173] : memref<320000x128xf32, #tpu.memory_space<hbm>> -> memref<400x128xf32, #tpu.memory_space<hbm>>
        %dma_start3A_175 = arith.constant 0 : i32
        %dma_start3A_176 = tpu.memref_slice %arg6[%multiple_of3A, %dma_start3A_175] : memref<320000x128xf32, #tpu.memory_space<hbm>> -> memref<400x128xf32, #tpu.memory_space<hbm>>
        tpu.enqueue_dma source(%arg10 : memref<400x128xf32, #tpu.memory_space<vmem>>) target(%dma_start3A_176 : memref<400x128xf32, #tpu.memory_space<hbm>>) target_semaphore(%run_scoped3A : memref<!tpu.dma_semaphore, #tpu.memory_space<semaphore_mem>>)
        %dma_wait3A_177 = arith.constant 0 : i32
        %dma_wait3A_178 = tpu.memref_slice %arg6[%multiple_of3A, %dma_wait3A_177] : memref<320000x128xf32, #tpu.memory_space<hbm>> -> memref<400x128xf32, #tpu.memory_space<hbm>>
        %dma_wait3A_179 = arith.constant 0 : i32
        %dma_wait3A_180 = tpu.memref_slice %arg6[%multiple_of3A, %dma_wait3A_179] : memref<320000x128xf32, #tpu.memory_space<hbm>> -> memref<400x128xf32, #tpu.memory_space<hbm>>
        tpu.wait_dma2 semaphore(%run_scoped3A : memref<!tpu.dma_semaphore, #tpu.memory_space<semaphore_mem>>) src(%arg10 : memref<400x128xf32, #tpu.memory_space<vmem>>) dst(%dma_wait3A_180 : memref<400x128xf32, #tpu.memory_space<hbm>>)
        tpu.yield
      }) : () -> ()
      %scan3A_172 = arith.constant 0 : i32
      scf.yield %scan3A_172 : i32
    }
    %scan3A_6 = arith.constant 25 : i32
    return
  }
}

module attributes {stable_mosaic.version = 14 : i64} {
  func.func @_node_kernel(%arg0: i32, %arg1: memref<1024x128xf32, #tpu.memory_space<vmem>>, %arg2: memref<1x64xf32, #tpu.memory_space<vmem>>, %arg3: memref<1x64xf32, #tpu.memory_space<vmem>>, %arg4: memref<1x64xf32, #tpu.memory_space<vmem>>, %arg5: memref<1x64xf32, #tpu.memory_space<vmem>>, %arg6: memref<1x64xf32, #tpu.memory_space<vmem>>, %arg7: memref<1x64xf32, #tpu.memory_space<vmem>>, %arg8: memref<1x64xf32, #tpu.memory_space<vmem>>, %arg9: memref<1x64xf32, #tpu.memory_space<vmem>>, %arg10: memref<1x64xf32, #tpu.memory_space<vmem>>, %arg11: memref<128x64xf32, #tpu.memory_space<vmem>>, %arg12: memref<64x64xf32, #tpu.memory_space<vmem>>, %arg13: memref<64x64xf32, #tpu.memory_space<vmem>>, %arg14: memref<1x64xf32, #tpu.memory_space<vmem>>, %arg15: memref<1x64xf32, #tpu.memory_space<vmem>>, %arg16: memref<1x64xf32, #tpu.memory_space<vmem>>, %arg17: memref<1x64xf32, #tpu.memory_space<vmem>>, %arg18: memref<1x64xf32, #tpu.memory_space<vmem>>, %arg19: memref<1x64xf32, #tpu.memory_space<vmem>>, %arg20: memref<128x64xf32, #tpu.memory_space<vmem>>, %arg21: memref<64x64xf32, #tpu.memory_space<vmem>>, %arg22: memref<1x64xf32, #tpu.memory_space<vmem>>, %arg23: memref<64x64xf32, #tpu.memory_space<vmem>>, %arg24: memref<1024x64xf32, #tpu.memory_space<vmem>>, %arg25: memref<1024x64xf32, #tpu.memory_space<vmem>>, %arg26: memref<1024x128xf32, #tpu.memory_space<vmem>>) attributes {dimension_semantics = [#tpu.dimension_semantics<arbitrary>], iteration_bounds = array<i64: 10>, scalar_prefetch = 0 : i64, scratch_operands = 0 : i64, tpu.core_type = #tpu.core_type<tc>, window_params = [{transform_indices = @transform_0, window_bounds = array<i64: 1024, 128>}, {pipeline_mode = #tpu.pipeline_mode<synchronous>, transform_indices = @transform_1, window_bounds = array<i64: 1, 64>}, {pipeline_mode = #tpu.pipeline_mode<synchronous>, transform_indices = @transform_2, window_bounds = array<i64: 1, 64>}, {pipeline_mode = #tpu.pipeline_mode<synchronous>, transform_indices = @transform_3, window_bounds = array<i64: 1, 64>}, {pipeline_mode = #tpu.pipeline_mode<synchronous>, transform_indices = @transform_4, window_bounds = array<i64: 1, 64>}, {pipeline_mode = #tpu.pipeline_mode<synchronous>, transform_indices = @transform_5, window_bounds = array<i64: 1, 64>}, {pipeline_mode = #tpu.pipeline_mode<synchronous>, transform_indices = @transform_6, window_bounds = array<i64: 1, 64>}, {pipeline_mode = #tpu.pipeline_mode<synchronous>, transform_indices = @transform_7, window_bounds = array<i64: 1, 64>}, {pipeline_mode = #tpu.pipeline_mode<synchronous>, transform_indices = @transform_8, window_bounds = array<i64: 1, 64>}, {pipeline_mode = #tpu.pipeline_mode<synchronous>, transform_indices = @transform_9, window_bounds = array<i64: 1, 64>}, {pipeline_mode = #tpu.pipeline_mode<synchronous>, transform_indices = @transform_10, window_bounds = array<i64: 128, 64>}, {pipeline_mode = #tpu.pipeline_mode<synchronous>, transform_indices = @transform_11, window_bounds = array<i64: 64, 64>}, {pipeline_mode = #tpu.pipeline_mode<synchronous>, transform_indices = @transform_12, window_bounds = array<i64: 64, 64>}, {pipeline_mode = #tpu.pipeline_mode<synchronous>, transform_indices = @transform_13, window_bounds = array<i64: 1, 64>}, {pipeline_mode = #tpu.pipeline_mode<synchronous>, transform_indices = @transform_14, window_bounds = array<i64: 1, 64>}, {pipeline_mode = #tpu.pipeline_mode<synchronous>, transform_indices = @transform_15, window_bounds = array<i64: 1, 64>}, {pipeline_mode = #tpu.pipeline_mode<synchronous>, transform_indices = @transform_16, window_bounds = array<i64: 1, 64>}, {pipeline_mode = #tpu.pipeline_mode<synchronous>, transform_indices = @transform_17, window_bounds = array<i64: 1, 64>}, {pipeline_mode = #tpu.pipeline_mode<synchronous>, transform_indices = @transform_18, window_bounds = array<i64: 1, 64>}, {pipeline_mode = #tpu.pipeline_mode<synchronous>, transform_indices = @transform_19, window_bounds = array<i64: 128, 64>}, {pipeline_mode = #tpu.pipeline_mode<synchronous>, transform_indices = @transform_20, window_bounds = array<i64: 64, 64>}, {pipeline_mode = #tpu.pipeline_mode<synchronous>, transform_indices = @transform_21, window_bounds = array<i64: 1, 64>}, {pipeline_mode = #tpu.pipeline_mode<synchronous>, transform_indices = @transform_22, window_bounds = array<i64: 64, 64>}, {transform_indices = @transform_23, window_bounds = array<i64: 1024, 64>}, {transform_indices = @transform_24, window_bounds = array<i64: 1024, 64>}, {transform_indices = @transform_25, window_bounds = array<i64: 1024, 128>}]} {
    %get3A = arith.constant 0 : index
    %get3A_0 = arith.constant 0 : index
    %get3A_1 = vector.load %arg2[%get3A, %get3A_0] : memref<1x64xf32, #tpu.memory_space<vmem>>, vector<1x64xf32>
    %get3A_2 = arith.constant 0 : index
    %get3A_3 = arith.constant 0 : index
    %get3A_4 = vector.load %arg3[%get3A_2, %get3A_3] : memref<1x64xf32, #tpu.memory_space<vmem>>, vector<1x64xf32>
    %get3A_5 = arith.constant 0 : index
    %get3A_6 = arith.constant 0 : index
    %get3A_7 = vector.load %arg4[%get3A_5, %get3A_6] : memref<1x64xf32, #tpu.memory_space<vmem>>, vector<1x64xf32>
    %get3A_8 = arith.constant 0 : index
    %get3A_9 = arith.constant 0 : index
    %get3A_10 = vector.load %arg5[%get3A_8, %get3A_9] : memref<1x64xf32, #tpu.memory_space<vmem>>, vector<1x64xf32>
    %get3A_11 = arith.constant 0 : index
    %get3A_12 = arith.constant 0 : index
    %get3A_13 = vector.load %arg6[%get3A_11, %get3A_12] : memref<1x64xf32, #tpu.memory_space<vmem>>, vector<1x64xf32>
    %get3A_14 = arith.constant 0 : index
    %get3A_15 = arith.constant 0 : index
    %get3A_16 = vector.load %arg7[%get3A_14, %get3A_15] : memref<1x64xf32, #tpu.memory_space<vmem>>, vector<1x64xf32>
    %get3A_17 = arith.constant 0 : index
    %get3A_18 = arith.constant 0 : index
    %get3A_19 = vector.load %arg8[%get3A_17, %get3A_18] : memref<1x64xf32, #tpu.memory_space<vmem>>, vector<1x64xf32>
    %get3A_20 = arith.constant 0 : index
    %get3A_21 = arith.constant 0 : index
    %get3A_22 = vector.load %arg9[%get3A_20, %get3A_21] : memref<1x64xf32, #tpu.memory_space<vmem>>, vector<1x64xf32>
    %get3A_23 = arith.constant 0 : index
    %get3A_24 = arith.constant 0 : index
    %get3A_25 = vector.load %arg10[%get3A_23, %get3A_24] : memref<1x64xf32, #tpu.memory_space<vmem>>, vector<1x64xf32>
    %get3A_26 = arith.constant 0 : index
    %get3A_27 = arith.constant 0 : index
    %get3A_28 = vector.load %arg11[%get3A_26, %get3A_27] : memref<128x64xf32, #tpu.memory_space<vmem>>, vector<128x64xf32>
    %get3A_29 = arith.constant 0 : index
    %get3A_30 = arith.constant 0 : index
    %get3A_31 = vector.load %arg12[%get3A_29, %get3A_30] : memref<64x64xf32, #tpu.memory_space<vmem>>, vector<64x64xf32>
    %get3A_32 = arith.constant 0 : index
    %get3A_33 = arith.constant 0 : index
    %get3A_34 = vector.load %arg13[%get3A_32, %get3A_33] : memref<64x64xf32, #tpu.memory_space<vmem>>, vector<64x64xf32>
    %get3A_35 = arith.constant 0 : index
    %get3A_36 = arith.constant 0 : index
    %get3A_37 = vector.load %arg14[%get3A_35, %get3A_36] : memref<1x64xf32, #tpu.memory_space<vmem>>, vector<1x64xf32>
    %get3A_38 = arith.constant 0 : index
    %get3A_39 = arith.constant 0 : index
    %get3A_40 = vector.load %arg15[%get3A_38, %get3A_39] : memref<1x64xf32, #tpu.memory_space<vmem>>, vector<1x64xf32>
    %get3A_41 = arith.constant 0 : index
    %get3A_42 = arith.constant 0 : index
    %get3A_43 = vector.load %arg16[%get3A_41, %get3A_42] : memref<1x64xf32, #tpu.memory_space<vmem>>, vector<1x64xf32>
    %get3A_44 = arith.constant 0 : index
    %get3A_45 = arith.constant 0 : index
    %get3A_46 = vector.load %arg17[%get3A_44, %get3A_45] : memref<1x64xf32, #tpu.memory_space<vmem>>, vector<1x64xf32>
    %get3A_47 = arith.constant 0 : index
    %get3A_48 = arith.constant 0 : index
    %get3A_49 = vector.load %arg18[%get3A_47, %get3A_48] : memref<1x64xf32, #tpu.memory_space<vmem>>, vector<1x64xf32>
    %get3A_50 = arith.constant 0 : index
    %get3A_51 = arith.constant 0 : index
    %get3A_52 = vector.load %arg19[%get3A_50, %get3A_51] : memref<1x64xf32, #tpu.memory_space<vmem>>, vector<1x64xf32>
    %get3A_53 = arith.constant 0 : index
    %get3A_54 = arith.constant 0 : index
    %get3A_55 = vector.load %arg20[%get3A_53, %get3A_54] : memref<128x64xf32, #tpu.memory_space<vmem>>, vector<128x64xf32>
    %get3A_56 = arith.constant 0 : index
    %get3A_57 = arith.constant 0 : index
    %get3A_58 = vector.load %arg21[%get3A_56, %get3A_57] : memref<64x64xf32, #tpu.memory_space<vmem>>, vector<64x64xf32>
    %get3A_59 = arith.constant 0 : index
    %get3A_60 = arith.constant 0 : index
    %get3A_61 = vector.load %arg22[%get3A_59, %get3A_60] : memref<1x64xf32, #tpu.memory_space<vmem>>, vector<1x64xf32>
    %get3A_62 = arith.constant 0 : index
    %get3A_63 = arith.constant 0 : index
    %get3A_64 = vector.load %arg23[%get3A_62, %get3A_63] : memref<64x64xf32, #tpu.memory_space<vmem>>, vector<64x64xf32>
    %get3A_65 = arith.constant 0 : index
    %get3A_66 = arith.constant 0 : index
    %get3A_67 = vector.load %arg1[%get3A_65, %get3A_66] : memref<1024x128xf32, #tpu.memory_space<vmem>>, vector<1024x128xf32>
    %dot_general3A = arith.constant dense<0.000000e+00> : vector<1024x64xf32>
    %dot_general3A_68 = tpu.matmul %get3A_67, %get3A_28, %dot_general3A {dimension_numbers = #tpu.dot_dimension_numbers<[1], [0], [0], [1], [0, 0, 1, 1], [], []>, transpose_lhs_hint = false} : vector<1024x128xf32>, vector<128x64xf32>, vector<1024x64xf32> -> vector<1024x64xf32>
    %add3A = vector.broadcast %get3A_1 : vector<1x64xf32> to vector<1024x64xf32>
    %add3A_69 = arith.addf %dot_general3A_68, %add3A : vector<1024x64xf32>
    %reduce_sum3A = arith.constant dense<0.000000e+00> : vector<1024xf32>
    %reduce_sum3A_70 = vector.multi_reduction <add>, %add3A_69, %reduce_sum3A [1] : vector<1024x64xf32> to vector<1024xf32>
    %broadcast_in_dim3A = vector.shape_cast %reduce_sum3A_70 : vector<1024xf32> to vector<1024x1xf32>
    %div3A = arith.constant 6.400000e+01 : f32
    %div3A_71 = vector.broadcast %div3A : f32 to vector<1024x1xf32>
    %div3A_72 = arith.divf %broadcast_in_dim3A, %div3A_71 : vector<1024x1xf32>
    %sub3A = vector.broadcast %div3A_72 : vector<1024x1xf32> to vector<1024x64xf32>
    %sub3A_73 = arith.subf %add3A_69, %sub3A : vector<1024x64xf32>
    %sub3A_74 = vector.broadcast %div3A_72 : vector<1024x1xf32> to vector<1024x64xf32>
    %sub3A_75 = arith.subf %add3A_69, %sub3A_74 : vector<1024x64xf32>
    %mul3A = arith.mulf %sub3A_73, %sub3A_75 : vector<1024x64xf32>
    %reduce_sum3A_76 = arith.constant dense<0.000000e+00> : vector<1024xf32>
    %reduce_sum3A_77 = vector.multi_reduction <add>, %mul3A, %reduce_sum3A_76 [1] : vector<1024x64xf32> to vector<1024xf32>
    %broadcast_in_dim3A_78 = vector.shape_cast %reduce_sum3A_77 : vector<1024xf32> to vector<1024x1xf32>
    %div3A_79 = arith.constant 6.400000e+01 : f32
    %div3A_80 = vector.broadcast %div3A_79 : f32 to vector<1024x1xf32>
    %div3A_81 = arith.divf %broadcast_in_dim3A_78, %div3A_80 : vector<1024x1xf32>
    %sub3A_82 = vector.broadcast %div3A_72 : vector<1024x1xf32> to vector<1024x64xf32>
    %sub3A_83 = arith.subf %add3A_69, %sub3A_82 : vector<1024x64xf32>
    %add3A_84 = arith.constant 9.99999974E-6 : f32
    %add3A_85 = vector.broadcast %add3A_84 : f32 to vector<1024x1xf32>
    %add3A_86 = arith.addf %div3A_81, %add3A_85 : vector<1024x1xf32>
    %rsqrt3A = math.rsqrt %add3A_86 : vector<1024x1xf32>
    %mul3A_87 = vector.broadcast %rsqrt3A : vector<1024x1xf32> to vector<1024x64xf32>
    %mul3A_88 = arith.mulf %sub3A_83, %mul3A_87 : vector<1024x64xf32>
    %mul3A_89 = vector.broadcast %get3A_19 : vector<1x64xf32> to vector<1024x64xf32>
    %mul3A_90 = arith.mulf %mul3A_88, %mul3A_89 : vector<1024x64xf32>
    %add3A_91 = vector.broadcast %get3A_10 : vector<1x64xf32> to vector<1024x64xf32>
    %add3A_92 = arith.addf %mul3A_90, %add3A_91 : vector<1024x64xf32>
    %max3A = arith.constant 0.000000e+00 : f32
    %max3A_93 = vector.broadcast %max3A : f32 to vector<1024x64xf32>
    %max3A_94 = arith.maximumf %add3A_92, %max3A_93 : vector<1024x64xf32>
    %dot_general3A_95 = arith.constant dense<0.000000e+00> : vector<1024x64xf32>
    %dot_general3A_96 = tpu.matmul %max3A_94, %get3A_31, %dot_general3A_95 {dimension_numbers = #tpu.dot_dimension_numbers<[1], [0], [0], [1], [0, 0, 1, 1], [], []>, transpose_lhs_hint = false} : vector<1024x64xf32>, vector<64x64xf32>, vector<1024x64xf32> -> vector<1024x64xf32>
    %add3A_97 = vector.broadcast %get3A_4 : vector<1x64xf32> to vector<1024x64xf32>
    %add3A_98 = arith.addf %dot_general3A_96, %add3A_97 : vector<1024x64xf32>
    %reduce_sum3A_99 = arith.constant dense<0.000000e+00> : vector<1024xf32>
    %reduce_sum3A_100 = vector.multi_reduction <add>, %add3A_98, %reduce_sum3A_99 [1] : vector<1024x64xf32> to vector<1024xf32>
    %broadcast_in_dim3A_101 = vector.shape_cast %reduce_sum3A_100 : vector<1024xf32> to vector<1024x1xf32>
    %div3A_102 = arith.constant 6.400000e+01 : f32
    %div3A_103 = vector.broadcast %div3A_102 : f32 to vector<1024x1xf32>
    %div3A_104 = arith.divf %broadcast_in_dim3A_101, %div3A_103 : vector<1024x1xf32>
    %sub3A_105 = vector.broadcast %div3A_104 : vector<1024x1xf32> to vector<1024x64xf32>
    %sub3A_106 = arith.subf %add3A_98, %sub3A_105 : vector<1024x64xf32>
    %sub3A_107 = vector.broadcast %div3A_104 : vector<1024x1xf32> to vector<1024x64xf32>
    %sub3A_108 = arith.subf %add3A_98, %sub3A_107 : vector<1024x64xf32>
    %mul3A_109 = arith.mulf %sub3A_106, %sub3A_108 : vector<1024x64xf32>
    %reduce_sum3A_110 = arith.constant dense<0.000000e+00> : vector<1024xf32>
    %reduce_sum3A_111 = vector.multi_reduction <add>, %mul3A_109, %reduce_sum3A_110 [1] : vector<1024x64xf32> to vector<1024xf32>
    %broadcast_in_dim3A_112 = vector.shape_cast %reduce_sum3A_111 : vector<1024xf32> to vector<1024x1xf32>
    %div3A_113 = arith.constant 6.400000e+01 : f32
    %div3A_114 = vector.broadcast %div3A_113 : f32 to vector<1024x1xf32>
    %div3A_115 = arith.divf %broadcast_in_dim3A_112, %div3A_114 : vector<1024x1xf32>
    %sub3A_116 = vector.broadcast %div3A_104 : vector<1024x1xf32> to vector<1024x64xf32>
    %sub3A_117 = arith.subf %add3A_98, %sub3A_116 : vector<1024x64xf32>
    %add3A_118 = arith.constant 9.99999974E-6 : f32
    %add3A_119 = vector.broadcast %add3A_118 : f32 to vector<1024x1xf32>
    %add3A_120 = arith.addf %div3A_115, %add3A_119 : vector<1024x1xf32>
    %rsqrt3A_121 = math.rsqrt %add3A_120 : vector<1024x1xf32>
    %mul3A_122 = vector.broadcast %rsqrt3A_121 : vector<1024x1xf32> to vector<1024x64xf32>
    %mul3A_123 = arith.mulf %sub3A_117, %mul3A_122 : vector<1024x64xf32>
    %mul3A_124 = vector.broadcast %get3A_22 : vector<1x64xf32> to vector<1024x64xf32>
    %mul3A_125 = arith.mulf %mul3A_123, %mul3A_124 : vector<1024x64xf32>
    %add3A_126 = vector.broadcast %get3A_13 : vector<1x64xf32> to vector<1024x64xf32>
    %add3A_127 = arith.addf %mul3A_125, %add3A_126 : vector<1024x64xf32>
    %max3A_128 = arith.constant 0.000000e+00 : f32
    %max3A_129 = vector.broadcast %max3A_128 : f32 to vector<1024x64xf32>
    %max3A_130 = arith.maximumf %add3A_127, %max3A_129 : vector<1024x64xf32>
    %dot_general3A_131 = arith.constant dense<0.000000e+00> : vector<1024x64xf32>
    %dot_general3A_132 = tpu.matmul %max3A_130, %get3A_34, %dot_general3A_131 {dimension_numbers = #tpu.dot_dimension_numbers<[1], [0], [0], [1], [0, 0, 1, 1], [], []>, transpose_lhs_hint = false} : vector<1024x64xf32>, vector<64x64xf32>, vector<1024x64xf32> -> vector<1024x64xf32>
    %add3A_133 = vector.broadcast %get3A_7 : vector<1x64xf32> to vector<1024x64xf32>
    %add3A_134 = arith.addf %dot_general3A_132, %add3A_133 : vector<1024x64xf32>
    %reduce_sum3A_135 = arith.constant dense<0.000000e+00> : vector<1024xf32>
    %reduce_sum3A_136 = vector.multi_reduction <add>, %add3A_134, %reduce_sum3A_135 [1] : vector<1024x64xf32> to vector<1024xf32>
    %broadcast_in_dim3A_137 = vector.shape_cast %reduce_sum3A_136 : vector<1024xf32> to vector<1024x1xf32>
    %div3A_138 = arith.constant 6.400000e+01 : f32
    %div3A_139 = vector.broadcast %div3A_138 : f32 to vector<1024x1xf32>
    %div3A_140 = arith.divf %broadcast_in_dim3A_137, %div3A_139 : vector<1024x1xf32>
    %sub3A_141 = vector.broadcast %div3A_140 : vector<1024x1xf32> to vector<1024x64xf32>
    %sub3A_142 = arith.subf %add3A_134, %sub3A_141 : vector<1024x64xf32>
    %sub3A_143 = vector.broadcast %div3A_140 : vector<1024x1xf32> to vector<1024x64xf32>
    %sub3A_144 = arith.subf %add3A_134, %sub3A_143 : vector<1024x64xf32>
    %mul3A_145 = arith.mulf %sub3A_142, %sub3A_144 : vector<1024x64xf32>
    %reduce_sum3A_146 = arith.constant dense<0.000000e+00> : vector<1024xf32>
    %reduce_sum3A_147 = vector.multi_reduction <add>, %mul3A_145, %reduce_sum3A_146 [1] : vector<1024x64xf32> to vector<1024xf32>
    %broadcast_in_dim3A_148 = vector.shape_cast %reduce_sum3A_147 : vector<1024xf32> to vector<1024x1xf32>
    %div3A_149 = arith.constant 6.400000e+01 : f32
    %div3A_150 = vector.broadcast %div3A_149 : f32 to vector<1024x1xf32>
    %div3A_151 = arith.divf %broadcast_in_dim3A_148, %div3A_150 : vector<1024x1xf32>
    %sub3A_152 = vector.broadcast %div3A_140 : vector<1024x1xf32> to vector<1024x64xf32>
    %sub3A_153 = arith.subf %add3A_134, %sub3A_152 : vector<1024x64xf32>
    %add3A_154 = arith.constant 9.99999974E-6 : f32
    %add3A_155 = vector.broadcast %add3A_154 : f32 to vector<1024x1xf32>
    %add3A_156 = arith.addf %div3A_151, %add3A_155 : vector<1024x1xf32>
    %rsqrt3A_157 = math.rsqrt %add3A_156 : vector<1024x1xf32>
    %mul3A_158 = vector.broadcast %rsqrt3A_157 : vector<1024x1xf32> to vector<1024x64xf32>
    %mul3A_159 = arith.mulf %sub3A_153, %mul3A_158 : vector<1024x64xf32>
    %mul3A_160 = vector.broadcast %get3A_25 : vector<1x64xf32> to vector<1024x64xf32>
    %mul3A_161 = arith.mulf %mul3A_159, %mul3A_160 : vector<1024x64xf32>
    %add3A_162 = vector.broadcast %get3A_16 : vector<1x64xf32> to vector<1024x64xf32>
    %add3A_163 = arith.addf %mul3A_161, %add3A_162 : vector<1024x64xf32>
    %reduce_sum3A_164 = arith.constant dense<0.000000e+00> : vector<1024xf32>
    %reduce_sum3A_165 = vector.multi_reduction <add>, %add3A_163, %reduce_sum3A_164 [1] : vector<1024x64xf32> to vector<1024xf32>
    %broadcast_in_dim3A_166 = vector.shape_cast %reduce_sum3A_165 : vector<1024xf32> to vector<1024x1xf32>
    %div3A_167 = arith.constant 6.400000e+01 : f32
    %div3A_168 = vector.broadcast %div3A_167 : f32 to vector<1024x1xf32>
    %div3A_169 = arith.divf %broadcast_in_dim3A_166, %div3A_168 : vector<1024x1xf32>
    %sub3A_170 = vector.broadcast %div3A_169 : vector<1024x1xf32> to vector<1024x64xf32>
    %sub3A_171 = arith.subf %add3A_163, %sub3A_170 : vector<1024x64xf32>
    %sub3A_172 = vector.broadcast %div3A_169 : vector<1024x1xf32> to vector<1024x64xf32>
    %sub3A_173 = arith.subf %add3A_163, %sub3A_172 : vector<1024x64xf32>
    %mul3A_174 = arith.mulf %sub3A_171, %sub3A_173 : vector<1024x64xf32>
    %reduce_sum3A_175 = arith.constant dense<0.000000e+00> : vector<1024xf32>
    %reduce_sum3A_176 = vector.multi_reduction <add>, %mul3A_174, %reduce_sum3A_175 [1] : vector<1024x64xf32> to vector<1024xf32>
    %broadcast_in_dim3A_177 = vector.shape_cast %reduce_sum3A_176 : vector<1024xf32> to vector<1024x1xf32>
    %div3A_178 = arith.constant 6.400000e+01 : f32
    %div3A_179 = vector.broadcast %div3A_178 : f32 to vector<1024x1xf32>
    %div3A_180 = arith.divf %broadcast_in_dim3A_177, %div3A_179 : vector<1024x1xf32>
    %sub3A_181 = vector.broadcast %div3A_169 : vector<1024x1xf32> to vector<1024x64xf32>
    %sub3A_182 = arith.subf %add3A_163, %sub3A_181 : vector<1024x64xf32>
    %add3A_183 = arith.constant 9.99999974E-6 : f32
    %add3A_184 = vector.broadcast %add3A_183 : f32 to vector<1024x1xf32>
    %add3A_185 = arith.addf %div3A_180, %add3A_184 : vector<1024x1xf32>
    %rsqrt3A_186 = math.rsqrt %add3A_185 : vector<1024x1xf32>
    %mul3A_187 = vector.broadcast %rsqrt3A_186 : vector<1024x1xf32> to vector<1024x64xf32>
    %mul3A_188 = arith.mulf %sub3A_182, %mul3A_187 : vector<1024x64xf32>
    %mul3A_189 = vector.broadcast %get3A_40 : vector<1x64xf32> to vector<1024x64xf32>
    %mul3A_190 = arith.mulf %mul3A_188, %mul3A_189 : vector<1024x64xf32>
    %add3A_191 = vector.broadcast %get3A_37 : vector<1x64xf32> to vector<1024x64xf32>
    %add3A_192 = arith.addf %mul3A_190, %add3A_191 : vector<1024x64xf32>
    %dot_general3A_193 = arith.constant dense<0.000000e+00> : vector<1024x64xf32>
    %dot_general3A_194 = tpu.matmul %get3A_67, %get3A_55, %dot_general3A_193 {dimension_numbers = #tpu.dot_dimension_numbers<[1], [0], [0], [1], [0, 0, 1, 1], [], []>, transpose_lhs_hint = false} : vector<1024x128xf32>, vector<128x64xf32>, vector<1024x64xf32> -> vector<1024x64xf32>
    %add3A_195 = vector.broadcast %get3A_43 : vector<1x64xf32> to vector<1024x64xf32>
    %add3A_196 = arith.addf %dot_general3A_194, %add3A_195 : vector<1024x64xf32>
    %reduce_sum3A_197 = arith.constant dense<0.000000e+00> : vector<1024xf32>
    %reduce_sum3A_198 = vector.multi_reduction <add>, %add3A_196, %reduce_sum3A_197 [1] : vector<1024x64xf32> to vector<1024xf32>
    %broadcast_in_dim3A_199 = vector.shape_cast %reduce_sum3A_198 : vector<1024xf32> to vector<1024x1xf32>
    %div3A_200 = arith.constant 6.400000e+01 : f32
    %div3A_201 = vector.broadcast %div3A_200 : f32 to vector<1024x1xf32>
    %div3A_202 = arith.divf %broadcast_in_dim3A_199, %div3A_201 : vector<1024x1xf32>
    %sub3A_203 = vector.broadcast %div3A_202 : vector<1024x1xf32> to vector<1024x64xf32>
    %sub3A_204 = arith.subf %add3A_196, %sub3A_203 : vector<1024x64xf32>
    %sub3A_205 = vector.broadcast %div3A_202 : vector<1024x1xf32> to vector<1024x64xf32>
    %sub3A_206 = arith.subf %add3A_196, %sub3A_205 : vector<1024x64xf32>
    %mul3A_207 = arith.mulf %sub3A_204, %sub3A_206 : vector<1024x64xf32>
    %reduce_sum3A_208 = arith.constant dense<0.000000e+00> : vector<1024xf32>
    %reduce_sum3A_209 = vector.multi_reduction <add>, %mul3A_207, %reduce_sum3A_208 [1] : vector<1024x64xf32> to vector<1024xf32>
    %broadcast_in_dim3A_210 = vector.shape_cast %reduce_sum3A_209 : vector<1024xf32> to vector<1024x1xf32>
    %div3A_211 = arith.constant 6.400000e+01 : f32
    %div3A_212 = vector.broadcast %div3A_211 : f32 to vector<1024x1xf32>
    %div3A_213 = arith.divf %broadcast_in_dim3A_210, %div3A_212 : vector<1024x1xf32>
    %sub3A_214 = vector.broadcast %div3A_202 : vector<1024x1xf32> to vector<1024x64xf32>
    %sub3A_215 = arith.subf %add3A_196, %sub3A_214 : vector<1024x64xf32>
    %add3A_216 = arith.constant 9.99999974E-6 : f32
    %add3A_217 = vector.broadcast %add3A_216 : f32 to vector<1024x1xf32>
    %add3A_218 = arith.addf %div3A_213, %add3A_217 : vector<1024x1xf32>
    %rsqrt3A_219 = math.rsqrt %add3A_218 : vector<1024x1xf32>
    %mul3A_220 = vector.broadcast %rsqrt3A_219 : vector<1024x1xf32> to vector<1024x64xf32>
    %mul3A_221 = arith.mulf %sub3A_215, %mul3A_220 : vector<1024x64xf32>
    %mul3A_222 = vector.broadcast %get3A_52 : vector<1x64xf32> to vector<1024x64xf32>
    %mul3A_223 = arith.mulf %mul3A_221, %mul3A_222 : vector<1024x64xf32>
    %add3A_224 = vector.broadcast %get3A_49 : vector<1x64xf32> to vector<1024x64xf32>
    %add3A_225 = arith.addf %mul3A_223, %add3A_224 : vector<1024x64xf32>
    %max3A_226 = arith.constant 0.000000e+00 : f32
    %max3A_227 = vector.broadcast %max3A_226 : f32 to vector<1024x64xf32>
    %max3A_228 = arith.maximumf %add3A_225, %max3A_227 : vector<1024x64xf32>
    %dot_general3A_229 = arith.constant dense<0.000000e+00> : vector<1024x64xf32>
    %dot_general3A_230 = tpu.matmul %max3A_228, %get3A_58, %dot_general3A_229 {dimension_numbers = #tpu.dot_dimension_numbers<[1], [0], [0], [1], [0, 0, 1, 1], [], []>, transpose_lhs_hint = false} : vector<1024x64xf32>, vector<64x64xf32>, vector<1024x64xf32> -> vector<1024x64xf32>
    %add3A_231 = vector.broadcast %get3A_46 : vector<1x64xf32> to vector<1024x64xf32>
    %add3A_232 = arith.addf %dot_general3A_230, %add3A_231 : vector<1024x64xf32>
    %dot_general3A_233 = arith.constant dense<0.000000e+00> : vector<1024x64xf32>
    %dot_general3A_234 = tpu.matmul %add3A_192, %get3A_64, %dot_general3A_233 {dimension_numbers = #tpu.dot_dimension_numbers<[1], [0], [0], [1], [0, 0, 1, 1], [], []>, transpose_lhs_hint = false} : vector<1024x64xf32>, vector<64x64xf32>, vector<1024x64xf32> -> vector<1024x64xf32>
    %add3A_235 = vector.broadcast %get3A_61 : vector<1x64xf32> to vector<1024x64xf32>
    %add3A_236 = arith.addf %dot_general3A_234, %add3A_235 : vector<1024x64xf32>
    %swap3A = arith.constant 0 : index
    %swap3A_237 = arith.constant 0 : index
    %swap3A_238 = vector.load %arg24[%swap3A, %swap3A_237] : memref<1024x64xf32, #tpu.memory_space<vmem>>, vector<1024x64xf32>
    tpu.vector_store %arg24[%swap3A, %swap3A_237], %add3A_163 {strides = array<i32>} : memref<1024x64xf32, #tpu.memory_space<vmem>>, vector<1024x64xf32>,
    %swap3A_239 = arith.constant 0 : index
    %swap3A_240 = arith.constant 0 : index
    %swap3A_241 = vector.load %arg25[%swap3A_239, %swap3A_240] : memref<1024x64xf32, #tpu.memory_space<vmem>>, vector<1024x64xf32>
    tpu.vector_store %arg25[%swap3A_239, %swap3A_240], %add3A_192 {strides = array<i32>} : memref<1024x64xf32, #tpu.memory_space<vmem>>, vector<1024x64xf32>,
    %concatenate3A = tpu.concatenate %add3A_232, %add3A_236 in 1 : vector<1024x64xf32>, vector<1024x64xf32> -> vector<1024x128xf32>
    %swap3A_242 = arith.constant 0 : index
    %swap3A_243 = arith.constant 0 : index
    %swap3A_244 = vector.load %arg26[%swap3A_242, %swap3A_243] : memref<1024x128xf32, #tpu.memory_space<vmem>>, vector<1024x128xf32>
    tpu.vector_store %arg26[%swap3A_242, %swap3A_243], %concatenate3A {strides = array<i32>} : memref<1024x128xf32, #tpu.memory_space<vmem>>, vector<1024x128xf32>,
    return
  }
  func.func @transform_0(%arg0: i32) -> (i32, i32) {
    %c0_i32 = arith.constant 0 : i32
    %c0_i32_0 = arith.constant 0 : i32
    return %arg0, %c0_i32 : i32, i32
  }
  func.func @transform_1(%arg0: i32) -> (i32, i32) {
    %c0_i32 = arith.constant 0 : i32
    %c0_i32_0 = arith.constant 0 : i32
    %c0_i32_1 = arith.constant 0 : i32
    return %c0_i32, %c0_i32_0 : i32, i32
  }
  func.func @transform_2(%arg0: i32) -> (i32, i32) {
    %c0_i32 = arith.constant 0 : i32
    %c0_i32_0 = arith.constant 0 : i32
    %c0_i32_1 = arith.constant 0 : i32
    return %c0_i32, %c0_i32_0 : i32, i32
  }
  func.func @transform_3(%arg0: i32) -> (i32, i32) {
    %c0_i32 = arith.constant 0 : i32
    %c0_i32_0 = arith.constant 0 : i32
    %c0_i32_1 = arith.constant 0 : i32
    return %c0_i32, %c0_i32_0 : i32, i32
  }
  func.func @transform_4(%arg0: i32) -> (i32, i32) {
    %c0_i32 = arith.constant 0 : i32
    %c0_i32_0 = arith.constant 0 : i32
    %c0_i32_1 = arith.constant 0 : i32
    return %c0_i32, %c0_i32_0 : i32, i32
  }
  func.func @transform_5(%arg0: i32) -> (i32, i32) {
    %c0_i32 = arith.constant 0 : i32
    %c0_i32_0 = arith.constant 0 : i32
    %c0_i32_1 = arith.constant 0 : i32
    return %c0_i32, %c0_i32_0 : i32, i32
  }
  func.func @transform_6(%arg0: i32) -> (i32, i32) {
    %c0_i32 = arith.constant 0 : i32
    %c0_i32_0 = arith.constant 0 : i32
    %c0_i32_1 = arith.constant 0 : i32
    return %c0_i32, %c0_i32_0 : i32, i32
  }
  func.func @transform_7(%arg0: i32) -> (i32, i32) {
    %c0_i32 = arith.constant 0 : i32
    %c0_i32_0 = arith.constant 0 : i32
    %c0_i32_1 = arith.constant 0 : i32
    return %c0_i32, %c0_i32_0 : i32, i32
  }
  func.func @transform_8(%arg0: i32) -> (i32, i32) {
    %c0_i32 = arith.constant 0 : i32
    %c0_i32_0 = arith.constant 0 : i32
    %c0_i32_1 = arith.constant 0 : i32
    return %c0_i32, %c0_i32_0 : i32, i32
  }
  func.func @transform_9(%arg0: i32) -> (i32, i32) {
    %c0_i32 = arith.constant 0 : i32
    %c0_i32_0 = arith.constant 0 : i32
    %c0_i32_1 = arith.constant 0 : i32
    return %c0_i32, %c0_i32_0 : i32, i32
  }
  func.func @transform_10(%arg0: i32) -> (i32, i32) {
    %c0_i32 = arith.constant 0 : i32
    %c0_i32_0 = arith.constant 0 : i32
    %c0_i32_1 = arith.constant 0 : i32
    return %c0_i32, %c0_i32_0 : i32, i32
  }
  func.func @transform_11(%arg0: i32) -> (i32, i32) {
    %c0_i32 = arith.constant 0 : i32
    %c0_i32_0 = arith.constant 0 : i32
    %c0_i32_1 = arith.constant 0 : i32
    return %c0_i32, %c0_i32_0 : i32, i32
  }
  func.func @transform_12(%arg0: i32) -> (i32, i32) {
    %c0_i32 = arith.constant 0 : i32
    %c0_i32_0 = arith.constant 0 : i32
    %c0_i32_1 = arith.constant 0 : i32
    return %c0_i32, %c0_i32_0 : i32, i32
  }
  func.func @transform_13(%arg0: i32) -> (i32, i32) {
    %c0_i32 = arith.constant 0 : i32
    %c0_i32_0 = arith.constant 0 : i32
    %c0_i32_1 = arith.constant 0 : i32
    return %c0_i32, %c0_i32_0 : i32, i32
  }
  func.func @transform_14(%arg0: i32) -> (i32, i32) {
    %c0_i32 = arith.constant 0 : i32
    %c0_i32_0 = arith.constant 0 : i32
    %c0_i32_1 = arith.constant 0 : i32
    return %c0_i32, %c0_i32_0 : i32, i32
  }
  func.func @transform_15(%arg0: i32) -> (i32, i32) {
    %c0_i32 = arith.constant 0 : i32
    %c0_i32_0 = arith.constant 0 : i32
    %c0_i32_1 = arith.constant 0 : i32
    return %c0_i32, %c0_i32_0 : i32, i32
  }
  func.func @transform_16(%arg0: i32) -> (i32, i32) {
    %c0_i32 = arith.constant 0 : i32
    %c0_i32_0 = arith.constant 0 : i32
    %c0_i32_1 = arith.constant 0 : i32
    return %c0_i32, %c0_i32_0 : i32, i32
  }
  func.func @transform_17(%arg0: i32) -> (i32, i32) {
    %c0_i32 = arith.constant 0 : i32
    %c0_i32_0 = arith.constant 0 : i32
    %c0_i32_1 = arith.constant 0 : i32
    return %c0_i32, %c0_i32_0 : i32, i32
  }
  func.func @transform_18(%arg0: i32) -> (i32, i32) {
    %c0_i32 = arith.constant 0 : i32
    %c0_i32_0 = arith.constant 0 : i32
    %c0_i32_1 = arith.constant 0 : i32
    return %c0_i32, %c0_i32_0 : i32, i32
  }
  func.func @transform_19(%arg0: i32) -> (i32, i32) {
    %c0_i32 = arith.constant 0 : i32
    %c0_i32_0 = arith.constant 0 : i32
    %c0_i32_1 = arith.constant 0 : i32
    return %c0_i32, %c0_i32_0 : i32, i32
  }
  func.func @transform_20(%arg0: i32) -> (i32, i32) {
    %c0_i32 = arith.constant 0 : i32
    %c0_i32_0 = arith.constant 0 : i32
    %c0_i32_1 = arith.constant 0 : i32
    return %c0_i32, %c0_i32_0 : i32, i32
  }
  func.func @transform_21(%arg0: i32) -> (i32, i32) {
    %c0_i32 = arith.constant 0 : i32
    %c0_i32_0 = arith.constant 0 : i32
    %c0_i32_1 = arith.constant 0 : i32
    return %c0_i32, %c0_i32_0 : i32, i32
  }
  func.func @transform_22(%arg0: i32) -> (i32, i32) {
    %c0_i32 = arith.constant 0 : i32
    %c0_i32_0 = arith.constant 0 : i32
    %c0_i32_1 = arith.constant 0 : i32
    return %c0_i32, %c0_i32_0 : i32, i32
  }
  func.func @transform_23(%arg0: i32) -> (i32, i32) {
    %c0_i32 = arith.constant 0 : i32
    %c0_i32_0 = arith.constant 0 : i32
    return %arg0, %c0_i32 : i32, i32
  }
  func.func @transform_24(%arg0: i32) -> (i32, i32) {
    %c0_i32 = arith.constant 0 : i32
    %c0_i32_0 = arith.constant 0 : i32
    return %arg0, %c0_i32 : i32, i32
  }
  func.func @transform_25(%arg0: i32) -> (i32, i32) {
    %c0_i32 = arith.constant 0 : i32
    %c0_i32_0 = arith.constant 0 : i32
    return %arg0, %c0_i32 : i32, i32
  }
}

module attributes {stable_mosaic.version = 14 : i64} {
  func.func @_edge_kernel(%arg0: i32, %arg1: memref<6400x128xf32, #tpu.memory_space<vmem>>, %arg2: memref<6400x128xf32, #tpu.memory_space<vmem>>, %arg3: memref<6400x16xf32, #tpu.memory_space<vmem>>, %arg4: memref<8x8xf32, #tpu.memory_space<vmem>>, %arg5: memref<1x64xf32, #tpu.memory_space<vmem>>, %arg6: memref<64x64xf32, #tpu.memory_space<vmem>>, %arg7: memref<1x64xf32, #tpu.memory_space<vmem>>, %arg8: memref<1x64xf32, #tpu.memory_space<vmem>>, %arg9: memref<1x64xf32, #tpu.memory_space<vmem>>, %arg10: memref<1x64xf32, #tpu.memory_space<vmem>>, %arg11: memref<1x64xf32, #tpu.memory_space<vmem>>, %arg12: memref<64x64xf32, #tpu.memory_space<vmem>>, %arg13: memref<1x64xf32, #tpu.memory_space<vmem>>, %arg14: memref<1x64xf32, #tpu.memory_space<vmem>>, %arg15: memref<1x64xf32, #tpu.memory_space<vmem>>, %arg16: memref<1x64xf32, #tpu.memory_space<vmem>>, %arg17: memref<16x64xf32, #tpu.memory_space<vmem>>, %arg18: memref<64x64xf32, #tpu.memory_space<vmem>>, %arg19: memref<64x8xf32, #tpu.memory_space<vmem>>, %arg20: memref<1x64xf32, #tpu.memory_space<vmem>>, %arg21: memref<64x64xf32, #tpu.memory_space<vmem>>, %arg22: memref<6400x80xf32, #tpu.memory_space<vmem>>, %arg23: memref<8x128xf32, #tpu.memory_space<vmem>>) attributes {dimension_semantics = [#tpu.dimension_semantics<arbitrary>], iteration_bounds = array<i64: 50>, scalar_prefetch = 0 : i64, scratch_operands = 0 : i64, tpu.core_type = #tpu.core_type<tc>, window_params = [{transform_indices = @transform_0, window_bounds = array<i64: 6400, 128>}, {transform_indices = @transform_1, window_bounds = array<i64: 6400, 128>}, {transform_indices = @transform_2, window_bounds = array<i64: 6400, 16>}, {pipeline_mode = #tpu.pipeline_mode<synchronous>, transform_indices = @transform_3, window_bounds = array<i64: 8, 8>}, {pipeline_mode = #tpu.pipeline_mode<synchronous>, transform_indices = @transform_4, window_bounds = array<i64: 1, 64>}, {pipeline_mode = #tpu.pipeline_mode<synchronous>, transform_indices = @transform_5, window_bounds = array<i64: 64, 64>}, {pipeline_mode = #tpu.pipeline_mode<synchronous>, transform_indices = @transform_6, window_bounds = array<i64: 1, 64>}, {pipeline_mode = #tpu.pipeline_mode<synchronous>, transform_indices = @transform_7, window_bounds = array<i64: 1, 64>}, {pipeline_mode = #tpu.pipeline_mode<synchronous>, transform_indices = @transform_8, window_bounds = array<i64: 1, 64>}, {pipeline_mode = #tpu.pipeline_mode<synchronous>, transform_indices = @transform_9, window_bounds = array<i64: 1, 64>}, {pipeline_mode = #tpu.pipeline_mode<synchronous>, transform_indices = @transform_10, window_bounds = array<i64: 1, 64>}, {pipeline_mode = #tpu.pipeline_mode<synchronous>, transform_indices = @transform_11, window_bounds = array<i64: 64, 64>}, {pipeline_mode = #tpu.pipeline_mode<synchronous>, transform_indices = @transform_12, window_bounds = array<i64: 1, 64>}, {pipeline_mode = #tpu.pipeline_mode<synchronous>, transform_indices = @transform_13, window_bounds = array<i64: 1, 64>}, {pipeline_mode = #tpu.pipeline_mode<synchronous>, transform_indices = @transform_14, window_bounds = array<i64: 1, 64>}, {pipeline_mode = #tpu.pipeline_mode<synchronous>, transform_indices = @transform_15, window_bounds = array<i64: 1, 64>}, {pipeline_mode = #tpu.pipeline_mode<synchronous>, transform_indices = @transform_16, window_bounds = array<i64: 16, 64>}, {pipeline_mode = #tpu.pipeline_mode<synchronous>, transform_indices = @transform_17, window_bounds = array<i64: 64, 64>}, {pipeline_mode = #tpu.pipeline_mode<synchronous>, transform_indices = @transform_18, window_bounds = array<i64: 64, 8>}, {pipeline_mode = #tpu.pipeline_mode<synchronous>, transform_indices = @transform_19, window_bounds = array<i64: 1, 64>}, {pipeline_mode = #tpu.pipeline_mode<synchronous>, transform_indices = @transform_20, window_bounds = array<i64: 64, 64>}, {transform_indices = @transform_21, window_bounds = array<i64: 6400, 80>}, {pipeline_mode = #tpu.pipeline_mode<synchronous>, transform_indices = @transform_22, window_bounds = array<i64: 8, 128>}]} {
    %get3A = arith.constant 0 : index
    %get3A_0 = arith.constant 0 : index
    %get3A_1 = vector.load %arg4[%get3A, %get3A_0] : memref<8x8xf32, #tpu.memory_space<vmem>>, vector<8x8xf32>
    %get3A_2 = arith.constant 0 : index
    %get3A_3 = arith.constant 0 : index
    %get3A_4 = vector.load %arg5[%get3A_2, %get3A_3] : memref<1x64xf32, #tpu.memory_space<vmem>>, vector<1x64xf32>
    %get3A_5 = arith.constant 0 : index
    %get3A_6 = arith.constant 0 : index
    %get3A_7 = vector.load %arg6[%get3A_5, %get3A_6] : memref<64x64xf32, #tpu.memory_space<vmem>>, vector<64x64xf32>
    %get3A_8 = arith.constant 0 : index
    %get3A_9 = arith.constant 0 : index
    %get3A_10 = vector.load %arg7[%get3A_8, %get3A_9] : memref<1x64xf32, #tpu.memory_space<vmem>>, vector<1x64xf32>
    %get3A_11 = arith.constant 0 : index
    %get3A_12 = arith.constant 0 : index
    %get3A_13 = vector.load %arg8[%get3A_11, %get3A_12] : memref<1x64xf32, #tpu.memory_space<vmem>>, vector<1x64xf32>
    %get3A_14 = arith.constant 0 : index
    %get3A_15 = arith.constant 0 : index
    %get3A_16 = vector.load %arg9[%get3A_14, %get3A_15] : memref<1x64xf32, #tpu.memory_space<vmem>>, vector<1x64xf32>
    %get3A_17 = arith.constant 0 : index
    %get3A_18 = arith.constant 0 : index
    %get3A_19 = vector.load %arg10[%get3A_17, %get3A_18] : memref<1x64xf32, #tpu.memory_space<vmem>>, vector<1x64xf32>
    %get3A_20 = arith.constant 0 : index
    %get3A_21 = arith.constant 0 : index
    %get3A_22 = vector.load %arg11[%get3A_20, %get3A_21] : memref<1x64xf32, #tpu.memory_space<vmem>>, vector<1x64xf32>
    %get3A_23 = arith.constant 0 : index
    %get3A_24 = arith.constant 0 : index
    %get3A_25 = vector.load %arg12[%get3A_23, %get3A_24] : memref<64x64xf32, #tpu.memory_space<vmem>>, vector<64x64xf32>
    %get3A_26 = arith.constant 0 : index
    %get3A_27 = arith.constant 0 : index
    %get3A_28 = vector.load %arg13[%get3A_26, %get3A_27] : memref<1x64xf32, #tpu.memory_space<vmem>>, vector<1x64xf32>
    %get3A_29 = arith.constant 0 : index
    %get3A_30 = arith.constant 0 : index
    %get3A_31 = vector.load %arg14[%get3A_29, %get3A_30] : memref<1x64xf32, #tpu.memory_space<vmem>>, vector<1x64xf32>
    %get3A_32 = arith.constant 0 : index
    %get3A_33 = arith.constant 0 : index
    %get3A_34 = vector.load %arg15[%get3A_32, %get3A_33] : memref<1x64xf32, #tpu.memory_space<vmem>>, vector<1x64xf32>
    %get3A_35 = arith.constant 0 : index
    %get3A_36 = arith.constant 0 : index
    %get3A_37 = vector.load %arg16[%get3A_35, %get3A_36] : memref<1x64xf32, #tpu.memory_space<vmem>>, vector<1x64xf32>
    %get3A_38 = arith.constant 0 : index
    %get3A_39 = arith.constant 0 : index
    %get3A_40 = vector.load %arg17[%get3A_38, %get3A_39] : memref<16x64xf32, #tpu.memory_space<vmem>>, vector<16x64xf32>
    %get3A_41 = arith.constant 0 : index
    %get3A_42 = arith.constant 0 : index
    %get3A_43 = vector.load %arg18[%get3A_41, %get3A_42] : memref<64x64xf32, #tpu.memory_space<vmem>>, vector<64x64xf32>
    %get3A_44 = arith.constant 0 : index
    %get3A_45 = arith.constant 0 : index
    %get3A_46 = vector.load %arg19[%get3A_44, %get3A_45] : memref<64x8xf32, #tpu.memory_space<vmem>>, vector<64x8xf32>
    %get3A_47 = arith.constant 0 : index
    %get3A_48 = arith.constant 0 : index
    %get3A_49 = vector.load %arg20[%get3A_47, %get3A_48] : memref<1x64xf32, #tpu.memory_space<vmem>>, vector<1x64xf32>
    %get3A_50 = arith.constant 0 : index
    %get3A_51 = arith.constant 0 : index
    %get3A_52 = vector.load %arg21[%get3A_50, %get3A_51] : memref<64x64xf32, #tpu.memory_space<vmem>>, vector<64x64xf32>
    %get3A_53 = arith.constant 0 : index
    %get3A_54 = arith.constant 0 : index
    %get3A_55 = vector.load %arg3[%get3A_53, %get3A_54] : memref<6400x16xf32, #tpu.memory_space<vmem>>, vector<6400x16xf32>
    %dot_general3A = arith.constant dense<0.000000e+00> : vector<6400x64xf32>
    %dot_general3A_56 = tpu.matmul %get3A_55, %get3A_40, %dot_general3A {dimension_numbers = #tpu.dot_dimension_numbers<[1], [0], [0], [1], [0, 0, 1, 1], [], []>, transpose_lhs_hint = false} : vector<6400x16xf32>, vector<16x64xf32>, vector<6400x64xf32> -> vector<6400x64xf32>
    %add3A = vector.broadcast %get3A_28 : vector<1x64xf32> to vector<6400x64xf32>
    %add3A_57 = arith.addf %dot_general3A_56, %add3A : vector<6400x64xf32>
    %reduce_sum3A = arith.constant dense<0.000000e+00> : vector<6400xf32>
    %reduce_sum3A_58 = vector.multi_reduction <add>, %add3A_57, %reduce_sum3A [1] : vector<6400x64xf32> to vector<6400xf32>
    %broadcast_in_dim3A = vector.shape_cast %reduce_sum3A_58 : vector<6400xf32> to vector<6400x1xf32>
    %div3A = arith.constant 6.400000e+01 : f32
    %div3A_59 = vector.broadcast %div3A : f32 to vector<6400x1xf32>
    %div3A_60 = arith.divf %broadcast_in_dim3A, %div3A_59 : vector<6400x1xf32>
    %sub3A = vector.broadcast %div3A_60 : vector<6400x1xf32> to vector<6400x64xf32>
    %sub3A_61 = arith.subf %add3A_57, %sub3A : vector<6400x64xf32>
    %sub3A_62 = vector.broadcast %div3A_60 : vector<6400x1xf32> to vector<6400x64xf32>
    %sub3A_63 = arith.subf %add3A_57, %sub3A_62 : vector<6400x64xf32>
    %mul3A = arith.mulf %sub3A_61, %sub3A_63 : vector<6400x64xf32>
    %reduce_sum3A_64 = arith.constant dense<0.000000e+00> : vector<6400xf32>
    %reduce_sum3A_65 = vector.multi_reduction <add>, %mul3A, %reduce_sum3A_64 [1] : vector<6400x64xf32> to vector<6400xf32>
    %broadcast_in_dim3A_66 = vector.shape_cast %reduce_sum3A_65 : vector<6400xf32> to vector<6400x1xf32>
    %div3A_67 = arith.constant 6.400000e+01 : f32
    %div3A_68 = vector.broadcast %div3A_67 : f32 to vector<6400x1xf32>
    %div3A_69 = arith.divf %broadcast_in_dim3A_66, %div3A_68 : vector<6400x1xf32>
    %sub3A_70 = vector.broadcast %div3A_60 : vector<6400x1xf32> to vector<6400x64xf32>
    %sub3A_71 = arith.subf %add3A_57, %sub3A_70 : vector<6400x64xf32>
    %add3A_72 = arith.constant 9.99999974E-6 : f32
    %add3A_73 = vector.broadcast %add3A_72 : f32 to vector<6400x1xf32>
    %add3A_74 = arith.addf %div3A_69, %add3A_73 : vector<6400x1xf32>
    %rsqrt3A = math.rsqrt %add3A_74 : vector<6400x1xf32>
    %mul3A_75 = vector.broadcast %rsqrt3A : vector<6400x1xf32> to vector<6400x64xf32>
    %mul3A_76 = arith.mulf %sub3A_71, %mul3A_75 : vector<6400x64xf32>
    %mul3A_77 = vector.broadcast %get3A_37 : vector<1x64xf32> to vector<6400x64xf32>
    %mul3A_78 = arith.mulf %mul3A_76, %mul3A_77 : vector<6400x64xf32>
    %add3A_79 = vector.broadcast %get3A_34 : vector<1x64xf32> to vector<6400x64xf32>
    %add3A_80 = arith.addf %mul3A_78, %add3A_79 : vector<6400x64xf32>
    %max3A = arith.constant 0.000000e+00 : f32
    %max3A_81 = vector.broadcast %max3A : f32 to vector<6400x64xf32>
    %max3A_82 = arith.maximumf %add3A_80, %max3A_81 : vector<6400x64xf32>
    %dot_general3A_83 = arith.constant dense<0.000000e+00> : vector<6400x64xf32>
    %dot_general3A_84 = tpu.matmul %max3A_82, %get3A_43, %dot_general3A_83 {dimension_numbers = #tpu.dot_dimension_numbers<[1], [0], [0], [1], [0, 0, 1, 1], [], []>, transpose_lhs_hint = false} : vector<6400x64xf32>, vector<64x64xf32>, vector<6400x64xf32> -> vector<6400x64xf32>
    %add3A_85 = vector.broadcast %get3A_31 : vector<1x64xf32> to vector<6400x64xf32>
    %add3A_86 = arith.addf %dot_general3A_84, %add3A_85 : vector<6400x64xf32>
    %get3A_87 = arith.constant 0 : index
    %get3A_88 = arith.constant 0 : index
    %get3A_89 = vector.load %arg1[%get3A_87, %get3A_88] : memref<6400x128xf32, #tpu.memory_space<vmem>>, vector<6400x64xf32>
    %add3A_90 = arith.addf %get3A_89, %add3A_86 : vector<6400x64xf32>
    %reduce_sum3A_91 = arith.constant dense<0.000000e+00> : vector<6400xf32>
    %reduce_sum3A_92 = vector.multi_reduction <add>, %add3A_90, %reduce_sum3A_91 [1] : vector<6400x64xf32> to vector<6400xf32>
    %broadcast_in_dim3A_93 = vector.shape_cast %reduce_sum3A_92 : vector<6400xf32> to vector<6400x1xf32>
    %div3A_94 = arith.constant 6.400000e+01 : f32
    %div3A_95 = vector.broadcast %div3A_94 : f32 to vector<6400x1xf32>
    %div3A_96 = arith.divf %broadcast_in_dim3A_93, %div3A_95 : vector<6400x1xf32>
    %sub3A_97 = vector.broadcast %div3A_96 : vector<6400x1xf32> to vector<6400x64xf32>
    %sub3A_98 = arith.subf %add3A_90, %sub3A_97 : vector<6400x64xf32>
    %sub3A_99 = vector.broadcast %div3A_96 : vector<6400x1xf32> to vector<6400x64xf32>
    %sub3A_100 = arith.subf %add3A_90, %sub3A_99 : vector<6400x64xf32>
    %mul3A_101 = arith.mulf %sub3A_98, %sub3A_100 : vector<6400x64xf32>
    %reduce_sum3A_102 = arith.constant dense<0.000000e+00> : vector<6400xf32>
    %reduce_sum3A_103 = vector.multi_reduction <add>, %mul3A_101, %reduce_sum3A_102 [1] : vector<6400x64xf32> to vector<6400xf32>
    %broadcast_in_dim3A_104 = vector.shape_cast %reduce_sum3A_103 : vector<6400xf32> to vector<6400x1xf32>
    %div3A_105 = arith.constant 6.400000e+01 : f32
    %div3A_106 = vector.broadcast %div3A_105 : f32 to vector<6400x1xf32>
    %div3A_107 = arith.divf %broadcast_in_dim3A_104, %div3A_106 : vector<6400x1xf32>
    %sub3A_108 = vector.broadcast %div3A_96 : vector<6400x1xf32> to vector<6400x64xf32>
    %sub3A_109 = arith.subf %add3A_90, %sub3A_108 : vector<6400x64xf32>
    %add3A_110 = arith.constant 9.99999974E-6 : f32
    %add3A_111 = vector.broadcast %add3A_110 : f32 to vector<6400x1xf32>
    %add3A_112 = arith.addf %div3A_107, %add3A_111 : vector<6400x1xf32>
    %rsqrt3A_113 = math.rsqrt %add3A_112 : vector<6400x1xf32>
    %mul3A_114 = vector.broadcast %rsqrt3A_113 : vector<6400x1xf32> to vector<6400x64xf32>
    %mul3A_115 = arith.mulf %sub3A_109, %mul3A_114 : vector<6400x64xf32>
    %mul3A_116 = vector.broadcast %get3A_19 : vector<1x64xf32> to vector<6400x64xf32>
    %mul3A_117 = arith.mulf %mul3A_115, %mul3A_116 : vector<6400x64xf32>
    %add3A_118 = vector.broadcast %get3A_13 : vector<1x64xf32> to vector<6400x64xf32>
    %add3A_119 = arith.addf %mul3A_117, %add3A_118 : vector<6400x64xf32>
    %max3A_120 = arith.constant 0.000000e+00 : f32
    %max3A_121 = vector.broadcast %max3A_120 : f32 to vector<6400x64xf32>
    %max3A_122 = arith.maximumf %add3A_119, %max3A_121 : vector<6400x64xf32>
    %dot_general3A_123 = arith.constant dense<0.000000e+00> : vector<6400x64xf32>
    %dot_general3A_124 = tpu.matmul %max3A_122, %get3A_25, %dot_general3A_123 {dimension_numbers = #tpu.dot_dimension_numbers<[1], [0], [0], [1], [0, 0, 1, 1], [], []>, transpose_lhs_hint = false} : vector<6400x64xf32>, vector<64x64xf32>, vector<6400x64xf32> -> vector<6400x64xf32>
    %add3A_125 = vector.broadcast %get3A_10 : vector<1x64xf32> to vector<6400x64xf32>
    %add3A_126 = arith.addf %dot_general3A_124, %add3A_125 : vector<6400x64xf32>
    %reduce_sum3A_127 = arith.constant dense<0.000000e+00> : vector<6400xf32>
    %reduce_sum3A_128 = vector.multi_reduction <add>, %add3A_126, %reduce_sum3A_127 [1] : vector<6400x64xf32> to vector<6400xf32>
    %broadcast_in_dim3A_129 = vector.shape_cast %reduce_sum3A_128 : vector<6400xf32> to vector<6400x1xf32>
    %div3A_130 = arith.constant 6.400000e+01 : f32
    %div3A_131 = vector.broadcast %div3A_130 : f32 to vector<6400x1xf32>
    %div3A_132 = arith.divf %broadcast_in_dim3A_129, %div3A_131 : vector<6400x1xf32>
    %sub3A_133 = vector.broadcast %div3A_132 : vector<6400x1xf32> to vector<6400x64xf32>
    %sub3A_134 = arith.subf %add3A_126, %sub3A_133 : vector<6400x64xf32>
    %sub3A_135 = vector.broadcast %div3A_132 : vector<6400x1xf32> to vector<6400x64xf32>
    %sub3A_136 = arith.subf %add3A_126, %sub3A_135 : vector<6400x64xf32>
    %mul3A_137 = arith.mulf %sub3A_134, %sub3A_136 : vector<6400x64xf32>
    %reduce_sum3A_138 = arith.constant dense<0.000000e+00> : vector<6400xf32>
    %reduce_sum3A_139 = vector.multi_reduction <add>, %mul3A_137, %reduce_sum3A_138 [1] : vector<6400x64xf32> to vector<6400xf32>
    %broadcast_in_dim3A_140 = vector.shape_cast %reduce_sum3A_139 : vector<6400xf32> to vector<6400x1xf32>
    %div3A_141 = arith.constant 6.400000e+01 : f32
    %div3A_142 = vector.broadcast %div3A_141 : f32 to vector<6400x1xf32>
    %div3A_143 = arith.divf %broadcast_in_dim3A_140, %div3A_142 : vector<6400x1xf32>
    %sub3A_144 = vector.broadcast %div3A_132 : vector<6400x1xf32> to vector<6400x64xf32>
    %sub3A_145 = arith.subf %add3A_126, %sub3A_144 : vector<6400x64xf32>
    %add3A_146 = arith.constant 9.99999974E-6 : f32
    %add3A_147 = vector.broadcast %add3A_146 : f32 to vector<6400x1xf32>
    %add3A_148 = arith.addf %div3A_143, %add3A_147 : vector<6400x1xf32>
    %rsqrt3A_149 = math.rsqrt %add3A_148 : vector<6400x1xf32>
    %mul3A_150 = vector.broadcast %rsqrt3A_149 : vector<6400x1xf32> to vector<6400x64xf32>
    %mul3A_151 = arith.mulf %sub3A_145, %mul3A_150 : vector<6400x64xf32>
    %mul3A_152 = vector.broadcast %get3A_22 : vector<1x64xf32> to vector<6400x64xf32>
    %mul3A_153 = arith.mulf %mul3A_151, %mul3A_152 : vector<6400x64xf32>
    %add3A_154 = vector.broadcast %get3A_16 : vector<1x64xf32> to vector<6400x64xf32>
    %add3A_155 = arith.addf %mul3A_153, %add3A_154 : vector<6400x64xf32>
    %dot_general3A_156 = arith.constant dense<0.000000e+00> : vector<6400x64xf32>
    %dot_general3A_157 = tpu.matmul %add3A_155, %get3A_7, %dot_general3A_156 {dimension_numbers = #tpu.dot_dimension_numbers<[1], [0], [0], [1], [0, 0, 1, 1], [], []>, transpose_lhs_hint = false} : vector<6400x64xf32>, vector<64x64xf32>, vector<6400x64xf32> -> vector<6400x64xf32>
    %add3A_158 = vector.broadcast %get3A_4 : vector<1x64xf32> to vector<6400x64xf32>
    %add3A_159 = arith.addf %dot_general3A_157, %add3A_158 : vector<6400x64xf32>
    %dot_general3A_160 = arith.constant dense<0.000000e+00> : vector<6400x64xf32>
    %dot_general3A_161 = tpu.matmul %add3A_155, %get3A_52, %dot_general3A_160 {dimension_numbers = #tpu.dot_dimension_numbers<[1], [0], [0], [1], [0, 0, 1, 1], [], []>, transpose_lhs_hint = false} : vector<6400x64xf32>, vector<64x64xf32>, vector<6400x64xf32> -> vector<6400x64xf32>
    %add3A_162 = vector.broadcast %get3A_49 : vector<1x64xf32> to vector<6400x64xf32>
    %add3A_163 = arith.addf %dot_general3A_161, %add3A_162 : vector<6400x64xf32>
    %get3A_164 = arith.constant 0 : index
    %get3A_165 = arith.constant 64 : index
    %get3A_166 = vector.load %arg2[%get3A_164, %get3A_165] : memref<6400x128xf32, #tpu.memory_space<vmem>>, vector<6400x64xf32>
    %mul3A_167 = arith.mulf %get3A_166, %add3A_159 : vector<6400x64xf32>
    %dot_general3A_168 = arith.constant dense<0.000000e+00> : vector<6400x8xf32>
    %dot_general3A_169 = tpu.matmul %mul3A_167, %get3A_46, %dot_general3A_168 {dimension_numbers = #tpu.dot_dimension_numbers<[1], [0], [0], [1], [0, 0, 1, 1], [], []>, transpose_lhs_hint = false} : vector<6400x64xf32>, vector<64x8xf32>, vector<6400x8xf32> -> vector<6400x8xf32>
    %mul3A_170 = arith.constant 0.353553385 : f32
    %mul3A_171 = vector.broadcast %mul3A_170 : f32 to vector<6400x8xf32>
    %mul3A_172 = arith.mulf %dot_general3A_169, %mul3A_171 : vector<6400x8xf32>
    %broadcast_in_dim3A_173 = arith.constant 0.000000e+00 : f32
    %broadcast_in_dim3A_174 = vector.broadcast %broadcast_in_dim3A_173 : f32 to vector<6400x8xf32>
    %concatenate3A = tpu.concatenate %add3A_163, %mul3A_172, %broadcast_in_dim3A_174 in 1 : vector<6400x64xf32>, vector<6400x8xf32>, vector<6400x8xf32> -> vector<6400x80xf32>
    %swap3A = arith.constant 0 : index
    %swap3A_175 = arith.constant 0 : index
    %swap3A_176 = vector.load %arg22[%swap3A, %swap3A_175] : memref<6400x80xf32, #tpu.memory_space<vmem>>, vector<6400x80xf32>
    tpu.vector_store %arg22[%swap3A, %swap3A_175], %concatenate3A {strides = array<i32>} : memref<6400x80xf32, #tpu.memory_space<vmem>>, vector<6400x80xf32>,
    %reduce_max3A = arith.constant dense<0xFF800000> : vector<8xf32>
    %reduce_max3A_177 = vector.multi_reduction <maximumf>, %mul3A_172, %reduce_max3A [0] : vector<6400x8xf32> to vector<8xf32>
    %broadcast_in_dim3A_178 = vector.shape_cast %reduce_max3A_177 : vector<8xf32> to vector<1x8xf32>
    %dot_general3A_179 = arith.constant dense<0.000000e+00> : vector<8x1xf32>
    %dot_general3A_180 = tpu.matmul %get3A_1, %broadcast_in_dim3A_178, %dot_general3A_179 {dimension_numbers = #tpu.dot_dimension_numbers<[1], [1], [0], [0], [0, 0, 1, 0], [], []>, transpose_lhs_hint = false} : vector<8x8xf32>, vector<1x8xf32>, vector<8x1xf32> -> vector<8x1xf32>
    %broadcast_in_dim3A_181 = vector.shape_cast %dot_general3A_180 : vector<8x1xf32> to vector<8x1xf32>
    %broadcast_in_dim3A_182 = vector.broadcast %broadcast_in_dim3A_181 : vector<8x1xf32> to vector<8x128xf32>
    %eq3A = arith.constant 0 : i32
    %eq3A_183 = arith.cmpi eq, %arg0, %eq3A : i32
    %convert_element_type3A = arith.extui %eq3A_183 : i1 to i32
    %cond3A = arith.constant 0 : i32
    %cond3A_184 = arith.cmpi ne, %convert_element_type3A, %cond3A : i32
    scf.if %cond3A_184 {
      %swap3A_189 = arith.constant 0 : index
      %swap3A_190 = arith.constant 0 : index
      %swap3A_191 = vector.load %arg23[%swap3A_189, %swap3A_190] : memref<8x128xf32, #tpu.memory_space<vmem>>, vector<8x128xf32>
      tpu.vector_store %arg23[%swap3A_189, %swap3A_190], %broadcast_in_dim3A_182 {strides = array<i32>} : memref<8x128xf32, #tpu.memory_space<vmem>>, vector<8x128xf32>,
    } else {
    }
    %gt3A = arith.constant 0 : i32
    %gt3A_185 = arith.cmpi sgt, %arg0, %gt3A : i32
    %convert_element_type3A_186 = arith.extui %gt3A_185 : i1 to i32
    %cond3A_187 = arith.constant 0 : i32
    %cond3A_188 = arith.cmpi ne, %convert_element_type3A_186, %cond3A_187 : i32
    scf.if %cond3A_188 {
      %get3A_189 = arith.constant 0 : index
      %get3A_190 = arith.constant 0 : index
      %get3A_191 = vector.load %arg23[%get3A_189, %get3A_190] : memref<8x128xf32, #tpu.memory_space<vmem>>, vector<8x128xf32>
      %max3A_192 = arith.maximumf %get3A_191, %broadcast_in_dim3A_182 : vector<8x128xf32>
      %swap3A_193 = arith.constant 0 : index
      %swap3A_194 = arith.constant 0 : index
      %swap3A_195 = vector.load %arg23[%swap3A_193, %swap3A_194] : memref<8x128xf32, #tpu.memory_space<vmem>>, vector<8x128xf32>
      tpu.vector_store %arg23[%swap3A_193, %swap3A_194], %max3A_192 {strides = array<i32>} : memref<8x128xf32, #tpu.memory_space<vmem>>, vector<8x128xf32>,
    } else {
    }
    return
  }
  func.func @transform_0(%arg0: i32) -> (i32, i32) {
    %c0_i32 = arith.constant 0 : i32
    %c0_i32_0 = arith.constant 0 : i32
    return %arg0, %c0_i32 : i32, i32
  }
  func.func @transform_1(%arg0: i32) -> (i32, i32) {
    %c0_i32 = arith.constant 0 : i32
    %c0_i32_0 = arith.constant 0 : i32
    return %arg0, %c0_i32 : i32, i32
  }
  func.func @transform_2(%arg0: i32) -> (i32, i32) {
    %c0_i32 = arith.constant 0 : i32
    %c0_i32_0 = arith.constant 0 : i32
    return %arg0, %c0_i32 : i32, i32
  }
  func.func @transform_3(%arg0: i32) -> (i32, i32) {
    %c0_i32 = arith.constant 0 : i32
    %c0_i32_0 = arith.constant 0 : i32
    %c0_i32_1 = arith.constant 0 : i32
    return %c0_i32, %c0_i32_0 : i32, i32
  }
  func.func @transform_4(%arg0: i32) -> (i32, i32) {
    %c0_i32 = arith.constant 0 : i32
    %c0_i32_0 = arith.constant 0 : i32
    %c0_i32_1 = arith.constant 0 : i32
    return %c0_i32, %c0_i32_0 : i32, i32
  }
  func.func @transform_5(%arg0: i32) -> (i32, i32) {
    %c0_i32 = arith.constant 0 : i32
    %c0_i32_0 = arith.constant 0 : i32
    %c0_i32_1 = arith.constant 0 : i32
    return %c0_i32, %c0_i32_0 : i32, i32
  }
  func.func @transform_6(%arg0: i32) -> (i32, i32) {
    %c0_i32 = arith.constant 0 : i32
    %c0_i32_0 = arith.constant 0 : i32
    %c0_i32_1 = arith.constant 0 : i32
    return %c0_i32, %c0_i32_0 : i32, i32
  }
  func.func @transform_7(%arg0: i32) -> (i32, i32) {
    %c0_i32 = arith.constant 0 : i32
    %c0_i32_0 = arith.constant 0 : i32
    %c0_i32_1 = arith.constant 0 : i32
    return %c0_i32, %c0_i32_0 : i32, i32
  }
  func.func @transform_8(%arg0: i32) -> (i32, i32) {
    %c0_i32 = arith.constant 0 : i32
    %c0_i32_0 = arith.constant 0 : i32
    %c0_i32_1 = arith.constant 0 : i32
    return %c0_i32, %c0_i32_0 : i32, i32
  }
  func.func @transform_9(%arg0: i32) -> (i32, i32) {
    %c0_i32 = arith.constant 0 : i32
    %c0_i32_0 = arith.constant 0 : i32
    %c0_i32_1 = arith.constant 0 : i32
    return %c0_i32, %c0_i32_0 : i32, i32
  }
  func.func @transform_10(%arg0: i32) -> (i32, i32) {
    %c0_i32 = arith.constant 0 : i32
    %c0_i32_0 = arith.constant 0 : i32
    %c0_i32_1 = arith.constant 0 : i32
    return %c0_i32, %c0_i32_0 : i32, i32
  }
  func.func @transform_11(%arg0: i32) -> (i32, i32) {
    %c0_i32 = arith.constant 0 : i32
    %c0_i32_0 = arith.constant 0 : i32
    %c0_i32_1 = arith.constant 0 : i32
    return %c0_i32, %c0_i32_0 : i32, i32
  }
  func.func @transform_12(%arg0: i32) -> (i32, i32) {
    %c0_i32 = arith.constant 0 : i32
    %c0_i32_0 = arith.constant 0 : i32
    %c0_i32_1 = arith.constant 0 : i32
    return %c0_i32, %c0_i32_0 : i32, i32
  }
  func.func @transform_13(%arg0: i32) -> (i32, i32) {
    %c0_i32 = arith.constant 0 : i32
    %c0_i32_0 = arith.constant 0 : i32
    %c0_i32_1 = arith.constant 0 : i32
    return %c0_i32, %c0_i32_0 : i32, i32
  }
  func.func @transform_14(%arg0: i32) -> (i32, i32) {
    %c0_i32 = arith.constant 0 : i32
    %c0_i32_0 = arith.constant 0 : i32
    %c0_i32_1 = arith.constant 0 : i32
    return %c0_i32, %c0_i32_0 : i32, i32
  }
  func.func @transform_15(%arg0: i32) -> (i32, i32) {
    %c0_i32 = arith.constant 0 : i32
    %c0_i32_0 = arith.constant 0 : i32
    %c0_i32_1 = arith.constant 0 : i32
    return %c0_i32, %c0_i32_0 : i32, i32
  }
  func.func @transform_16(%arg0: i32) -> (i32, i32) {
    %c0_i32 = arith.constant 0 : i32
    %c0_i32_0 = arith.constant 0 : i32
    %c0_i32_1 = arith.constant 0 : i32
    return %c0_i32, %c0_i32_0 : i32, i32
  }
  func.func @transform_17(%arg0: i32) -> (i32, i32) {
    %c0_i32 = arith.constant 0 : i32
    %c0_i32_0 = arith.constant 0 : i32
    %c0_i32_1 = arith.constant 0 : i32
    return %c0_i32, %c0_i32_0 : i32, i32
  }
  func.func @transform_18(%arg0: i32) -> (i32, i32) {
    %c0_i32 = arith.constant 0 : i32
    %c0_i32_0 = arith.constant 0 : i32
    %c0_i32_1 = arith.constant 0 : i32
    return %c0_i32, %c0_i32_0 : i32, i32
  }
  func.func @transform_19(%arg0: i32) -> (i32, i32) {
    %c0_i32 = arith.constant 0 : i32
    %c0_i32_0 = arith.constant 0 : i32
    %c0_i32_1 = arith.constant 0 : i32
    return %c0_i32, %c0_i32_0 : i32, i32
  }
  func.func @transform_20(%arg0: i32) -> (i32, i32) {
    %c0_i32 = arith.constant 0 : i32
    %c0_i32_0 = arith.constant 0 : i32
    %c0_i32_1 = arith.constant 0 : i32
    return %c0_i32, %c0_i32_0 : i32, i32
  }
  func.func @transform_21(%arg0: i32) -> (i32, i32) {
    %c0_i32 = arith.constant 0 : i32
    %c0_i32_0 = arith.constant 0 : i32
    return %arg0, %c0_i32 : i32, i32
  }
  func.func @transform_22(%arg0: i32) -> (i32, i32) {
    %c0_i32 = arith.constant 0 : i32
    %c0_i32_0 = arith.constant 0 : i32
    %c0_i32_1 = arith.constant 0 : i32
    return %c0_i32, %c0_i32_0 : i32, i32
  }
}

module attributes {stable_mosaic.version = 14 : i64} {
  func.func @_weight_kernel(%arg0: i32, %arg1: memref<6400x80xf32, #tpu.memory_space<vmem>>, %arg2: memref<8x128xf32, #tpu.memory_space<vmem>>, %arg3: memref<8x8xf32, #tpu.memory_space<vmem>>, %arg4: memref<8x64xf32, #tpu.memory_space<vmem>>, %arg5: memref<6400x80xf32, #tpu.memory_space<vmem>>) attributes {dimension_semantics = [#tpu.dimension_semantics<arbitrary>], iteration_bounds = array<i64: 50>, scalar_prefetch = 0 : i64, scratch_operands = 0 : i64, tpu.core_type = #tpu.core_type<tc>, window_params = [{transform_indices = @transform_0, window_bounds = array<i64: 6400, 80>}, {pipeline_mode = #tpu.pipeline_mode<synchronous>, transform_indices = @transform_1, window_bounds = array<i64: 8, 128>}, {pipeline_mode = #tpu.pipeline_mode<synchronous>, transform_indices = @transform_2, window_bounds = array<i64: 8, 8>}, {pipeline_mode = #tpu.pipeline_mode<synchronous>, transform_indices = @transform_3, window_bounds = array<i64: 8, 64>}, {transform_indices = @transform_4, window_bounds = array<i64: 6400, 80>}]} {
    %get3A = arith.constant 0 : index
    %get3A_0 = arith.constant 0 : index
    %get3A_1 = vector.load %arg3[%get3A, %get3A_0] : memref<8x8xf32, #tpu.memory_space<vmem>>, vector<8x8xf32>
    %get3A_2 = arith.constant 0 : index
    %get3A_3 = arith.constant 0 : index
    %get3A_4 = vector.load %arg4[%get3A_2, %get3A_3] : memref<8x64xf32, #tpu.memory_space<vmem>>, vector<8x64xf32>
    %get3A_5 = arith.constant 0 : index
    %get3A_6 = arith.constant 0 : index
    %get3A_7 = vector.load %arg1[%get3A_5, %get3A_6] : memref<6400x80xf32, #tpu.memory_space<vmem>>, vector<6400x80xf32>
    %get3A_8 = arith.constant 0 : index
    %get3A_9 = arith.constant 0 : index
    %get3A_10 = vector.load %arg2[%get3A_8, %get3A_9] : memref<8x128xf32, #tpu.memory_space<vmem>>, vector<8x1xf32>
    %dot_general3A = arith.constant dense<0.000000e+00> : vector<1x8xf32>
    %dot_general3A_11 = tpu.matmul %get3A_10, %get3A_1, %dot_general3A {dimension_numbers = #tpu.dot_dimension_numbers<[0], [0], [1], [1], [0, 1, 1, 1], [], []>, transpose_lhs_hint = false} : vector<8x1xf32>, vector<8x8xf32>, vector<1x8xf32> -> vector<1x8xf32>
    %slice3A = vector.extract_strided_slice %get3A_7 {offsets = [0, 64], sizes = [6400, 8], strides = [1, 1]} : vector<6400x80xf32> to vector<6400x8xf32>
    %sub3A = vector.broadcast %dot_general3A_11 : vector<1x8xf32> to vector<6400x8xf32>
    %sub3A_12 = arith.subf %slice3A, %sub3A : vector<6400x8xf32>
    %exp3A = math.exp %sub3A_12 : vector<6400x8xf32>
    %dot_general3A_13 = arith.constant dense<0.000000e+00> : vector<6400x64xf32>
    %dot_general3A_14 = tpu.matmul %exp3A, %get3A_4, %dot_general3A_13 {dimension_numbers = #tpu.dot_dimension_numbers<[1], [0], [0], [1], [0, 0, 1, 1], [], []>, transpose_lhs_hint = false} : vector<6400x8xf32>, vector<8x64xf32>, vector<6400x64xf32> -> vector<6400x64xf32>
    %slice3A_15 = vector.extract_strided_slice %get3A_7 {offsets = [0, 0], sizes = [6400, 64], strides = [1, 1]} : vector<6400x80xf32> to vector<6400x64xf32>
    %mul3A = arith.mulf %slice3A_15, %dot_general3A_14 : vector<6400x64xf32>
    %broadcast_in_dim3A = arith.constant 0.000000e+00 : f32
    %broadcast_in_dim3A_16 = vector.broadcast %broadcast_in_dim3A : f32 to vector<6400x8xf32>
    %concatenate3A = tpu.concatenate %mul3A, %exp3A, %broadcast_in_dim3A_16 in 1 : vector<6400x64xf32>, vector<6400x8xf32>, vector<6400x8xf32> -> vector<6400x80xf32>
    %swap3A = arith.constant 0 : index
    %swap3A_17 = arith.constant 0 : index
    %swap3A_18 = vector.load %arg5[%swap3A, %swap3A_17] : memref<6400x80xf32, #tpu.memory_space<vmem>>, vector<6400x80xf32>
    tpu.vector_store %arg5[%swap3A, %swap3A_17], %concatenate3A {strides = array<i32>} : memref<6400x80xf32, #tpu.memory_space<vmem>>, vector<6400x80xf32>,
    return
  }
  func.func @transform_0(%arg0: i32) -> (i32, i32) {
    %c0_i32 = arith.constant 0 : i32
    %c0_i32_0 = arith.constant 0 : i32
    return %arg0, %c0_i32 : i32, i32
  }
  func.func @transform_1(%arg0: i32) -> (i32, i32) {
    %c0_i32 = arith.constant 0 : i32
    %c0_i32_0 = arith.constant 0 : i32
    %c0_i32_1 = arith.constant 0 : i32
    return %c0_i32, %c0_i32_0 : i32, i32
  }
  func.func @transform_2(%arg0: i32) -> (i32, i32) {
    %c0_i32 = arith.constant 0 : i32
    %c0_i32_0 = arith.constant 0 : i32
    %c0_i32_1 = arith.constant 0 : i32
    return %c0_i32, %c0_i32_0 : i32, i32
  }
  func.func @transform_3(%arg0: i32) -> (i32, i32) {
    %c0_i32 = arith.constant 0 : i32
    %c0_i32_0 = arith.constant 0 : i32
    %c0_i32_1 = arith.constant 0 : i32
    return %c0_i32, %c0_i32_0 : i32, i32
  }
  func.func @transform_4(%arg0: i32) -> (i32, i32) {
    %c0_i32 = arith.constant 0 : i32
    %c0_i32_0 = arith.constant 0 : i32
    return %arg0, %c0_i32 : i32, i32
  }
}

module attributes {stable_mosaic.version = 14 : i64} {
  func.func @_final_kernel(%arg0: i32, %arg1: memref<1x1024x80xf32, #tpu.memory_space<vmem>>, %arg2: memref<1024x64xf32, #tpu.memory_space<vmem>>, %arg3: memref<1024x64xf32, #tpu.memory_space<vmem>>, %arg4: memref<1x64xf32, #tpu.memory_space<vmem>>, %arg5: memref<64x64xf32, #tpu.memory_space<vmem>>, %arg6: memref<1x64xf32, #tpu.memory_space<vmem>>, %arg7: memref<64x64xf32, #tpu.memory_space<vmem>>, %arg8: memref<1x64xf32, #tpu.memory_space<vmem>>, %arg9: memref<1x64xf32, #tpu.memory_space<vmem>>, %arg10: memref<1x256xf32, #tpu.memory_space<vmem>>, %arg11: memref<1x64xf32, #tpu.memory_space<vmem>>, %arg12: memref<64x256xf32, #tpu.memory_space<vmem>>, %arg13: memref<256x64xf32, #tpu.memory_space<vmem>>, %arg14: memref<1x64xf32, #tpu.memory_space<vmem>>, %arg15: memref<64x64xf32, #tpu.memory_space<vmem>>, %arg16: memref<8x64xf32, #tpu.memory_space<vmem>>, %arg17: memref<1x64xf32, #tpu.memory_space<vmem>>, %arg18: memref<64x64xf32, #tpu.memory_space<vmem>>, %arg19: memref<1024x64xf32, #tpu.memory_space<vmem>>) attributes {dimension_semantics = [#tpu.dimension_semantics<arbitrary>], iteration_bounds = array<i64: 10>, scalar_prefetch = 0 : i64, scratch_operands = 0 : i64, tpu.core_type = #tpu.core_type<tc>, window_params = [{transform_indices = @transform_0, window_bounds = array<i64: 1, 1024, 80>}, {transform_indices = @transform_1, window_bounds = array<i64: 1024, 64>}, {transform_indices = @transform_2, window_bounds = array<i64: 1024, 64>}, {pipeline_mode = #tpu.pipeline_mode<synchronous>, transform_indices = @transform_3, window_bounds = array<i64: 1, 64>}, {pipeline_mode = #tpu.pipeline_mode<synchronous>, transform_indices = @transform_4, window_bounds = array<i64: 64, 64>}, {pipeline_mode = #tpu.pipeline_mode<synchronous>, transform_indices = @transform_5, window_bounds = array<i64: 1, 64>}, {pipeline_mode = #tpu.pipeline_mode<synchronous>, transform_indices = @transform_6, window_bounds = array<i64: 64, 64>}, {pipeline_mode = #tpu.pipeline_mode<synchronous>, transform_indices = @transform_7, window_bounds = array<i64: 1, 64>}, {pipeline_mode = #tpu.pipeline_mode<synchronous>, transform_indices = @transform_8, window_bounds = array<i64: 1, 64>}, {pipeline_mode = #tpu.pipeline_mode<synchronous>, transform_indices = @transform_9, window_bounds = array<i64: 1, 256>}, {pipeline_mode = #tpu.pipeline_mode<synchronous>, transform_indices = @transform_10, window_bounds = array<i64: 1, 64>}, {pipeline_mode = #tpu.pipeline_mode<synchronous>, transform_indices = @transform_11, window_bounds = array<i64: 64, 256>}, {pipeline_mode = #tpu.pipeline_mode<synchronous>, transform_indices = @transform_12, window_bounds = array<i64: 256, 64>}, {pipeline_mode = #tpu.pipeline_mode<synchronous>, transform_indices = @transform_13, window_bounds = array<i64: 1, 64>}, {pipeline_mode = #tpu.pipeline_mode<synchronous>, transform_indices = @transform_14, window_bounds = array<i64: 64, 64>}, {pipeline_mode = #tpu.pipeline_mode<synchronous>, transform_indices = @transform_15, window_bounds = array<i64: 8, 64>}, {pipeline_mode = #tpu.pipeline_mode<synchronous>, transform_indices = @transform_16, window_bounds = array<i64: 1, 64>}, {pipeline_mode = #tpu.pipeline_mode<synchronous>, transform_indices = @transform_17, window_bounds = array<i64: 64, 64>}, {transform_indices = @transform_18, window_bounds = array<i64: 1024, 64>}]} {
    %get3A = arith.constant 0 : index
    %get3A_0 = arith.constant 0 : index
    %get3A_1 = vector.load %arg4[%get3A, %get3A_0] : memref<1x64xf32, #tpu.memory_space<vmem>>, vector<1x64xf32>
    %get3A_2 = arith.constant 0 : index
    %get3A_3 = arith.constant 0 : index
    %get3A_4 = vector.load %arg5[%get3A_2, %get3A_3] : memref<64x64xf32, #tpu.memory_space<vmem>>, vector<64x64xf32>
    %get3A_5 = arith.constant 0 : index
    %get3A_6 = arith.constant 0 : index
    %get3A_7 = vector.load %arg6[%get3A_5, %get3A_6] : memref<1x64xf32, #tpu.memory_space<vmem>>, vector<1x64xf32>
    %get3A_8 = arith.constant 0 : index
    %get3A_9 = arith.constant 0 : index
    %get3A_10 = vector.load %arg7[%get3A_8, %get3A_9] : memref<64x64xf32, #tpu.memory_space<vmem>>, vector<64x64xf32>
    %get3A_11 = arith.constant 0 : index
    %get3A_12 = arith.constant 0 : index
    %get3A_13 = vector.load %arg8[%get3A_11, %get3A_12] : memref<1x64xf32, #tpu.memory_space<vmem>>, vector<1x64xf32>
    %get3A_14 = arith.constant 0 : index
    %get3A_15 = arith.constant 0 : index
    %get3A_16 = vector.load %arg9[%get3A_14, %get3A_15] : memref<1x64xf32, #tpu.memory_space<vmem>>, vector<1x64xf32>
    %get3A_17 = arith.constant 0 : index
    %get3A_18 = arith.constant 0 : index
    %get3A_19 = vector.load %arg10[%get3A_17, %get3A_18] : memref<1x256xf32, #tpu.memory_space<vmem>>, vector<1x256xf32>
    %get3A_20 = arith.constant 0 : index
    %get3A_21 = arith.constant 0 : index
    %get3A_22 = vector.load %arg11[%get3A_20, %get3A_21] : memref<1x64xf32, #tpu.memory_space<vmem>>, vector<1x64xf32>
    %get3A_23 = arith.constant 0 : index
    %get3A_24 = arith.constant 0 : index
    %get3A_25 = vector.load %arg12[%get3A_23, %get3A_24] : memref<64x256xf32, #tpu.memory_space<vmem>>, vector<64x256xf32>
    %get3A_26 = arith.constant 0 : index
    %get3A_27 = arith.constant 0 : index
    %get3A_28 = vector.load %arg13[%get3A_26, %get3A_27] : memref<256x64xf32, #tpu.memory_space<vmem>>, vector<256x64xf32>
    %get3A_29 = arith.constant 0 : index
    %get3A_30 = arith.constant 0 : index
    %get3A_31 = vector.load %arg14[%get3A_29, %get3A_30] : memref<1x64xf32, #tpu.memory_space<vmem>>, vector<1x64xf32>
    %get3A_32 = arith.constant 0 : index
    %get3A_33 = arith.constant 0 : index
    %get3A_34 = vector.load %arg15[%get3A_32, %get3A_33] : memref<64x64xf32, #tpu.memory_space<vmem>>, vector<64x64xf32>
    %get3A_35 = arith.constant 0 : index
    %get3A_36 = arith.constant 0 : index
    %get3A_37 = vector.load %arg16[%get3A_35, %get3A_36] : memref<8x64xf32, #tpu.memory_space<vmem>>, vector<8x64xf32>
    %get3A_38 = arith.constant 0 : index
    %get3A_39 = arith.constant 0 : index
    %get3A_40 = vector.load %arg17[%get3A_38, %get3A_39] : memref<1x64xf32, #tpu.memory_space<vmem>>, vector<1x64xf32>
    %get3A_41 = arith.constant 0 : index
    %get3A_42 = arith.constant 0 : index
    %get3A_43 = vector.load %arg18[%get3A_41, %get3A_42] : memref<64x64xf32, #tpu.memory_space<vmem>>, vector<64x64xf32>
    %get3A_44 = arith.constant 0 : index
    %get3A_45 = arith.constant 0 : index
    %get3A_46 = arith.constant 0 : index
    %get3A_47 = vector.load %arg1[%get3A_44, %get3A_45, %get3A_46] : memref<1x1024x80xf32, #tpu.memory_space<vmem>>, vector<1x1024x80xf32>
    %get3A_48 = vector.shape_cast %get3A_47 : vector<1x1024x80xf32> to vector<1024x80xf32>
    %slice3A = vector.extract_strided_slice %get3A_48 {offsets = [0, 0], sizes = [1024, 64], strides = [1, 1]} : vector<1024x80xf32> to vector<1024x64xf32>
    %slice3A_49 = vector.extract_strided_slice %get3A_48 {offsets = [0, 64], sizes = [1024, 8], strides = [1, 1]} : vector<1024x80xf32> to vector<1024x8xf32>
    %dot_general3A = arith.constant dense<0.000000e+00> : vector<1024x64xf32>
    %dot_general3A_50 = tpu.matmul %slice3A_49, %get3A_37, %dot_general3A {dimension_numbers = #tpu.dot_dimension_numbers<[1], [0], [0], [1], [0, 0, 1, 1], [], []>, transpose_lhs_hint = false} : vector<1024x8xf32>, vector<8x64xf32>, vector<1024x64xf32> -> vector<1024x64xf32>
    %eq3A = arith.constant 0.000000e+00 : f32
    %eq3A_51 = vector.broadcast %eq3A : f32 to vector<1024x64xf32>
    %eq3A_52 = arith.cmpf oeq, %dot_general3A_50, %eq3A_51 : vector<1024x64xf32>
    %jit3A = arith.constant 1.000000e+00 : f32
    %broadcast_in_dim3A = vector.broadcast %jit3A : f32 to vector<1024x64xf32>
    %select_n3A = arith.select %eq3A_52, %broadcast_in_dim3A, %dot_general3A_50 : vector<1024x64xi1>, vector<1024x64xf32>
    %div3A = arith.divf %slice3A, %select_n3A : vector<1024x64xf32>
    %get3A_53 = arith.constant 0 : index
    %get3A_54 = arith.constant 0 : index
    %get3A_55 = vector.load %arg3[%get3A_53, %get3A_54] : memref<1024x64xf32, #tpu.memory_space<vmem>>, vector<1024x64xf32>
    %get3A_56 = arith.constant 0 : index
    %get3A_57 = arith.constant 0 : index
    %get3A_58 = vector.load %arg2[%get3A_56, %get3A_57] : memref<1024x64xf32, #tpu.memory_space<vmem>>, vector<1024x64xf32>
    %dot_general3A_59 = arith.constant dense<0.000000e+00> : vector<1024x64xf32>
    %dot_general3A_60 = tpu.matmul %div3A, %get3A_10, %dot_general3A_59 {dimension_numbers = #tpu.dot_dimension_numbers<[1], [0], [0], [1], [0, 0, 1, 1], [], []>, transpose_lhs_hint = false} : vector<1024x64xf32>, vector<64x64xf32>, vector<1024x64xf32> -> vector<1024x64xf32>
    %add3A = vector.broadcast %get3A_7 : vector<1x64xf32> to vector<1024x64xf32>
    %add3A_61 = arith.addf %dot_general3A_60, %add3A : vector<1024x64xf32>
    %dot_general3A_62 = arith.constant dense<0.000000e+00> : vector<1024x64xf32>
    %dot_general3A_63 = tpu.matmul %get3A_55, %get3A_4, %dot_general3A_62 {dimension_numbers = #tpu.dot_dimension_numbers<[1], [0], [0], [1], [0, 0, 1, 1], [], []>, transpose_lhs_hint = false} : vector<1024x64xf32>, vector<64x64xf32>, vector<1024x64xf32> -> vector<1024x64xf32>
    %add3A_64 = arith.addf %add3A_61, %dot_general3A_63 : vector<1024x64xf32>
    %add3A_65 = vector.broadcast %get3A_1 : vector<1x64xf32> to vector<1024x64xf32>
    %add3A_66 = arith.addf %add3A_64, %add3A_65 : vector<1024x64xf32>
    %logistic3A = arith.negf %add3A_66 : vector<1024x64xf32>
    %logistic3A_67 = math.exp %logistic3A : vector<1024x64xf32>
    %logistic3A_68 = arith.constant 1.000000e+00 : f32
    %logistic3A_69 = vector.broadcast %logistic3A_68 : f32 to vector<1024x64xf32>
    %logistic3A_70 = arith.addf %logistic3A_69, %logistic3A_67 : vector<1024x64xf32>
    %logistic3A_71 = arith.divf %logistic3A_69, %logistic3A_70 : vector<1024x64xf32>
    %dot_general3A_72 = arith.constant dense<0.000000e+00> : vector<1024x64xf32>
    %dot_general3A_73 = tpu.matmul %get3A_55, %get3A_43, %dot_general3A_72 {dimension_numbers = #tpu.dot_dimension_numbers<[1], [0], [0], [1], [0, 0, 1, 1], [], []>, transpose_lhs_hint = false} : vector<1024x64xf32>, vector<64x64xf32>, vector<1024x64xf32> -> vector<1024x64xf32>
    %add3A_74 = vector.broadcast %get3A_40 : vector<1x64xf32> to vector<1024x64xf32>
    %add3A_75 = arith.addf %dot_general3A_73, %add3A_74 : vector<1024x64xf32>
    %sub3A = arith.subf %add3A_75, %div3A : vector<1024x64xf32>
    %mul3A = arith.mulf %logistic3A_71, %sub3A : vector<1024x64xf32>
    %add3A_76 = arith.addf %div3A, %mul3A : vector<1024x64xf32>
    %dot_general3A_77 = arith.constant dense<0.000000e+00> : vector<1024x64xf32>
    %dot_general3A_78 = tpu.matmul %add3A_76, %get3A_34, %dot_general3A_77 {dimension_numbers = #tpu.dot_dimension_numbers<[1], [0], [0], [1], [0, 0, 1, 1], [], []>, transpose_lhs_hint = false} : vector<1024x64xf32>, vector<64x64xf32>, vector<1024x64xf32> -> vector<1024x64xf32>
    %add3A_79 = arith.addf %get3A_58, %dot_general3A_78 : vector<1024x64xf32>
    %add3A_80 = vector.broadcast %get3A_31 : vector<1x64xf32> to vector<1024x64xf32>
    %add3A_81 = arith.addf %add3A_79, %add3A_80 : vector<1024x64xf32>
    %reduce_sum3A = arith.constant dense<0.000000e+00> : vector<1024xf32>
    %reduce_sum3A_82 = vector.multi_reduction <add>, %add3A_81, %reduce_sum3A [1] : vector<1024x64xf32> to vector<1024xf32>
    %broadcast_in_dim3A_83 = vector.shape_cast %reduce_sum3A_82 : vector<1024xf32> to vector<1024x1xf32>
    %div3A_84 = arith.constant 6.400000e+01 : f32
    %div3A_85 = vector.broadcast %div3A_84 : f32 to vector<1024x1xf32>
    %div3A_86 = arith.divf %broadcast_in_dim3A_83, %div3A_85 : vector<1024x1xf32>
    %sub3A_87 = vector.broadcast %div3A_86 : vector<1024x1xf32> to vector<1024x64xf32>
    %sub3A_88 = arith.subf %add3A_81, %sub3A_87 : vector<1024x64xf32>
    %sub3A_89 = vector.broadcast %div3A_86 : vector<1024x1xf32> to vector<1024x64xf32>
    %sub3A_90 = arith.subf %add3A_81, %sub3A_89 : vector<1024x64xf32>
    %mul3A_91 = arith.mulf %sub3A_88, %sub3A_90 : vector<1024x64xf32>
    %reduce_sum3A_92 = arith.constant dense<0.000000e+00> : vector<1024xf32>
    %reduce_sum3A_93 = vector.multi_reduction <add>, %mul3A_91, %reduce_sum3A_92 [1] : vector<1024x64xf32> to vector<1024xf32>
    %broadcast_in_dim3A_94 = vector.shape_cast %reduce_sum3A_93 : vector<1024xf32> to vector<1024x1xf32>
    %div3A_95 = arith.constant 6.400000e+01 : f32
    %div3A_96 = vector.broadcast %div3A_95 : f32 to vector<1024x1xf32>
    %div3A_97 = arith.divf %broadcast_in_dim3A_94, %div3A_96 : vector<1024x1xf32>
    %sub3A_98 = vector.broadcast %div3A_86 : vector<1024x1xf32> to vector<1024x64xf32>
    %sub3A_99 = arith.subf %add3A_81, %sub3A_98 : vector<1024x64xf32>
    %add3A_100 = arith.constant 9.99999974E-6 : f32
    %add3A_101 = vector.broadcast %add3A_100 : f32 to vector<1024x1xf32>
    %add3A_102 = arith.addf %div3A_97, %add3A_101 : vector<1024x1xf32>
    %rsqrt3A = math.rsqrt %add3A_102 : vector<1024x1xf32>
    %mul3A_103 = vector.broadcast %rsqrt3A : vector<1024x1xf32> to vector<1024x64xf32>
    %mul3A_104 = arith.mulf %sub3A_99, %mul3A_103 : vector<1024x64xf32>
    %mul3A_105 = vector.broadcast %get3A_16 : vector<1x64xf32> to vector<1024x64xf32>
    %mul3A_106 = arith.mulf %mul3A_104, %mul3A_105 : vector<1024x64xf32>
    %add3A_107 = vector.broadcast %get3A_13 : vector<1x64xf32> to vector<1024x64xf32>
    %add3A_108 = arith.addf %mul3A_106, %add3A_107 : vector<1024x64xf32>
    %dot_general3A_109 = arith.constant dense<0.000000e+00> : vector<1024x256xf32>
    %dot_general3A_110 = tpu.matmul %add3A_108, %get3A_25, %dot_general3A_109 {dimension_numbers = #tpu.dot_dimension_numbers<[1], [0], [0], [1], [0, 0, 1, 1], [], []>, transpose_lhs_hint = false} : vector<1024x64xf32>, vector<64x256xf32>, vector<1024x256xf32> -> vector<1024x256xf32>
    %add3A_111 = vector.broadcast %get3A_19 : vector<1x256xf32> to vector<1024x256xf32>
    %add3A_112 = arith.addf %dot_general3A_110, %add3A_111 : vector<1024x256xf32>
    %max3A = arith.constant 0.000000e+00 : f32
    %max3A_113 = vector.broadcast %max3A : f32 to vector<1024x256xf32>
    %max3A_114 = arith.maximumf %add3A_112, %max3A_113 : vector<1024x256xf32>
    %dot_general3A_115 = arith.constant dense<0.000000e+00> : vector<1024x64xf32>
    %dot_general3A_116 = tpu.matmul %max3A_114, %get3A_28, %dot_general3A_115 {dimension_numbers = #tpu.dot_dimension_numbers<[1], [0], [0], [1], [0, 0, 1, 1], [], []>, transpose_lhs_hint = false} : vector<1024x256xf32>, vector<256x64xf32>, vector<1024x64xf32> -> vector<1024x64xf32>
    %add3A_117 = vector.broadcast %get3A_22 : vector<1x64xf32> to vector<1024x64xf32>
    %add3A_118 = arith.addf %dot_general3A_116, %add3A_117 : vector<1024x64xf32>
    %add3A_119 = arith.addf %add3A_81, %add3A_118 : vector<1024x64xf32>
    %swap3A = arith.constant 0 : index
    %swap3A_120 = arith.constant 0 : index
    %swap3A_121 = vector.load %arg19[%swap3A, %swap3A_120] : memref<1024x64xf32, #tpu.memory_space<vmem>>, vector<1024x64xf32>
    tpu.vector_store %arg19[%swap3A, %swap3A_120], %add3A_119 {strides = array<i32>} : memref<1024x64xf32, #tpu.memory_space<vmem>>, vector<1024x64xf32>,
    return
  }
  func.func @transform_0(%arg0: i32) -> (i32, i32, i32) {
    %c0_i32 = arith.constant 0 : i32
    %c0_i32_0 = arith.constant 0 : i32
    %c0_i32_1 = arith.constant 0 : i32
    return %c0_i32, %arg0, %c0_i32_0 : i32, i32, i32
  }
  func.func @transform_1(%arg0: i32) -> (i32, i32) {
    %c0_i32 = arith.constant 0 : i32
    %c0_i32_0 = arith.constant 0 : i32
    return %arg0, %c0_i32 : i32, i32
  }
  func.func @transform_2(%arg0: i32) -> (i32, i32) {
    %c0_i32 = arith.constant 0 : i32
    %c0_i32_0 = arith.constant 0 : i32
    return %arg0, %c0_i32 : i32, i32
  }
  func.func @transform_3(%arg0: i32) -> (i32, i32) {
    %c0_i32 = arith.constant 0 : i32
    %c0_i32_0 = arith.constant 0 : i32
    %c0_i32_1 = arith.constant 0 : i32
    return %c0_i32, %c0_i32_0 : i32, i32
  }
  func.func @transform_4(%arg0: i32) -> (i32, i32) {
    %c0_i32 = arith.constant 0 : i32
    %c0_i32_0 = arith.constant 0 : i32
    %c0_i32_1 = arith.constant 0 : i32
    return %c0_i32, %c0_i32_0 : i32, i32
  }
  func.func @transform_5(%arg0: i32) -> (i32, i32) {
    %c0_i32 = arith.constant 0 : i32
    %c0_i32_0 = arith.constant 0 : i32
    %c0_i32_1 = arith.constant 0 : i32
    return %c0_i32, %c0_i32_0 : i32, i32
  }
  func.func @transform_6(%arg0: i32) -> (i32, i32) {
    %c0_i32 = arith.constant 0 : i32
    %c0_i32_0 = arith.constant 0 : i32
    %c0_i32_1 = arith.constant 0 : i32
    return %c0_i32, %c0_i32_0 : i32, i32
  }
  func.func @transform_7(%arg0: i32) -> (i32, i32) {
    %c0_i32 = arith.constant 0 : i32
    %c0_i32_0 = arith.constant 0 : i32
    %c0_i32_1 = arith.constant 0 : i32
    return %c0_i32, %c0_i32_0 : i32, i32
  }
  func.func @transform_8(%arg0: i32) -> (i32, i32) {
    %c0_i32 = arith.constant 0 : i32
    %c0_i32_0 = arith.constant 0 : i32
    %c0_i32_1 = arith.constant 0 : i32
    return %c0_i32, %c0_i32_0 : i32, i32
  }
  func.func @transform_9(%arg0: i32) -> (i32, i32) {
    %c0_i32 = arith.constant 0 : i32
    %c0_i32_0 = arith.constant 0 : i32
    %c0_i32_1 = arith.constant 0 : i32
    return %c0_i32, %c0_i32_0 : i32, i32
  }
  func.func @transform_10(%arg0: i32) -> (i32, i32) {
    %c0_i32 = arith.constant 0 : i32
    %c0_i32_0 = arith.constant 0 : i32
    %c0_i32_1 = arith.constant 0 : i32
    return %c0_i32, %c0_i32_0 : i32, i32
  }
  func.func @transform_11(%arg0: i32) -> (i32, i32) {
    %c0_i32 = arith.constant 0 : i32
    %c0_i32_0 = arith.constant 0 : i32
    %c0_i32_1 = arith.constant 0 : i32
    return %c0_i32, %c0_i32_0 : i32, i32
  }
  func.func @transform_12(%arg0: i32) -> (i32, i32) {
    %c0_i32 = arith.constant 0 : i32
    %c0_i32_0 = arith.constant 0 : i32
    %c0_i32_1 = arith.constant 0 : i32
    return %c0_i32, %c0_i32_0 : i32, i32
  }
  func.func @transform_13(%arg0: i32) -> (i32, i32) {
    %c0_i32 = arith.constant 0 : i32
    %c0_i32_0 = arith.constant 0 : i32
    %c0_i32_1 = arith.constant 0 : i32
    return %c0_i32, %c0_i32_0 : i32, i32
  }
  func.func @transform_14(%arg0: i32) -> (i32, i32) {
    %c0_i32 = arith.constant 0 : i32
    %c0_i32_0 = arith.constant 0 : i32
    %c0_i32_1 = arith.constant 0 : i32
    return %c0_i32, %c0_i32_0 : i32, i32
  }
  func.func @transform_15(%arg0: i32) -> (i32, i32) {
    %c0_i32 = arith.constant 0 : i32
    %c0_i32_0 = arith.constant 0 : i32
    %c0_i32_1 = arith.constant 0 : i32
    return %c0_i32, %c0_i32_0 : i32, i32
  }
  func.func @transform_16(%arg0: i32) -> (i32, i32) {
    %c0_i32 = arith.constant 0 : i32
    %c0_i32_0 = arith.constant 0 : i32
    %c0_i32_1 = arith.constant 0 : i32
    return %c0_i32, %c0_i32_0 : i32, i32
  }
  func.func @transform_17(%arg0: i32) -> (i32, i32) {
    %c0_i32 = arith.constant 0 : i32
    %c0_i32_0 = arith.constant 0 : i32
    %c0_i32_1 = arith.constant 0 : i32
    return %c0_i32, %c0_i32_0 : i32, i32
  }
  func.func @transform_18(%arg0: i32) -> (i32, i32) {
    %c0_i32 = arith.constant 0 : i32
    %c0_i32_0 = arith.constant 0 : i32
    return %arg0, %c0_i32 : i32, i32
  }
}

</mosaic_0001>

<sc_bundles>
// kernel: _run.7.cloned.1.call-start
scs
__scs_entry_jumppad:
0x0: {  	(pc) =	sbr.rel $0x88, $3  }
0x1: {  	(tag) =	ssettag $0x0;
	lr =	simm.s32 $0x1  }
0x2: {  	[smem:$0x3F6A] =	sst lr;
	_ =	strace $0xD0000000  }
0x3: {  	_ = 	snop  }
0x4: {  	_ = 	snop  }
0x5: {  	_ = 	snop  }
0x6: {  	_ = 	snop  }
0x7: {  	_ = 	snop  }
__scs_overlays_trampoline_lowered:
0x8: {  	[smem:$0x3F79] =	sst s0  }
0x9: {  	[smem:$0x3F7A] =	sst s1  }
0xa: {  	[smem:$0x3F7B] =	sst s2  }
0xb: {  	[smem:$0x3F7C] =	sst s3  }
0xc: {  	[smem:$0x3F7D] =	sst s4  }
0xd: {  	[smem:$0x3F7E] =	sst s5  }
0xe: {  	[smem:$0x3F7F] =	sst s6  }
0xf: {  	[smem:$0x3F80] =	sst s7  }
0x10: {  	[smem:$0x3F81] =	sst s8  }
0x11: {  	[smem:$0x3F82] =	sst s9;
	s0 =	simm.s32 @!p0 $0x0  }
0x12: {  	s1 =	sld [smem:$0x3F68];
	s0 =	simm.s32 @p0 $0x1  }
0x13: {  	[smem:$0x3F83] =	sst s0;
	s0 =	simm.s32 @!p1 $0x0  }
0x14: {  	s2 =	sld [smem:$0x3F67];
	s0 =	simm.s32 @p1 $0x1  }
0x15: {  	[smem:$0x3F84] =	sst s0;
	s0 =	simm.s32 @!p2 $0x0  }
0x16: {  	s3 =	sld [smem:$0x3FDB];
	s0 =	simm.s32 @p2 $0x1  }
0x17: {  	s4 =	simm.s32 $0x1BF5;
	[smem:$0x3F86] =	sst s0  }
0x18: {  	s0 =	sld [smem:$0x3F69];
	_ =	swait.ge [sflag:s4], $0x0  }
0x19: {  	s7 =	sld [smem:$0x3F6A]  }
0x1a: {  	s8 =	sadd.s32 $0xFFFFE003, lr  }
0x1b: {  	s9 =	sadd.s32 $0xFFFFFEF7, lr;
	s5 =	simm.s32 $0xFFFFFFFF;
	p2 =	slt.u32 s8, $0xFFFFF086  }
0x1c: {  	p1 =	slt.u32 s9, $0xF7A;
	s5 =	simm.s32 @!p2 $0x0  }
0x1d: {  	s5 =	simm.s32 @p1 $0x1;
	p0 =	seq.s32 s7, s2  }
0x1e: {  	s7 =	smul.u32 @!p0 $0xF7A, s2;
	p2 =	seq.s32 @!p0 s5, $0x0  }
0x1f: {  	s9 =	smul.u32 $0xF7A, s1;
	s8 =	simm.s32 @!p0 $0x1BF5;
	p2 =	por !p2, p0  }
0x20: {  	[sflag:s8] =	ssyncset.s32 @!p0 $0xFFFFF086;
	s6 =	sadd.s32 @!p0 s3, s7;
	s7 =	simm.s32 @!p0 $0x108  }
0x21: {  	s3 =	sadd.s32 s3, s9;
	s6 =	sadd.s32 @!p0 $0x88, s6;
	s7 =	simm.s32 @p2 $0x1082  }
0x22: {  	[simem:s7], [sflag:s8] =	dma.local @!p0 [hbm:s6], $0xF7A  }
0x23: {  	s9 =	sor.u32 $0xD0000000, s2;
	s6 =	simm.s32 $0x108;
	_ =	swait.ge @!p0 [sflag:s8], $0x0  }
0x24: {  	s3 =	sadd.s32 $0x88, s3;
	s6 =	simm.s32 @!p1 $0x1082;
	[sflag:s4] =	ssyncset.s32 $0xFFFFF086  }
0x25: {  	[simem:s6], [sflag:s4] =	dma.local [hbm:s3], $0xF7A  }
0x26: {  	[smem:$0x3F6A] =	sst s1;
	(tag) =	ssettag s2;
	_ =	strace s9  }
0x27: {  	s1 =	sld [smem:$0x3F7A]  }
0x28: {  	s2 =	sld [smem:$0x3F7B]  }
0x29: {  	s4 =	sld [smem:$0x3F7D]  }
0x2a: {  	p0 =	seq.s32 s5, $0x0;
	s5 =	sld [smem:$0x3F7E]  }
0x2b: {  	s6 =	sld [smem:$0x3F7F]  }
0x2c: {  	s7 =	sld [smem:$0x3F80]  }
0x2d: {  	s3 =	simm.s32 $0x108;
	s8 =	sld [smem:$0x3F81]  }
0x2e: {  	s3 =	simm.s32 @!p0 $0x1082;
	s9 =	sld [smem:$0x3F82]  }
0x2f: {  	lr =	sadd.s32 s0, s3;
	s0 =	sld [smem:$0x3F79]  }
0x30: {  	s3 =	sld [smem:$0x3F7C]  }
0x31: {  	[smem:$0x3F85] =	sst s10  }
0x32: {  	s10 =	sld [smem:$0x3F83];
	_ =	sdelay $0x3  }
0x33: {  	p0 =	seq.s32 s10, $0x1;
	s10 =	sld [smem:$0x3F85];
	_ =	sdelay $0x3  }
0x34: {  	[smem:$0x3F85] =	sst s10  }
0x35: {  	s10 =	sld [smem:$0x3F84];
	_ =	sdelay $0x3  }
0x36: {  	p1 =	seq.s32 s10, $0x1;
	s10 =	sld [smem:$0x3F85];
	_ =	sdelay $0x3  }
0x37: {  	[smem:$0x3F85] =	sst s10  }
0x38: {  	s10 =	sld [smem:$0x3F86]  }
0x39: {  	_ = 	snop;
	(pc) =	sbr.ind lr, $3  }
0x3a: {  	_ = 	snop  }
0x3b: {  	_ = 	snop  }
0x3c: {  	p2 =	seq.s32 s10, $0x1;
	s10 =	sld [smem:$0x3F85]  }
0x3d: {  	_ =	shalt  }
0x3e: {  	_ =	shalt  }
0x3f: {  	_ =	shalt  }
0x40: {  	_ =	shalt  }
0x41: {  	_ =	shalt  }
0x42: {  	_ =	shalt  }
0x43: {  	_ =	shalt  }
0x44: {  	_ =	shalt  }
0x45: {  	_ =	shalt  }
0x46: {  	_ =	shalt  }
0x47: {  	_ =	shalt  }
0x48: {  	_ =	shalt  }
0x49: {  	_ =	shalt  }
0x4a: {  	_ =	shalt  }
0x4b: {  	_ =	shalt  }
0x4c: {  	_ =	shalt  }
0x4d: {  	_ =	shalt  }
0x4e: {  	_ =	shalt  }
0x4f: {  	_ =	shalt  }
0x50: {  	_ =	shalt  }
0x51: {  	_ =	shalt  }
0x52: {  	_ =	shalt  }
0x53: {  	_ =	shalt  }
0x54: {  	_ =	shalt  }
0x55: {  	_ =	shalt  }
0x56: {  	_ =	shalt  }
0x57: {  	_ =	shalt  }
0x58: {  	_ =	shalt  }
0x59: {  	_ =	shalt  }
0x5a: {  	_ =	shalt  }
0x5b: {  	_ =	shalt  }
0x5c: {  	_ =	shalt  }
0x5d: {  	_ =	shalt  }
0x5e: {  	_ =	shalt  }
0x5f: {  	_ =	shalt  }
0x60: {  	_ =	shalt  }
0x61: {  	_ =	shalt  }
0x62: {  	_ =	shalt  }
0x63: {  	_ =	shalt  }
0x64: {  	_ =	shalt  }
0x65: {  	_ =	shalt  }
0x66: {  	_ =	shalt  }
0x67: {  	_ =	shalt  }
0x68: {  	_ =	shalt  }
0x69: {  	_ =	shalt  }
0x6a: {  	_ =	shalt  }
0x6b: {  	_ =	shalt  }
0x6c: {  	_ =	shalt  }
0x6d: {  	_ =	shalt  }
0x6e: {  	_ =	shalt  }
0x6f: {  	_ =	shalt  }
0x70: {  	_ =	shalt  }
0x71: {  	_ =	shalt  }
0x72: {  	_ =	shalt  }
0x73: {  	_ =	shalt  }
0x74: {  	_ =	shalt  }
0x75: {  	_ =	shalt  }
0x76: {  	_ =	shalt  }
0x77: {  	_ =	shalt  }
0x78: {  	_ =	shalt  }
0x79: {  	_ =	shalt  }
0x7a: {  	_ =	shalt  }
0x7b: {  	_ =	shalt  }
0x7c: {  	_ =	shalt  }
0x7d: {  	_ =	shalt  }
0x7e: {  	_ =	shalt  }
0x7f: {  	_ =	shalt  }
0x80: {  	_ =	shalt  }
0x81: {  	_ =	shalt  }
0x82: {  	_ =	shalt  }
0x83: {  	_ =	shalt  }
0x84: {  	_ =	shalt  }
0x85: {  	_ =	shalt  }
0x86: {  	_ =	shalt  }
0x87: {  	_ =	shalt  }
.Lfunc_end0:
.L_simem_size_0:
called_computation.1_lowered:
.L_overlay_start_0:
0x88: {  	s2 =	sld [smem:$0x3FD9]  }
0x89: {  	s3 =	sld [smem:$0x3FFE];
	_ =	sdelay $0x1  }
0x8a: {  	s1 =	srdreg.scid  }
0x8b: {  	s0 =	sand.u32 $0x1, s1  }
0x8c: {  	s17 =	sshll.u32 s0, $0xA;
	s2 =	sadd.s32 s3, s2  }
0x8d: {  	s2 =	sadd.s32 s2, s17  }
0x8e: {  	[smem:$0x3F91] =	sst s2  }
0x8f: {  	_ = 	snop  }
0x90: {  	s2 =	sld [smem:$0x3FD0];
	(tm) =	ssettm $0x1  }
0x91: {  	s18 =	sld [smem:$0x3FFB];
	_ =	sdelay $0x3  }
0x92: {  	_ =	strace s18  }
0x93: {  	s3 =	sld [smem:$0x3FFC];
	_ =	sdelay $0x3  }
0x94: {  	_ =	strace s3  }
0x95: {  	s3 =	sld [smem:$0x3FFD];
	_ =	sdelay $0x3  }
0x96: {  	_ =	strace s3  }
0x97: {  	_ =	strace $0x8FFFFFFF  }
0x98: {  	s19 =	sld [smem:$0x3FDB];
	_ =	sdelay $0x1  }
0x99: {  	s4 =	simm.s32 $_scs_section_size  }
0x9a: {  	s5 =	simm.s32 $_size__tile_overlayer_lowered;
	s6 =	simm.s32 $_tile_overlayer_lowered  }
0x9b: {  	s22 =	simm.s32 $0x1BFF;
	s21 =	sshll.u32 s6, $0x1;
	s3 =	sadd.s32 s4, s19  }
0x9c: {  	s7 =	simm.s32 $0x0;
	s20 =	sshll.u32 s5, $0x1;
	s5 =	sadd.s32 s21, s3  }
0x9d: {  	[timem:s7], [sflag:s22] =	dma.local [hbm:s5], s20  }
0x9e: {  	_ =	swait.ge [sflag:s22], s20  }
0x9f: {  	s4 =	ssub.s32 $0x0, s20;
	[sflag:s22] =	ssyncset.done $0x0  }
0xa0: {  	[sflag:s22] =	ssyncadd.s32 s4;
	_ =	sdelay $0x1  }
0xa1: {  	s23 =	simm.s32 $0x1B8B  }
0xa2: {  	_ =	swait.ge [sflag:s23], $0x1  }
0xa3: {  	[sflag:s23] =	ssyncset.done $0x0  }
0xa4: {  	s25 =	simm.s32 $0x1B8E;
	s24 =	sld [smem:$0x3FFE];
	[sflag:s23] =	ssyncadd.s32 $0xFFFFFFFF  }
0xa5: {  	s26 =	simm.s32 $execute0_lowered;
	[smem:$0x3FD2] =	sst s25  }
0xa6: {  	s5 =	sshll.u32 s26, $0x1;
	_ =	strace $0x80000046;
	[dreg:$0x1] =	wrdreg $0xFFFFFFFF  }
0xa7: {  	s28 =	simm.s32 $_size_execute0_lowered;
	s3 =	sadd.s32 s3, s5;
	[dreg:$0x0] =	wrdreg $0x0  }
0xa8: {  	s5 =	sshll.u32 s28, $0x1;
	[dreg:$0x2] =	wrdreg s3  }
0xa9: {  	[dreg:$0x3] =	wrdreg s5  }
0xaa: {  	[dreg:$0x4] =	wrdreg $0xC0  }
0xab: {  	_ =	task [dreg:s7], $0x5FFFF  }
0xac: {  	[dreg:$0x1] =	wrdreg $0xFFFFFFFF  }
0xad: {  	[dreg:$0x0] =	wrdreg $0x60  }
0xae: {  	[dreg:$0x2] =	wrdreg s24  }
0xaf: {  	[dreg:$0x3] =	wrdreg s2  }
0xb0: {  	[dreg:$0x4] =	wrdreg $0x9  }
0xb1: {  	_ =	task.clear_ibuf [dreg:s7], $0x5FFFF;
	_ =	strace $0x90000046  }
0xb2: {  	s29 =	simm.s32 $0x9;
	_ =	strace $0x80000048  }
0xb3: {  	_ =	swait.ge [sflag:s29], $0x1  }
0xb4: {  	[sflag:s29] =	ssyncadd.s32 $0xFFFFFFFF  }
0xb5: {  	_ =	strace $0x90000048  }
0xb6: {  	_ =	sfence  }
0xb7: {  	s30 =	sld [smem:$0x0];
	_ =	sdelay $0x2  }
0xb8: {  	s31 =	sshll.u32 s1, $0xD;
	s1 =	sshrl.u32 s1, $0x2  }
0xb9: {  	s3 =	sand.u32 $0x4000, s31;
	s1 =	sadd.s32 s1, s30  }
0xba: {  	s0 =	sor.u32 s3, s0;
	s1 =	sshll.u32 s1, $0x11  }
0xbb: {  	s0 =	sor.u32 s1, s0  }
0xbc: {  	s0 =	sadd.s32 $0x8F2B, s0  }
0xbd: {  	[sflag:s0] =	ssyncadd.remote.s32 $0x1  }
0xbe: {  	_ =	sfence.sel $0xFFFF  }
0xbf: {  	[dreg:$0x0] =	wrdreg $0xFFFFFFFF;
	(pc) =	sbr.abs _section_cstart, $3  }
0xc0: {  	[dreg:$0x1] =	wrdreg $0xFFFFFFFF  }
0xc1: {  	_ =	task.clear_ibuf [dreg:s7], $0x2FFFF;
	_ =	strace $0x9FFFFFFF  }
0xc2: {  	(tm) =	ssettm $0x7FFFFFFF  }
0xc3: {  	_ =	shalt  }
tec
execute0_lowered:
.L_overlay_start_1:
0x0: {  	(tag) =	ssettag $0x1  }
0x1: {  	s4 =	rddreg [dreg:$0x0]  }
0x2: {  	s5 =	rddreg [dreg:$0x1]  }
0x3: {  	s0 =	rddreg [dreg:$0x2]  }
0x4: {  	s3 =	srdreg.scid;
	s1 =	stileid.u32;
	s2 =	simm.s32 $0x0  }
0x5: {  	s13 =	simm.s32 $0x13000;
	s14 =	simm.s32 $0x9A00;
	s15 =	simm.s32 $0x16200  }
0x6: {  	s16 =	simm.s32 $0xCC00;
	s17 =	simm.s32 $0x19400;
	s18 =	simm.s32 $0xFE00  }
0x7: {  	s19 =	simm.s32 $0x1C600;
	s20 =	simm.s32 $0x1;
	s21 =	simm.s32 $0x0  }
0x8: {  	s6 =	sand.u32 $0x1, s3;
	s30 =	sshll.u32 s1, $0x1;
	s8 =	smul.u32 $0x4E200, s1  }
0x9: {  	[smem:$0x7FF] =	sst s2;
	s3 =	sor.u32 s6, s30;
	s12 =	smul.u32 $0x27100, s6  }
0xa: {  	_ =	strace $0x80000047;
	s9 =	ssub.s32 $0x2, s6;
	s7 =	smul.u32 $0x680, s3  }
0xb: {  	s3 =	sadd.s32 $0x13600, s4;
	s11 =	sshrl.u32 s9, $0x1;
	s8 =	sadd.s32 s8, s4  }
0xc: {  	s31 =	ssub.s32 s9, s11;
	s8 =	sadd.s32 s12, s8;
	s9 =	simm.s32 $0x2  }
0xd: {  	s11 =	simm.s32 $0x64;
	s12 =	simm.s32 $0x6800;
	s10 =	sadd.s32 s7, s4  }
0xe: {  	s4 =	sadd.s32 s5, s7;
	s6 =	smax.u32 s31, $0x1;
	s7 =	sadd.s32 $0x8B600, s8  }
0xf: {  	s8 =	sadd.s32 $0x56D600, s8;
	s5 =	sadd.s32 $0x6600, s10;
	s10 =	simm.s32 $0x3400  }
.LBB2_1:
0x10: {  	[tilespmem:s2], [sflag:$0x2] =	stream.linear.gather [hbm4b:s4+s2], $0x3200, $0x38;
	[tilespmem:$0x1F800] =	vst v63  }
0x11: {  	_ =	swait.ge [sflag:s9], $0x3200  }
0x12: {  	[sflag:s9] =	ssyncset.done $0x0  }
0x13: {  	[sflag:s9] =	ssyncadd.s32 $0xFFFFCE00  }
0x14: {  	[tilespmem:s10], [sflag:$0x2] =	stream.linear.gather [hbm4b:s5+s2], $0x3200, $0x38;
	[tilespmem:$0x1F800] =	vst v63  }
0x15: {  	_ =	swait.ge [sflag:s9], $0x3200  }
0x16: {  	[sflag:s9] =	ssyncset.done $0x0  }
0x17: {  	s22 =	simm.s32 $0x0;
	[sflag:s9] =	ssyncadd.s32 $0xFFFFCE00  }
0x18: {  	[tilespmem:s12], [sflag:$0x1] =	stream.indirect.gather [hbm4b:s3+s11], $0x80, s22, s11, $0xb8;
	[tilespmem:$0x1F800] =	vst v63  }
0x19: {  	s24 =	simm.s32 $0x3400  }
0x1a: {  	[tilespmem:s13], [sflag:$0x1] =	stream.indirect.gather [hbm4b:s3+s11], $0x80, s24, s11, $0xb8;
	[tilespmem:$0x1F800] =	vst v63  }
0x1b: {  	s25 =	simm.s32 $0x80  }
0x1c: {  	[tilespmem:s14], [sflag:$0x1] =	stream.indirect.gather [hbm4b:s3+s11], $0x80, s25, s11, $0xb8;
	[tilespmem:$0x1F800] =	vst v63  }
0x1d: {  	s26 =	simm.s32 $0x3480  }
0x1e: {  	[tilespmem:s15], [sflag:$0x1] =	stream.indirect.gather [hbm4b:s3+s11], $0x80, s26, s11, $0xb8;
	[tilespmem:$0x1F800] =	vst v63  }
0x1f: {  	s28 =	simm.s32 $0x100  }
0x20: {  	[tilespmem:s16], [sflag:$0x1] =	stream.indirect.gather [hbm4b:s3+s11], $0x80, s28, s11, $0xb8;
	[tilespmem:$0x1F800] =	vst v63  }
0x21: {  	s29 =	simm.s32 $0x3500  }
0x22: {  	[tilespmem:s17], [sflag:$0x1] =	stream.indirect.gather [hbm4b:s3+s11], $0x80, s29, s11, $0xb8;
	[tilespmem:$0x1F800] =	vst v63  }
0x23: {  	s30 =	simm.s32 $0x180  }
0x24: {  	[tilespmem:s18], [sflag:$0x1] =	stream.indirect.gather [hbm4b:s3+s11], $0x80, s30, s11, $0xb8;
	[tilespmem:$0x1F800] =	vst v63  }
0x25: {  	s31 =	simm.s32 $0x3580  }
0x26: {  	[tilespmem:s19], [sflag:$0x1] =	stream.indirect.gather [hbm4b:s3+s11], $0x80, s31, s11, $0xb8;
	[tilespmem:$0x1F800] =	vst v63  }
0x27: {  	_ =	swait.ge [sflag:s20], $0x3200  }
0x28: {  	[sflag:s20] =	ssyncset.done $0x0  }
0x29: {  	[sflag:s20] =	ssyncadd.s32 $0xFFFFCE00  }
0x2a: {  	_ =	swait.ge [sflag:s20], $0x3200  }
0x2b: {  	[sflag:s20] =	ssyncset.done $0x0  }
0x2c: {  	[sflag:s20] =	ssyncadd.s32 $0xFFFFCE00  }
0x2d: {  	_ =	swait.ge [sflag:s20], $0x3200  }
0x2e: {  	[sflag:s20] =	ssyncset.done $0x0  }
0x2f: {  	[sflag:s20] =	ssyncadd.s32 $0xFFFFCE00  }
0x30: {  	_ =	swait.ge [sflag:s20], $0x3200  }
0x31: {  	[sflag:s20] =	ssyncset.done $0x0  }
0x32: {  	[sflag:s20] =	ssyncadd.s32 $0xFFFFCE00  }
0x33: {  	_ =	swait.ge [sflag:s20], $0x3200  }
0x34: {  	[sflag:s20] =	ssyncset.done $0x0  }
0x35: {  	[sflag:s20] =	ssyncadd.s32 $0xFFFFCE00  }
0x36: {  	_ =	swait.ge [sflag:s20], $0x3200  }
0x37: {  	[sflag:s20] =	ssyncset.done $0x0  }
0x38: {  	[sflag:s20] =	ssyncadd.s32 $0xFFFFCE00  }
0x39: {  	_ =	swait.ge [sflag:s20], $0x3200  }
0x3a: {  	[sflag:s20] =	ssyncset.done $0x0  }
0x3b: {  	[sflag:s20] =	ssyncadd.s32 $0xFFFFCE00  }
0x3c: {  	_ =	swait.ge [sflag:s20], $0x3200  }
0x3d: {  	[sflag:s20] =	ssyncset.done $0x0  }
0x3e: {  	[sflag:s20] =	ssyncadd.s32 $0xFFFFCE00  }
0x3f: {  	[hbm4b:s7+s2] =	stream.linear.scatter [tilespmem:s12], [sflag:$0x2], $0xC800, $0x38;
	[tilespmem:$0x1F800] =	vst v63  }
0x40: {  	_ =	swait.ge [sflag:s9], $0xC800  }
0x41: {  	[sflag:s9] =	ssyncset.done $0x0  }
0x42: {  	[sflag:s9] =	ssyncadd.s32 $0xFFFF3800  }
0x43: {  	[hbm4b:s8+s2] =	stream.linear.scatter [tilespmem:s13], [sflag:$0x2], $0xC800, $0x38;
	[tilespmem:$0x1F800] =	vst v63  }
0x44: {  	s23 =	sadd.s32 $0x1900, s7;
	s22 =	sadd.s32 $0x1900, s8;
	_ =	swait.ge [sflag:s9], $0xC800  }
0x45: {  	s24 =	simm.s32 $0x800;
	s26 =	simm.s32 $0x1000;
	[sflag:s9] =	ssyncset.done $0x0  }
.LBB2_2:
0x46: {  	s28 =	sshra.s32 s24, $0x2  }
0x47: {  	[sflag:s9] =	ssyncadd.s32 $0xFFFF3800;
	s24 =	smov.u32 s26;
	s25 =	sadd.s32 $0x800, s26  }
0x48: {  	[tilespmem:s12], [sflag:$0x1] =	stream.indirect.gather [hbm4b:s3+s11], $0x80, s28, s11, $0xb8;
	[tilespmem:$0x1F800] =	vst v63  }
0x49: {  	p0 =	sne.s32 s26, $0xC000;
	s26 =	sadd.s32 $0x3400, s28  }
0x4a: {  	[tilespmem:s13], [sflag:$0x1] =	stream.indirect.gather [hbm4b:s3+s11], $0x80, s26, s11, $0xb8;
	[tilespmem:$0x1F800] =	vst v63  }
0x4b: {  	s26 =	sadd.s32 $0x80, s28  }
0x4c: {  	[tilespmem:s14], [sflag:$0x1] =	stream.indirect.gather [hbm4b:s3+s11], $0x80, s26, s11, $0xb8;
	[tilespmem:$0x1F800] =	vst v63  }
0x4d: {  	s26 =	sadd.s32 $0x3480, s28  }
0x4e: {  	[tilespmem:s15], [sflag:$0x1] =	stream.indirect.gather [hbm4b:s3+s11], $0x80, s26, s11, $0xb8;
	[tilespmem:$0x1F800] =	vst v63  }
0x4f: {  	s26 =	sadd.s32 $0x100, s28  }
0x50: {  	[tilespmem:s16], [sflag:$0x1] =	stream.indirect.gather [hbm4b:s3+s11], $0x80, s26, s11, $0xb8;
	[tilespmem:$0x1F800] =	vst v63  }
0x51: {  	s26 =	sadd.s32 $0x3500, s28  }
0x52: {  	[tilespmem:s17], [sflag:$0x1] =	stream.indirect.gather [hbm4b:s3+s11], $0x80, s26, s11, $0xb8;
	[tilespmem:$0x1F800] =	vst v63  }
0x53: {  	s26 =	sadd.s32 $0x180, s28  }
0x54: {  	[tilespmem:s18], [sflag:$0x1] =	stream.indirect.gather [hbm4b:s3+s11], $0x80, s26, s11, $0xb8;
	[tilespmem:$0x1F800] =	vst v63  }
0x55: {  	s26 =	sadd.s32 $0x3580, s28  }
0x56: {  	[tilespmem:s19], [sflag:$0x1] =	stream.indirect.gather [hbm4b:s3+s11], $0x80, s26, s11, $0xb8;
	[tilespmem:$0x1F800] =	vst v63  }
0x57: {  	_ =	swait.ge [sflag:s20], $0x3200  }
0x58: {  	[sflag:s20] =	ssyncset.done $0x0  }
0x59: {  	[sflag:s20] =	ssyncadd.s32 $0xFFFFCE00  }
0x5a: {  	_ =	swait.ge [sflag:s20], $0x3200  }
0x5b: {  	[sflag:s20] =	ssyncset.done $0x0  }
0x5c: {  	[sflag:s20] =	ssyncadd.s32 $0xFFFFCE00  }
0x5d: {  	_ =	swait.ge [sflag:s20], $0x3200  }
0x5e: {  	[sflag:s20] =	ssyncset.done $0x0  }
0x5f: {  	[sflag:s20] =	ssyncadd.s32 $0xFFFFCE00  }
0x60: {  	_ =	swait.ge [sflag:s20], $0x3200  }
0x61: {  	[sflag:s20] =	ssyncset.done $0x0  }
0x62: {  	[sflag:s20] =	ssyncadd.s32 $0xFFFFCE00  }
0x63: {  	_ =	swait.ge [sflag:s20], $0x3200  }
0x64: {  	[sflag:s20] =	ssyncset.done $0x0  }
0x65: {  	[sflag:s20] =	ssyncadd.s32 $0xFFFFCE00  }
0x66: {  	_ =	swait.ge [sflag:s20], $0x3200  }
0x67: {  	[sflag:s20] =	ssyncset.done $0x0  }
0x68: {  	[sflag:s20] =	ssyncadd.s32 $0xFFFFCE00  }
0x69: {  	_ =	swait.ge [sflag:s20], $0x3200  }
0x6a: {  	[sflag:s20] =	ssyncset.done $0x0  }
0x6b: {  	[sflag:s20] =	ssyncadd.s32 $0xFFFFCE00  }
0x6c: {  	_ =	swait.ge [sflag:s20], $0x3200  }
0x6d: {  	[sflag:s20] =	ssyncset.done $0x0  }
0x6e: {  	[sflag:s20] =	ssyncadd.s32 $0xFFFFCE00  }
0x6f: {  	[hbm4b:s23+s2] =	stream.linear.scatter [tilespmem:s12], [sflag:$0x2], $0xC800, $0x38;
	[tilespmem:$0x1F800] =	vst v63  }
0x70: {  	_ =	swait.ge [sflag:s9], $0xC800  }
.Ltmp0:
0x71: {  	[sflag:s9] =	ssyncset.done $0x0;
	(pc) =	sbr.rel @p0 .LBB2_2-.Ltmp0, $4  }
0x72: {  	[sflag:s9] =	ssyncadd.s32 $0xFFFF3800  }
0x73: {  	[hbm4b:s22+s2] =	stream.linear.scatter [tilespmem:s13], [sflag:$0x2], $0xC800, $0x38;
	[tilespmem:$0x1F800] =	vst v63  }
0x74: {  	s26 =	smov.u32 s25;
	_ =	swait.ge [sflag:s9], $0xC800  }
0x75: {  	s23 =	sadd.s32 $0x1900, s23;
	s22 =	sadd.s32 $0x1900, s22;
	[sflag:s9] =	ssyncset.done $0x0  }
0x76: {  	s24 =	sshra.s32 s24, $0x2;
	[sflag:s9] =	ssyncadd.s32 $0xFFFF3800  }
0x77: {  	[tilespmem:s12], [sflag:$0x1] =	stream.indirect.gather [hbm4b:s3+s11], $0x80, s24, s11, $0xb8;
	[tilespmem:$0x1F800] =	vst v63  }
0x78: {  	s25 =	sadd.s32 $0x3400, s24  }
0x79: {  	[tilespmem:s13], [sflag:$0x1] =	stream.indirect.gather [hbm4b:s3+s11], $0x80, s25, s11, $0xb8;
	[tilespmem:$0x1F800] =	vst v63  }
0x7a: {  	s26 =	sadd.s32 $0x80, s24  }
0x7b: {  	[tilespmem:s14], [sflag:$0x1] =	stream.indirect.gather [hbm4b:s3+s11], $0x80, s26, s11, $0xb8;
	[tilespmem:$0x1F800] =	vst v63  }
0x7c: {  	s28 =	sadd.s32 $0x3480, s24  }
0x7d: {  	[tilespmem:s15], [sflag:$0x1] =	stream.indirect.gather [hbm4b:s3+s11], $0x80, s28, s11, $0xb8;
	[tilespmem:$0x1F800] =	vst v63  }
0x7e: {  	s29 =	sadd.s32 $0x100, s24  }
0x7f: {  	[tilespmem:s16], [sflag:$0x1] =	stream.indirect.gather [hbm4b:s3+s11], $0x80, s29, s11, $0xb8;
	[tilespmem:$0x1F800] =	vst v63  }
0x80: {  	s30 =	sadd.s32 $0x3500, s24  }
0x81: {  	[tilespmem:s17], [sflag:$0x1] =	stream.indirect.gather [hbm4b:s3+s11], $0x80, s30, s11, $0xb8;
	[tilespmem:$0x1F800] =	vst v63  }
0x82: {  	s31 =	sadd.s32 $0x180, s24  }
0x83: {  	[tilespmem:s18], [sflag:$0x1] =	stream.indirect.gather [hbm4b:s3+s11], $0x80, s31, s11, $0xb8;
	[tilespmem:$0x1F800] =	vst v63  }
0x84: {  	s24 =	sadd.s32 $0x3580, s24  }
0x85: {  	[tilespmem:s19], [sflag:$0x1] =	stream.indirect.gather [hbm4b:s3+s11], $0x80, s24, s11, $0xb8;
	[tilespmem:$0x1F800] =	vst v63  }
0x86: {  	_ =	swait.ge [sflag:s20], $0x3200  }
0x87: {  	[sflag:s20] =	ssyncset.done $0x0  }
0x88: {  	[sflag:s20] =	ssyncadd.s32 $0xFFFFCE00  }
0x89: {  	_ =	swait.ge [sflag:s20], $0x3200  }
0x8a: {  	[sflag:s20] =	ssyncset.done $0x0  }
0x8b: {  	[sflag:s20] =	ssyncadd.s32 $0xFFFFCE00  }
0x8c: {  	_ =	swait.ge [sflag:s20], $0x3200  }
0x8d: {  	[sflag:s20] =	ssyncset.done $0x0  }
0x8e: {  	[sflag:s20] =	ssyncadd.s32 $0xFFFFCE00  }
0x8f: {  	_ =	swait.ge [sflag:s20], $0x3200  }
0x90: {  	[sflag:s20] =	ssyncset.done $0x0  }
0x91: {  	[sflag:s20] =	ssyncadd.s32 $0xFFFFCE00  }
0x92: {  	_ =	swait.ge [sflag:s20], $0x3200  }
0x93: {  	[sflag:s20] =	ssyncset.done $0x0  }
0x94: {  	[sflag:s20] =	ssyncadd.s32 $0xFFFFCE00  }
0x95: {  	_ =	swait.ge [sflag:s20], $0x3200  }
0x96: {  	[sflag:s20] =	ssyncset.done $0x0  }
0x97: {  	[sflag:s20] =	ssyncadd.s32 $0xFFFFCE00  }
0x98: {  	_ =	swait.ge [sflag:s20], $0x3200  }
0x99: {  	[sflag:s20] =	ssyncset.done $0x0  }
0x9a: {  	[sflag:s20] =	ssyncadd.s32 $0xFFFFCE00  }
0x9b: {  	_ =	swait.ge [sflag:s20], $0x3200  }
0x9c: {  	[sflag:s20] =	ssyncset.done $0x0  }
0x9d: {  	[sflag:s20] =	ssyncadd.s32 $0xFFFFCE00  }
0x9e: {  	[hbm4b:s23+s2] =	stream.linear.scatter [tilespmem:s12], [sflag:$0x2], $0xC800, $0x38;
	[tilespmem:$0x1F800] =	vst v63  }
0x9f: {  	s21 =	sadd.s32 $0x1, s21;
	_ =	swait.ge [sflag:s9], $0xC800  }
0xa0: {  	p0 =	sne.s32 s21, s6;
	[sflag:s9] =	ssyncset.done $0x0  }
.Ltmp1:
0xa1: {  	[sflag:s9] =	ssyncadd.s32 $0xFFFF3800;
	(pc) =	sbr.rel @p0 .LBB2_1-.Ltmp1, $4  }
0xa2: {  	[hbm4b:s22+s2] =	stream.linear.scatter [tilespmem:s13], [sflag:$0x2], $0xC800, $0x38;
	[tilespmem:$0x1F800] =	vst v63  }
0xa3: {  	_ =	swait.ge [sflag:s9], $0xC800  }
0xa4: {  	[sflag:s9] =	ssyncset.done $0x0  }
0xa5: {  	[sflag:s9] =	ssyncadd.s32 $0xFFFF3800  }
0xa6: {  	_ =	sfence.sel $0x180000  }
0xa7: {  	[bflag:$0x0] =	sbarrier.arrive $0xFFFF  }
0xa8: {  	p0 =	sne.s32 s1, $0x0;
	_ =	strace $0x90000047  }
0xa9: {  	s0 =	sadd.s32 @!p0 $0x100000, s0;
	[bflag:$0x2] =	sbarrier.arrive $0xFFFF  }
0xaa: {  	[sflag:s0] =	ssyncadd.tile.s32 @!p0 $0x1;
	_ =	shalt  }
.Lfunc_end2:
_tile_overlayer_lowered:
.L_overlay_start_2:
0xab: {  	(tag) =	ssettag $0x2  }
0xac: {  	s0 =	rddreg [dreg:$0x0];
	s2 =	stileid.u32  }
0xad: {  	s1 =	rddreg [dreg:$0x1];
	p0 =	sne.s32 s2, $0x0  }
0xae: {  	s3 =	rddreg [dreg:$0x2];
	[bflag:$0x3] =	sbarrier.arrive $0xFFFF;
	s2 =	simm.s32 @!p0 $0x1C02  }
0xaf: {  	[timem:s3], [sflag:s2] =	dma.local @!p0 [hbm:s0], s1  }
0xb0: {  	s0 =	simm.s32 @!p0 $0x2  }
0xb1: {  	_ =	swait.ge @!p0 [sflag:s0], s1  }
0xb2: {  	s1 =	ssub.s32 @!p0 $0x0, s1;
	[sflag:s0] =	ssyncset.done @!p0 $0x0  }
0xb3: {  	[sflag:s0] =	ssyncadd.s32 @!p0 s1  }
0xb4: {  	[bflag:$0x3] =	sbarrier.arrive $0xFFFF  }
0xb5: {  	_ =	shalt  }

// kernel: scatter_offload_async_start
scs
__scs_entry_jumppad:
0x0: {  	(pc) =	sbr.rel $0x88, $3  }
0x1: {  	(tag) =	ssettag $0x0;
	lr =	simm.s32 $0x1  }
0x2: {  	[smem:$0x3F6A] =	sst lr;
	_ =	strace $0xD0000000  }
0x3: {  	_ = 	snop  }
0x4: {  	_ = 	snop  }
0x5: {  	_ = 	snop  }
0x6: {  	_ = 	snop  }
0x7: {  	_ = 	snop  }
__scs_overlays_trampoline_lowered:
0x8: {  	[smem:$0x3F79] =	sst s0  }
0x9: {  	[smem:$0x3F7A] =	sst s1  }
0xa: {  	[smem:$0x3F7B] =	sst s2  }
0xb: {  	[smem:$0x3F7C] =	sst s3  }
0xc: {  	[smem:$0x3F7D] =	sst s4  }
0xd: {  	[smem:$0x3F7E] =	sst s5  }
0xe: {  	[smem:$0x3F7F] =	sst s6  }
0xf: {  	[smem:$0x3F80] =	sst s7  }
0x10: {  	[smem:$0x3F81] =	sst s8  }
0x11: {  	[smem:$0x3F82] =	sst s9;
	s0 =	simm.s32 @!p0 $0x0  }
0x12: {  	s1 =	sld [smem:$0x3F68];
	s0 =	simm.s32 @p0 $0x1  }
0x13: {  	[smem:$0x3F83] =	sst s0;
	s0 =	simm.s32 @!p1 $0x0  }
0x14: {  	s2 =	sld [smem:$0x3F67];
	s0 =	simm.s32 @p1 $0x1  }
0x15: {  	[smem:$0x3F84] =	sst s0;
	s0 =	simm.s32 @!p2 $0x0  }
0x16: {  	s3 =	sld [smem:$0x3FDB];
	s0 =	simm.s32 @p2 $0x1  }
0x17: {  	s4 =	simm.s32 $0x1BF5;
	[smem:$0x3F86] =	sst s0  }
0x18: {  	s0 =	sld [smem:$0x3F69];
	_ =	swait.ge [sflag:s4], $0x0  }
0x19: {  	s7 =	sld [smem:$0x3F6A]  }
0x1a: {  	s8 =	sadd.s32 $0xFFFFE003, lr  }
0x1b: {  	s9 =	sadd.s32 $0xFFFFFEF7, lr;
	s5 =	simm.s32 $0xFFFFFFFF;
	p2 =	slt.u32 s8, $0xFFFFF086  }
0x1c: {  	p1 =	slt.u32 s9, $0xF7A;
	s5 =	simm.s32 @!p2 $0x0  }
0x1d: {  	s5 =	simm.s32 @p1 $0x1;
	p0 =	seq.s32 s7, s2  }
0x1e: {  	s7 =	smul.u32 @!p0 $0xF7A, s2;
	p2 =	seq.s32 @!p0 s5, $0x0  }
0x1f: {  	s9 =	smul.u32 $0xF7A, s1;
	s8 =	simm.s32 @!p0 $0x1BF5;
	p2 =	por !p2, p0  }
0x20: {  	[sflag:s8] =	ssyncset.s32 @!p0 $0xFFFFF086;
	s6 =	sadd.s32 @!p0 s3, s7;
	s7 =	simm.s32 @!p0 $0x108  }
0x21: {  	s3 =	sadd.s32 s3, s9;
	s6 =	sadd.s32 @!p0 $0x88, s6;
	s7 =	simm.s32 @p2 $0x1082  }
0x22: {  	[simem:s7], [sflag:s8] =	dma.local @!p0 [hbm:s6], $0xF7A  }
0x23: {  	s9 =	sor.u32 $0xD0000000, s2;
	s6 =	simm.s32 $0x108;
	_ =	swait.ge @!p0 [sflag:s8], $0x0  }
0x24: {  	s3 =	sadd.s32 $0x88, s3;
	s6 =	simm.s32 @!p1 $0x1082;
	[sflag:s4] =	ssyncset.s32 $0xFFFFF086  }
0x25: {  	[simem:s6], [sflag:s4] =	dma.local [hbm:s3], $0xF7A  }
0x26: {  	[smem:$0x3F6A] =	sst s1;
	(tag) =	ssettag s2;
	_ =	strace s9  }
0x27: {  	s1 =	sld [smem:$0x3F7A]  }
0x28: {  	s2 =	sld [smem:$0x3F7B]  }
0x29: {  	s4 =	sld [smem:$0x3F7D]  }
0x2a: {  	p0 =	seq.s32 s5, $0x0;
	s5 =	sld [smem:$0x3F7E]  }
0x2b: {  	s6 =	sld [smem:$0x3F7F]  }
0x2c: {  	s7 =	sld [smem:$0x3F80]  }
0x2d: {  	s3 =	simm.s32 $0x108;
	s8 =	sld [smem:$0x3F81]  }
0x2e: {  	s3 =	simm.s32 @!p0 $0x1082;
	s9 =	sld [smem:$0x3F82]  }
0x2f: {  	lr =	sadd.s32 s0, s3;
	s0 =	sld [smem:$0x3F79]  }
0x30: {  	s3 =	sld [smem:$0x3F7C]  }
0x31: {  	[smem:$0x3F85] =	sst s10  }
0x32: {  	s10 =	sld [smem:$0x3F83];
	_ =	sdelay $0x3  }
0x33: {  	p0 =	seq.s32 s10, $0x1;
	s10 =	sld [smem:$0x3F85];
	_ =	sdelay $0x3  }
0x34: {  	[smem:$0x3F85] =	sst s10  }
0x35: {  	s10 =	sld [smem:$0x3F84];
	_ =	sdelay $0x3  }
0x36: {  	p1 =	seq.s32 s10, $0x1;
	s10 =	sld [smem:$0x3F85];
	_ =	sdelay $0x3  }
0x37: {  	[smem:$0x3F85] =	sst s10  }
0x38: {  	s10 =	sld [smem:$0x3F86]  }
0x39: {  	_ = 	snop;
	(pc) =	sbr.ind lr, $3  }
0x3a: {  	_ = 	snop  }
0x3b: {  	_ = 	snop  }
0x3c: {  	p2 =	seq.s32 s10, $0x1;
	s10 =	sld [smem:$0x3F85]  }
0x3d: {  	_ =	shalt  }
0x3e: {  	_ =	shalt  }
0x3f: {  	_ =	shalt  }
0x40: {  	_ =	shalt  }
0x41: {  	_ =	shalt  }
0x42: {  	_ =	shalt  }
0x43: {  	_ =	shalt  }
0x44: {  	_ =	shalt  }
0x45: {  	_ =	shalt  }
0x46: {  	_ =	shalt  }
0x47: {  	_ =	shalt  }
0x48: {  	_ =	shalt  }
0x49: {  	_ =	shalt  }
0x4a: {  	_ =	shalt  }
0x4b: {  	_ =	shalt  }
0x4c: {  	_ =	shalt  }
0x4d: {  	_ =	shalt  }
0x4e: {  	_ =	shalt  }
0x4f: {  	_ =	shalt  }
0x50: {  	_ =	shalt  }
0x51: {  	_ =	shalt  }
0x52: {  	_ =	shalt  }
0x53: {  	_ =	shalt  }
0x54: {  	_ =	shalt  }
0x55: {  	_ =	shalt  }
0x56: {  	_ =	shalt  }
0x57: {  	_ =	shalt  }
0x58: {  	_ =	shalt  }
0x59: {  	_ =	shalt  }
0x5a: {  	_ =	shalt  }
0x5b: {  	_ =	shalt  }
0x5c: {  	_ =	shalt  }
0x5d: {  	_ =	shalt  }
0x5e: {  	_ =	shalt  }
0x5f: {  	_ =	shalt  }
0x60: {  	_ =	shalt  }
0x61: {  	_ =	shalt  }
0x62: {  	_ =	shalt  }
0x63: {  	_ =	shalt  }
0x64: {  	_ =	shalt  }
0x65: {  	_ =	shalt  }
0x66: {  	_ =	shalt  }
0x67: {  	_ =	shalt  }
0x68: {  	_ =	shalt  }
0x69: {  	_ =	shalt  }
0x6a: {  	_ =	shalt  }
0x6b: {  	_ =	shalt  }
0x6c: {  	_ =	shalt  }
0x6d: {  	_ =	shalt  }
0x6e: {  	_ =	shalt  }
0x6f: {  	_ =	shalt  }
0x70: {  	_ =	shalt  }
0x71: {  	_ =	shalt  }
0x72: {  	_ =	shalt  }
0x73: {  	_ =	shalt  }
0x74: {  	_ =	shalt  }
0x75: {  	_ =	shalt  }
0x76: {  	_ =	shalt  }
0x77: {  	_ =	shalt  }
0x78: {  	_ =	shalt  }
0x79: {  	_ =	shalt  }
0x7a: {  	_ =	shalt  }
0x7b: {  	_ =	shalt  }
0x7c: {  	_ =	shalt  }
0x7d: {  	_ =	shalt  }
0x7e: {  	_ =	shalt  }
0x7f: {  	_ =	shalt  }
0x80: {  	_ =	shalt  }
0x81: {  	_ =	shalt  }
0x82: {  	_ =	shalt  }
0x83: {  	_ =	shalt  }
0x84: {  	_ =	shalt  }
0x85: {  	_ =	shalt  }
0x86: {  	_ =	shalt  }
0x87: {  	_ =	shalt  }
.Lfunc_end0:
.L_simem_size_0:
called_computation_lowered:
.L_overlay_start_0:
0x88: {  	s2 =	sld [smem:$0x3FD9]  }
0x89: {  	s3 =	sld [smem:$0x3FFE];
	_ =	sdelay $0x1  }
0x8a: {  	s1 =	srdreg.scid  }
0x8b: {  	s0 =	sand.u32 $0x1, s1  }
0x8c: {  	s15 =	sshll.u32 s0, $0xA;
	s2 =	sadd.s32 s3, s2  }
0x8d: {  	s2 =	sadd.s32 s2, s15  }
0x8e: {  	[smem:$0x3F91] =	sst s2  }
0x8f: {  	_ = 	snop  }
0x90: {  	(tm) =	ssettm $0x1  }
0x91: {  	s16 =	sld [smem:$0x3FFB];
	_ =	sdelay $0x3  }
0x92: {  	_ =	strace s16  }
0x93: {  	s2 =	sld [smem:$0x3FFC];
	_ =	sdelay $0x3  }
0x94: {  	_ =	strace s2  }
0x95: {  	s2 =	sld [smem:$0x3FFD];
	_ =	sdelay $0x3  }
0x96: {  	_ =	strace s2  }
0x97: {  	_ =	strace $0x8FFFFFFF  }
0x98: {  	s17 =	sld [smem:$0x3FDB];
	_ =	sdelay $0x1  }
0x99: {  	s18 =	simm.s32 $_scs_section_size  }
0x9a: {  	s4 =	simm.s32 $_size__tile_overlayer_lowered;
	s5 =	simm.s32 $_tile_overlayer_lowered  }
0x9b: {  	s21 =	simm.s32 $0x1BFF;
	s20 =	sshll.u32 s5, $0x1;
	s2 =	sadd.s32 s18, s17  }
0x9c: {  	s6 =	simm.s32 $0x0;
	s19 =	sshll.u32 s4, $0x1;
	s4 =	sadd.s32 s20, s2  }
0x9d: {  	[timem:s6], [sflag:s21] =	dma.local [hbm:s4], s19  }
0x9e: {  	_ =	swait.ge [sflag:s21], s19  }
0x9f: {  	s3 =	ssub.s32 $0x0, s19;
	[sflag:s21] =	ssyncset.done $0x0  }
0xa0: {  	[sflag:s21] =	ssyncadd.s32 s3;
	_ =	sdelay $0x1  }
0xa1: {  	s22 =	simm.s32 $0x1B8B  }
0xa2: {  	_ =	swait.ge [sflag:s22], $0x1  }
0xa3: {  	[sflag:s22] =	ssyncset.done $0x0  }
0xa4: {  	s23 =	sld [smem:$0x3FFE];
	[sflag:s22] =	ssyncadd.s32 $0xFFFFFFFF  }
0xa5: {  	s25 =	simm.s32 $0x1B8E;
	s24 =	sld [smem:$0x0]  }
0xa6: {  	s26 =	simm.s32 $execute0_lowered;
	[smem:$0x3FD2] =	sst s25  }
0xa7: {  	s5 =	sshll.u32 s26, $0x1;
	_ =	strace $0x80000049;
	[dreg:$0x1] =	wrdreg $0xFFFFFFFF  }
0xa8: {  	s28 =	simm.s32 $_size_execute0_lowered;
	s2 =	sadd.s32 s2, s5;
	[dreg:$0x0] =	wrdreg $0x0  }
0xa9: {  	s5 =	sshll.u32 s28, $0x1;
	[dreg:$0x2] =	wrdreg s2  }
0xaa: {  	[dreg:$0x3] =	wrdreg s5  }
0xab: {  	[dreg:$0x4] =	wrdreg $0xC0  }
0xac: {  	_ =	task [dreg:s6], $0x5FFFF  }
0xad: {  	[dreg:$0x1] =	wrdreg $0xFFFFFFFF  }
0xae: {  	[dreg:$0x0] =	wrdreg $0x60  }
0xaf: {  	[dreg:$0x2] =	wrdreg s23  }
0xb0: {  	[dreg:$0x3] =	wrdreg s1  }
0xb1: {  	[dreg:$0x4] =	wrdreg s24  }
0xb2: {  	[dreg:$0x5] =	wrdreg $0x9  }
0xb3: {  	_ =	task.clear_ibuf [dreg:s6], $0x6FFFF;
	_ =	strace $0x90000049  }
0xb4: {  	s29 =	simm.s32 $0x9;
	_ =	strace $0x8000004B  }
0xb5: {  	_ =	swait.ge [sflag:s29], $0x1  }
0xb6: {  	[sflag:s29] =	ssyncadd.s32 $0xFFFFFFFF  }
0xb7: {  	_ =	strace $0x9000004B  }
0xb8: {  	_ =	sfence  }
0xb9: {  	s30 =	sld [smem:$0x0];
	_ =	sdelay $0x2  }
0xba: {  	s31 =	sshll.u32 s1, $0xD;
	s1 =	sshrl.u32 s1, $0x2  }
0xbb: {  	s3 =	sand.u32 $0x4000, s31;
	s1 =	sadd.s32 s1, s30  }
0xbc: {  	s0 =	sor.u32 s3, s0;
	s1 =	sshll.u32 s1, $0x11  }
0xbd: {  	s0 =	sor.u32 s1, s0  }
0xbe: {  	s0 =	sadd.s32 $0x8F2B, s0  }
0xbf: {  	[sflag:s0] =	ssyncadd.remote.s32 $0x1  }
0xc0: {  	_ =	sfence.sel $0xFFFF  }
0xc1: {  	[dreg:$0x0] =	wrdreg $0xFFFFFFFF;
	(pc) =	sbr.abs _section_cstart, $3  }
0xc2: {  	[dreg:$0x1] =	wrdreg $0xFFFFFFFF  }
0xc3: {  	_ =	task.clear_ibuf [dreg:s6], $0x2FFFF;
	_ =	strace $0x9FFFFFFF  }
0xc4: {  	(tm) =	ssettm $0x7FFFFFFF  }
0xc5: {  	_ =	shalt  }
tec
execute0_lowered:
.L_overlay_start_1:
0x0: {  	(tag) =	ssettag $0x1  }
0x1: {  	s4 =	rddreg [dreg:$0x0]  }
0x2: {  	s1 =	rddreg [dreg:$0x1];
	_ =	strace $0x8000004A;
	s3 =	simm.s32 $0x1  }
0x3: {  	v0 =	vimm.s32 $0x0;
	[sflag:s3] =	ssyncpa.u1 $0x0  }
0x4: {  	[tilespmem:$0xA8] =	vst v0  }
0x5: {  	[tilespmem:$0xB8] =	vst v0  }
0x6: {  	[tilespmem:$0xC8] =	vst v0  }
0x7: {  	[tilespmem:$0xD8] =	vst v0  }
0x8: {  	[tilespmem:$0xE8] =	vst v0  }
0x9: {  	[tilespmem:$0xF8] =	vst v0  }
0xa: {  	[tilespmem:$0x108] =	vst v0  }
0xb: {  	[tilespmem:$0x118] =	vst v0  }
0xc: {  	[tilespmem:$0x128] =	vst v0  }
0xd: {  	[tilespmem:$0x138] =	vst v0  }
0xe: {  	[tilespmem:$0x148] =	vst v0  }
0xf: {  	[tilespmem:$0x158] =	vst v0  }
0x10: {  	[tilespmem:$0x168] =	vst v0  }
0x11: {  	[tilespmem:$0x178] =	vst v0  }
0x12: {  	[tilespmem:$0x188] =	vst v0  }
0x13: {  	[tilespmem:$0x198] =	vst v0  }
0x14: {  	[tilespmem:$0x1A8] =	vst v0  }
0x15: {  	[tilespmem:$0x1B8] =	vst v0  }
0x16: {  	[tilespmem:$0x1C8] =	vst v0  }
0x17: {  	[tilespmem:$0x1D8] =	vst v0  }
0x18: {  	[tilespmem:$0x1E8] =	vst v0  }
0x19: {  	[tilespmem:$0x1F8] =	vst v0  }
0x1a: {  	[tilespmem:$0x208] =	vst v0  }
0x1b: {  	[tilespmem:$0x218] =	vst v0  }
0x1c: {  	[tilespmem:$0x228] =	vst v0  }
0x1d: {  	[tilespmem:$0x238] =	vst v0  }
0x1e: {  	[tilespmem:$0x248] =	vst v0  }
0x1f: {  	[tilespmem:$0x258] =	vst v0  }
0x20: {  	[tilespmem:$0x268] =	vst v0  }
0x21: {  	[tilespmem:$0x278] =	vst v0  }
0x22: {  	[tilespmem:$0x288] =	vst v0  }
0x23: {  	[tilespmem:$0x298] =	vst v0  }
0x24: {  	[tilespmem:$0x2A8] =	vst v0  }
0x25: {  	[tilespmem:$0x2B8] =	vst v0  }
0x26: {  	[tilespmem:$0x2C8] =	vst v0  }
0x27: {  	[tilespmem:$0x2D8] =	vst v0  }
0x28: {  	[tilespmem:$0x2E8] =	vst v0  }
0x29: {  	[tilespmem:$0x2F8] =	vst v0  }
0x2a: {  	[tilespmem:$0x308] =	vst v0  }
0x2b: {  	[tilespmem:$0x318] =	vst v0  }
0x2c: {  	[tilespmem:$0x328] =	vst v0  }
0x2d: {  	[tilespmem:$0x338] =	vst v0  }
0x2e: {  	[tilespmem:$0x348] =	vst v0  }
0x2f: {  	[tilespmem:$0x358] =	vst v0  }
0x30: {  	[tilespmem:$0x368] =	vst v0  }
0x31: {  	[tilespmem:$0x378] =	vst v0  }
0x32: {  	[tilespmem:$0x388] =	vst v0  }
0x33: {  	[tilespmem:$0x398] =	vst v0  }
0x34: {  	[tilespmem:$0x3A8] =	vst v0  }
0x35: {  	[tilespmem:$0x3B8] =	vst v0  }
0x36: {  	[tilespmem:$0x3C8] =	vst v0  }
0x37: {  	[tilespmem:$0x3D8] =	vst v0  }
0x38: {  	[tilespmem:$0x3E8] =	vst v0  }
0x39: {  	[tilespmem:$0x3F8] =	vst v0  }
0x3a: {  	[tilespmem:$0x408] =	vst v0  }
0x3b: {  	[tilespmem:$0x418] =	vst v0  }
0x3c: {  	[tilespmem:$0x428] =	vst v0  }
0x3d: {  	[tilespmem:$0x438] =	vst v0  }
0x3e: {  	[tilespmem:$0x448] =	vst v0  }
0x3f: {  	[tilespmem:$0x458] =	vst v0  }
0x40: {  	[tilespmem:$0x468] =	vst v0  }
0x41: {  	[tilespmem:$0x478] =	vst v0  }
0x42: {  	[tilespmem:$0x488] =	vst v0  }
0x43: {  	[tilespmem:$0x498] =	vst v0  }
0x44: {  	[tilespmem:$0x4A8] =	vst v0  }
0x45: {  	[tilespmem:$0x4B8] =	vst v0  }
0x46: {  	[tilespmem:$0x4C8] =	vst v0  }
0x47: {  	[tilespmem:$0x4D8] =	vst v0  }
0x48: {  	[tilespmem:$0x4E8] =	vst v0  }
0x49: {  	[tilespmem:$0x4F8] =	vst v0  }
0x4a: {  	[tilespmem:$0x508] =	vst v0  }
0x4b: {  	[tilespmem:$0x518] =	vst v0  }
0x4c: {  	[tilespmem:$0x528] =	vst v0  }
0x4d: {  	[tilespmem:$0x538] =	vst v0  }
0x4e: {  	[tilespmem:$0x548] =	vst v0  }
0x4f: {  	[tilespmem:$0x558] =	vst v0  }
0x50: {  	[tilespmem:$0x568] =	vst v0  }
0x51: {  	[tilespmem:$0x578] =	vst v0  }
0x52: {  	[tilespmem:$0x588] =	vst v0  }
0x53: {  	[tilespmem:$0x598] =	vst v0  }
0x54: {  	[tilespmem:$0x5A8] =	vst v0  }
0x55: {  	[tilespmem:$0x5B8] =	vst v0  }
0x56: {  	[tilespmem:$0x5C8] =	vst v0  }
0x57: {  	[tilespmem:$0x5D8] =	vst v0  }
0x58: {  	[tilespmem:$0x5E8] =	vst v0  }
0x59: {  	[tilespmem:$0x5F8] =	vst v0  }
0x5a: {  	[tilespmem:$0x608] =	vst v0  }
0x5b: {  	[tilespmem:$0x618] =	vst v0  }
0x5c: {  	[tilespmem:$0x628] =	vst v0  }
0x5d: {  	[tilespmem:$0x638] =	vst v0  }
0x5e: {  	[tilespmem:$0x648] =	vst v0  }
0x5f: {  	[tilespmem:$0x658] =	vst v0  }
0x60: {  	[tilespmem:$0x668] =	vst v0  }
0x61: {  	[tilespmem:$0x678] =	vst v0  }
0x62: {  	[tilespmem:$0x688] =	vst v0  }
0x63: {  	[tilespmem:$0x698] =	vst v0  }
0x64: {  	[tilespmem:$0x6A8] =	vst v0  }
0x65: {  	[tilespmem:$0x6B8] =	vst v0  }
0x66: {  	[tilespmem:$0x6C8] =	vst v0  }
0x67: {  	[tilespmem:$0x6D8] =	vst v0  }
0x68: {  	[tilespmem:$0x6E8] =	vst v0  }
0x69: {  	[tilespmem:$0x6F8] =	vst v0  }
0x6a: {  	[tilespmem:$0x708] =	vst v0  }
0x6b: {  	[tilespmem:$0x718] =	vst v0  }
0x6c: {  	[tilespmem:$0x728] =	vst v0  }
0x6d: {  	[tilespmem:$0x738] =	vst v0  }
0x6e: {  	[tilespmem:$0x748] =	vst v0  }
0x6f: {  	[tilespmem:$0x758] =	vst v0  }
0x70: {  	[tilespmem:$0x768] =	vst v0  }
0x71: {  	[tilespmem:$0x778] =	vst v0  }
0x72: {  	[tilespmem:$0x788] =	vst v0  }
0x73: {  	[tilespmem:$0x798] =	vst v0  }
0x74: {  	[tilespmem:$0x7A8] =	vst v0  }
0x75: {  	[tilespmem:$0x7B8] =	vst v0  }
0x76: {  	[tilespmem:$0x7C8] =	vst v0  }
0x77: {  	[tilespmem:$0x7D8] =	vst v0  }
0x78: {  	[tilespmem:$0x7E8] =	vst v0  }
0x79: {  	[tilespmem:$0x7F8] =	vst v0  }
0x7a: {  	[tilespmem:$0x808] =	vst v0  }
0x7b: {  	[tilespmem:$0x818] =	vst v0  }
0x7c: {  	[tilespmem:$0x828] =	vst v0  }
0x7d: {  	[tilespmem:$0x838] =	vst v0  }
0x7e: {  	[tilespmem:$0x848] =	vst v0  }
0x7f: {  	[tilespmem:$0x858] =	vst v0  }
0x80: {  	[tilespmem:$0x868] =	vst v0  }
0x81: {  	[tilespmem:$0x878] =	vst v0  }
0x82: {  	[tilespmem:$0x888] =	vst v0  }
0x83: {  	[tilespmem:$0x898] =	vst v0  }
0x84: {  	[tilespmem:$0x8A8] =	vst v0  }
0x85: {  	[tilespmem:$0x8B8] =	vst v0  }
0x86: {  	[tilespmem:$0x8C8] =	vst v0  }
0x87: {  	[tilespmem:$0x8D8] =	vst v0  }
0x88: {  	[tilespmem:$0x8E8] =	vst v0  }
0x89: {  	[tilespmem:$0x8F8] =	vst v0  }
0x8a: {  	[tilespmem:$0x908] =	vst v0  }
0x8b: {  	[tilespmem:$0x918] =	vst v0  }
0x8c: {  	[tilespmem:$0x928] =	vst v0  }
0x8d: {  	[tilespmem:$0x938] =	vst v0  }
0x8e: {  	[tilespmem:$0x948] =	vst v0  }
0x8f: {  	[tilespmem:$0x958] =	vst v0  }
0x90: {  	[tilespmem:$0x968] =	vst v0  }
0x91: {  	[tilespmem:$0x978] =	vst v0  }
0x92: {  	[tilespmem:$0x988] =	vst v0  }
0x93: {  	[tilespmem:$0x998] =	vst v0  }
0x94: {  	[tilespmem:$0x9A8] =	vst v0  }
0x95: {  	[tilespmem:$0x9B8] =	vst v0  }
0x96: {  	[tilespmem:$0x9C8] =	vst v0  }
0x97: {  	[tilespmem:$0x9D8] =	vst v0  }
0x98: {  	[tilespmem:$0x9E8] =	vst v0  }
0x99: {  	[tilespmem:$0x9F8] =	vst v0  }
0x9a: {  	[tilespmem:$0xA08] =	vst v0  }
0x9b: {  	[tilespmem:$0xA18] =	vst v0  }
0x9c: {  	[tilespmem:$0xA28] =	vst v0  }
0x9d: {  	[tilespmem:$0xA38] =	vst v0  }
0x9e: {  	[tilespmem:$0xA48] =	vst v0  }
0x9f: {  	[tilespmem:$0xA58] =	vst v0  }
0xa0: {  	[tilespmem:$0xA68] =	vst v0  }
0xa1: {  	[tilespmem:$0xA78] =	vst v0  }
0xa2: {  	[tilespmem:$0xA88] =	vst v0  }
0xa3: {  	[tilespmem:$0xA98] =	vst v0  }
0xa4: {  	[tilespmem:$0xAA8] =	vst v0  }
0xa5: {  	[tilespmem:$0xAB8] =	vst v0  }
0xa6: {  	[tilespmem:$0xAC8] =	vst v0  }
0xa7: {  	[tilespmem:$0xAD8] =	vst v0  }
0xa8: {  	[tilespmem:$0xAE8] =	vst v0  }
0xa9: {  	[tilespmem:$0xAF8] =	vst v0  }
0xaa: {  	[tilespmem:$0xB08] =	vst v0  }
0xab: {  	[tilespmem:$0xB18] =	vst v0  }
0xac: {  	[tilespmem:$0xB28] =	vst v0  }
0xad: {  	[tilespmem:$0xB38] =	vst v0  }
0xae: {  	[tilespmem:$0xB48] =	vst v0  }
0xaf: {  	[tilespmem:$0xB58] =	vst v0  }
0xb0: {  	[tilespmem:$0xB68] =	vst v0  }
0xb1: {  	[tilespmem:$0xB78] =	vst v0  }
0xb2: {  	[tilespmem:$0xB88] =	vst v0  }
0xb3: {  	[tilespmem:$0xB98] =	vst v0  }
0xb4: {  	[tilespmem:$0xBA8] =	vst v0  }
0xb5: {  	[tilespmem:$0xBB8] =	vst v0  }
0xb6: {  	[tilespmem:$0xBC8] =	vst v0  }
0xb7: {  	[tilespmem:$0xBD8] =	vst v0  }
0xb8: {  	[tilespmem:$0xBE8] =	vst v0  }
0xb9: {  	[tilespmem:$0xBF8] =	vst v0  }
0xba: {  	[tilespmem:$0xC08] =	vst v0  }
0xbb: {  	[tilespmem:$0xC18] =	vst v0  }
0xbc: {  	[tilespmem:$0xC28] =	vst v0  }
0xbd: {  	[tilespmem:$0xC38] =	vst v0  }
0xbe: {  	[tilespmem:$0xC48] =	vst v0  }
0xbf: {  	[tilespmem:$0xC58] =	vst v0  }
0xc0: {  	[tilespmem:$0xC68] =	vst v0  }
0xc1: {  	[tilespmem:$0xC78] =	vst v0  }
0xc2: {  	[tilespmem:$0xC88] =	vst v0  }
0xc3: {  	[tilespmem:$0xC98] =	vst v0  }
0xc4: {  	[tilespmem:$0xCA8] =	vst v0  }
0xc5: {  	[tilespmem:$0xCB8] =	vst v0  }
0xc6: {  	[tilespmem:$0xCC8] =	vst v0  }
0xc7: {  	[tilespmem:$0xCD8] =	vst v0  }
0xc8: {  	[tilespmem:$0xCE8] =	vst v0  }
0xc9: {  	[tilespmem:$0xCF8] =	vst v0  }
0xca: {  	[tilespmem:$0xD08] =	vst v0  }
0xcb: {  	[tilespmem:$0xD18] =	vst v0  }
0xcc: {  	[tilespmem:$0xD28] =	vst v0  }
0xcd: {  	[tilespmem:$0xD38] =	vst v0  }
0xce: {  	[tilespmem:$0xD48] =	vst v0  }
0xcf: {  	[tilespmem:$0xD58] =	vst v0  }
0xd0: {  	[tilespmem:$0xD68] =	vst v0  }
0xd1: {  	[tilespmem:$0xD78] =	vst v0  }
0xd2: {  	[tilespmem:$0xD88] =	vst v0  }
0xd3: {  	[tilespmem:$0xD98] =	vst v0  }
0xd4: {  	[tilespmem:$0xDA8] =	vst v0  }
0xd5: {  	[tilespmem:$0xDB8] =	vst v0  }
0xd6: {  	[tilespmem:$0xDC8] =	vst v0  }
0xd7: {  	[tilespmem:$0xDD8] =	vst v0  }
0xd8: {  	[tilespmem:$0xDE8] =	vst v0  }
0xd9: {  	[tilespmem:$0xDF8] =	vst v0  }
0xda: {  	[tilespmem:$0xE08] =	vst v0  }
0xdb: {  	[tilespmem:$0xE18] =	vst v0  }
0xdc: {  	[tilespmem:$0xE28] =	vst v0  }
0xdd: {  	[tilespmem:$0xE38] =	vst v0  }
0xde: {  	[tilespmem:$0xE48] =	vst v0  }
0xdf: {  	[tilespmem:$0xE58] =	vst v0  }
0xe0: {  	[tilespmem:$0xE68] =	vst v0  }
0xe1: {  	[tilespmem:$0xE78] =	vst v0  }
0xe2: {  	[tilespmem:$0xE88] =	vst v0  }
0xe3: {  	[tilespmem:$0xE98] =	vst v0  }
0xe4: {  	[tilespmem:$0xEA8] =	vst v0  }
0xe5: {  	[tilespmem:$0xEB8] =	vst v0  }
0xe6: {  	[tilespmem:$0xEC8] =	vst v0  }
0xe7: {  	[tilespmem:$0xED8] =	vst v0  }
0xe8: {  	[tilespmem:$0xEE8] =	vst v0  }
0xe9: {  	[tilespmem:$0xEF8] =	vst v0  }
0xea: {  	[tilespmem:$0xF08] =	vst v0  }
0xeb: {  	[tilespmem:$0xF18] =	vst v0  }
0xec: {  	[tilespmem:$0xF28] =	vst v0  }
0xed: {  	[tilespmem:$0xF38] =	vst v0  }
0xee: {  	[tilespmem:$0xF48] =	vst v0  }
0xef: {  	[tilespmem:$0xF58] =	vst v0  }
0xf0: {  	[tilespmem:$0xF68] =	vst v0  }
0xf1: {  	[tilespmem:$0xF78] =	vst v0  }
0xf2: {  	[tilespmem:$0xF88] =	vst v0  }
0xf3: {  	[tilespmem:$0xF98] =	vst v0  }
0xf4: {  	[tilespmem:$0xFA8] =	vst v0  }
0xf5: {  	[tilespmem:$0xFB8] =	vst v0  }
0xf6: {  	[tilespmem:$0xFC8] =	vst v0  }
0xf7: {  	[tilespmem:$0xFD8] =	vst v0  }
0xf8: {  	[tilespmem:$0xFE8] =	vst v0  }
0xf9: {  	[tilespmem:$0xFF8] =	vst v0  }
0xfa: {  	[tilespmem:$0x1008] =	vst v0  }
0xfb: {  	[tilespmem:$0x1018] =	vst v0  }
0xfc: {  	[tilespmem:$0x1028] =	vst v0  }
0xfd: {  	[tilespmem:$0x1038] =	vst v0  }
0xfe: {  	[tilespmem:$0x1048] =	vst v0  }
0xff: {  	[tilespmem:$0x1058] =	vst v0  }
0x100: {  	[tilespmem:$0x1068] =	vst v0  }
0x101: {  	[tilespmem:$0x1078] =	vst v0  }
0x102: {  	[tilespmem:$0x1088] =	vst v0  }
0x103: {  	[tilespmem:$0x1098] =	vst v0  }
0x104: {  	[tilespmem:$0x10A8] =	vst v0  }
0x105: {  	[tilespmem:$0x10B8] =	vst v0  }
0x106: {  	[tilespmem:$0x10C8] =	vst v0  }
0x107: {  	[tilespmem:$0x10D8] =	vst v0  }
0x108: {  	[tilespmem:$0x10E8] =	vst v0  }
0x109: {  	[tilespmem:$0x10F8] =	vst v0  }
0x10a: {  	[tilespmem:$0x1108] =	vst v0  }
0x10b: {  	[tilespmem:$0x1118] =	vst v0  }
0x10c: {  	[tilespmem:$0x1128] =	vst v0  }
0x10d: {  	[tilespmem:$0x1138] =	vst v0  }
0x10e: {  	[tilespmem:$0x1148] =	vst v0  }
0x10f: {  	[tilespmem:$0x1158] =	vst v0  }
0x110: {  	[tilespmem:$0x1168] =	vst v0  }
0x111: {  	[tilespmem:$0x1178] =	vst v0  }
0x112: {  	[tilespmem:$0x1188] =	vst v0  }
0x113: {  	[tilespmem:$0x1198] =	vst v0  }
0x114: {  	[tilespmem:$0x11A8] =	vst v0  }
0x115: {  	[tilespmem:$0x11B8] =	vst v0  }
0x116: {  	[tilespmem:$0x11C8] =	vst v0  }
0x117: {  	[tilespmem:$0x11D8] =	vst v0  }
0x118: {  	[tilespmem:$0x11E8] =	vst v0  }
0x119: {  	[tilespmem:$0x11F8] =	vst v0  }
0x11a: {  	[tilespmem:$0x1208] =	vst v0  }
0x11b: {  	[tilespmem:$0x1218] =	vst v0  }
0x11c: {  	[tilespmem:$0x1228] =	vst v0  }
0x11d: {  	[tilespmem:$0x1238] =	vst v0  }
0x11e: {  	[tilespmem:$0x1248] =	vst v0  }
0x11f: {  	[tilespmem:$0x1258] =	vst v0  }
0x120: {  	[tilespmem:$0x1268] =	vst v0  }
0x121: {  	[tilespmem:$0x1278] =	vst v0  }
0x122: {  	[tilespmem:$0x21A8] =	vst v0  }
0x123: {  	[tilespmem:$0x21B8] =	vst v0  }
0x124: {  	[tilespmem:$0x1288] =	vst v0  }
0x125: {  	[tilespmem:$0x1298] =	vst v0  }
0x126: {  	[tilespmem:$0x12A8] =	vst v0  }
0x127: {  	[tilespmem:$0x12B8] =	vst v0  }
0x128: {  	[tilespmem:$0x12C8] =	vst v0  }
0x129: {  	[tilespmem:$0x12D8] =	vst v0  }
0x12a: {  	[tilespmem:$0x12E8] =	vst v0  }
0x12b: {  	[tilespmem:$0x12F8] =	vst v0  }
0x12c: {  	[tilespmem:$0x1308] =	vst v0  }
0x12d: {  	[tilespmem:$0x1318] =	vst v0  }
0x12e: {  	[tilespmem:$0x1328] =	vst v0  }
0x12f: {  	[tilespmem:$0x1338] =	vst v0  }
0x130: {  	[tilespmem:$0x1348] =	vst v0  }
0x131: {  	[tilespmem:$0x1358] =	vst v0  }
0x132: {  	[tilespmem:$0x1368] =	vst v0  }
0x133: {  	[tilespmem:$0x1378] =	vst v0  }
0x134: {  	[tilespmem:$0x1388] =	vst v0  }
0x135: {  	[tilespmem:$0x1398] =	vst v0  }
0x136: {  	[tilespmem:$0x13A8] =	vst v0  }
0x137: {  	[tilespmem:$0x13B8] =	vst v0  }
0x138: {  	[tilespmem:$0x13C8] =	vst v0  }
0x139: {  	[tilespmem:$0x13D8] =	vst v0  }
0x13a: {  	[tilespmem:$0x13E8] =	vst v0  }
0x13b: {  	[tilespmem:$0x13F8] =	vst v0  }
0x13c: {  	[tilespmem:$0x1408] =	vst v0  }
0x13d: {  	[tilespmem:$0x1418] =	vst v0  }
0x13e: {  	[tilespmem:$0x1428] =	vst v0  }
0x13f: {  	[tilespmem:$0x1438] =	vst v0  }
0x140: {  	[tilespmem:$0x1448] =	vst v0  }
0x141: {  	[tilespmem:$0x1458] =	vst v0  }
0x142: {  	[tilespmem:$0x1468] =	vst v0  }
0x143: {  	[tilespmem:$0x1478] =	vst v0  }
0x144: {  	[tilespmem:$0x1488] =	vst v0  }
0x145: {  	[tilespmem:$0x1498] =	vst v0  }
0x146: {  	[tilespmem:$0x14A8] =	vst v0  }
0x147: {  	[tilespmem:$0x14B8] =	vst v0  }
0x148: {  	[tilespmem:$0x14C8] =	vst v0  }
0x149: {  	[tilespmem:$0x14D8] =	vst v0  }
0x14a: {  	[tilespmem:$0x14E8] =	vst v0  }
0x14b: {  	[tilespmem:$0x14F8] =	vst v0  }
0x14c: {  	[tilespmem:$0x1508] =	vst v0  }
0x14d: {  	[tilespmem:$0x1518] =	vst v0  }
0x14e: {  	[tilespmem:$0x1528] =	vst v0  }
0x14f: {  	[tilespmem:$0x1538] =	vst v0  }
0x150: {  	[tilespmem:$0x1548] =	vst v0  }
0x151: {  	[tilespmem:$0x1558] =	vst v0  }
0x152: {  	[tilespmem:$0x1568] =	vst v0  }
0x153: {  	[tilespmem:$0x1578] =	vst v0  }
0x154: {  	[tilespmem:$0x1588] =	vst v0  }
0x155: {  	[tilespmem:$0x1598] =	vst v0  }
0x156: {  	[tilespmem:$0x15A8] =	vst v0  }
0x157: {  	[tilespmem:$0x15B8] =	vst v0  }
0x158: {  	[tilespmem:$0x15C8] =	vst v0  }
0x159: {  	[tilespmem:$0x15D8] =	vst v0  }
0x15a: {  	[tilespmem:$0x15E8] =	vst v0  }
0x15b: {  	[tilespmem:$0x15F8] =	vst v0  }
0x15c: {  	[tilespmem:$0x1608] =	vst v0  }
0x15d: {  	[tilespmem:$0x1618] =	vst v0  }
0x15e: {  	[tilespmem:$0x1628] =	vst v0  }
0x15f: {  	[tilespmem:$0x1638] =	vst v0  }
0x160: {  	[tilespmem:$0x1648] =	vst v0  }
0x161: {  	[tilespmem:$0x1658] =	vst v0  }
0x162: {  	[tilespmem:$0x1668] =	vst v0  }
0x163: {  	[tilespmem:$0x1678] =	vst v0  }
0x164: {  	[tilespmem:$0x1688] =	vst v0  }
0x165: {  	[tilespmem:$0x1698] =	vst v0  }
0x166: {  	[tilespmem:$0x16A8] =	vst v0  }
0x167: {  	[tilespmem:$0x16B8] =	vst v0  }
0x168: {  	[tilespmem:$0x16C8] =	vst v0  }
0x169: {  	[tilespmem:$0x16D8] =	vst v0  }
0x16a: {  	[tilespmem:$0x16E8] =	vst v0  }
0x16b: {  	[tilespmem:$0x16F8] =	vst v0  }
0x16c: {  	[tilespmem:$0x1708] =	vst v0  }
0x16d: {  	[tilespmem:$0x1718] =	vst v0  }
0x16e: {  	[tilespmem:$0x1728] =	vst v0  }
0x16f: {  	[tilespmem:$0x1738] =	vst v0  }
0x170: {  	[tilespmem:$0x1748] =	vst v0  }
0x171: {  	[tilespmem:$0x1758] =	vst v0  }
0x172: {  	[tilespmem:$0x1768] =	vst v0  }
0x173: {  	[tilespmem:$0x1778] =	vst v0  }
0x174: {  	[tilespmem:$0x1788] =	vst v0  }
0x175: {  	[tilespmem:$0x1798] =	vst v0  }
0x176: {  	[tilespmem:$0x17A8] =	vst v0  }
0x177: {  	[tilespmem:$0x17B8] =	vst v0  }
0x178: {  	[tilespmem:$0x17C8] =	vst v0  }
0x179: {  	[tilespmem:$0x17D8] =	vst v0  }
0x17a: {  	[tilespmem:$0x17E8] =	vst v0  }
0x17b: {  	[tilespmem:$0x17F8] =	vst v0  }
0x17c: {  	[tilespmem:$0x1808] =	vst v0  }
0x17d: {  	[tilespmem:$0x1818] =	vst v0  }
0x17e: {  	[tilespmem:$0x1828] =	vst v0  }
0x17f: {  	[tilespmem:$0x1838] =	vst v0  }
0x180: {  	[tilespmem:$0x1848] =	vst v0  }
0x181: {  	[tilespmem:$0x1858] =	vst v0  }
0x182: {  	[tilespmem:$0x1868] =	vst v0  }
0x183: {  	[tilespmem:$0x1878] =	vst v0  }
0x184: {  	[tilespmem:$0x1888] =	vst v0  }
0x185: {  	[tilespmem:$0x1898] =	vst v0  }
0x186: {  	[tilespmem:$0x18A8] =	vst v0  }
0x187: {  	[tilespmem:$0x18B8] =	vst v0  }
0x188: {  	[tilespmem:$0x18C8] =	vst v0  }
0x189: {  	[tilespmem:$0x18D8] =	vst v0  }
0x18a: {  	[tilespmem:$0x18E8] =	vst v0  }
0x18b: {  	[tilespmem:$0x18F8] =	vst v0  }
0x18c: {  	[tilespmem:$0x1908] =	vst v0  }
0x18d: {  	[tilespmem:$0x1918] =	vst v0  }
0x18e: {  	[tilespmem:$0x1928] =	vst v0  }
0x18f: {  	[tilespmem:$0x1938] =	vst v0  }
0x190: {  	[tilespmem:$0x1948] =	vst v0  }
0x191: {  	[tilespmem:$0x1958] =	vst v0  }
0x192: {  	[tilespmem:$0x1968] =	vst v0  }
0x193: {  	[tilespmem:$0x1978] =	vst v0  }
0x194: {  	[tilespmem:$0x1988] =	vst v0  }
0x195: {  	[tilespmem:$0x1998] =	vst v0  }
0x196: {  	[tilespmem:$0x19A8] =	vst v0  }
0x197: {  	[tilespmem:$0x19B8] =	vst v0  }
0x198: {  	[tilespmem:$0x19C8] =	vst v0  }
0x199: {  	[tilespmem:$0x19D8] =	vst v0  }
0x19a: {  	[tilespmem:$0x19E8] =	vst v0  }
0x19b: {  	[tilespmem:$0x19F8] =	vst v0  }
0x19c: {  	[tilespmem:$0x1A08] =	vst v0  }
0x19d: {  	[tilespmem:$0x1A18] =	vst v0  }
0x19e: {  	[tilespmem:$0x1A28] =	vst v0  }
0x19f: {  	[tilespmem:$0x1A38] =	vst v0  }
0x1a0: {  	[tilespmem:$0x1A48] =	vst v0  }
0x1a1: {  	[tilespmem:$0x1A58] =	vst v0  }
0x1a2: {  	[tilespmem:$0x1A68] =	vst v0  }
0x1a3: {  	[tilespmem:$0x1A78] =	vst v0  }
0x1a4: {  	[tilespmem:$0x1A88] =	vst v0  }
0x1a5: {  	[tilespmem:$0x1A98] =	vst v0  }
0x1a6: {  	[tilespmem:$0x1AA8] =	vst v0  }
0x1a7: {  	[tilespmem:$0x1AB8] =	vst v0  }
0x1a8: {  	[tilespmem:$0x1AC8] =	vst v0  }
0x1a9: {  	[tilespmem:$0x1AD8] =	vst v0  }
0x1aa: {  	[tilespmem:$0x1AE8] =	vst v0  }
0x1ab: {  	[tilespmem:$0x1AF8] =	vst v0  }
0x1ac: {  	[tilespmem:$0x1B08] =	vst v0  }
0x1ad: {  	[tilespmem:$0x1B18] =	vst v0  }
0x1ae: {  	[tilespmem:$0x1B28] =	vst v0  }
0x1af: {  	[tilespmem:$0x1B38] =	vst v0  }
0x1b0: {  	[tilespmem:$0x1B48] =	vst v0  }
0x1b1: {  	[tilespmem:$0x1B58] =	vst v0  }
0x1b2: {  	[tilespmem:$0x1B68] =	vst v0  }
0x1b3: {  	[tilespmem:$0x1B78] =	vst v0  }
0x1b4: {  	[tilespmem:$0x1B88] =	vst v0  }
0x1b5: {  	[tilespmem:$0x1B98] =	vst v0  }
0x1b6: {  	[tilespmem:$0x1BA8] =	vst v0  }
0x1b7: {  	[tilespmem:$0x1BB8] =	vst v0  }
0x1b8: {  	[tilespmem:$0x1BC8] =	vst v0  }
0x1b9: {  	[tilespmem:$0x1BD8] =	vst v0  }
0x1ba: {  	[tilespmem:$0x1BE8] =	vst v0  }
0x1bb: {  	[tilespmem:$0x1BF8] =	vst v0  }
0x1bc: {  	[tilespmem:$0x1C08] =	vst v0  }
0x1bd: {  	[tilespmem:$0x1C18] =	vst v0  }
0x1be: {  	[tilespmem:$0x1C28] =	vst v0  }
0x1bf: {  	[tilespmem:$0x1C38] =	vst v0  }
0x1c0: {  	[tilespmem:$0x1C48] =	vst v0  }
0x1c1: {  	[tilespmem:$0x1C58] =	vst v0  }
0x1c2: {  	[tilespmem:$0x1C68] =	vst v0  }
0x1c3: {  	[tilespmem:$0x1C78] =	vst v0  }
0x1c4: {  	[tilespmem:$0x1C88] =	vst v0  }
0x1c5: {  	[tilespmem:$0x1C98] =	vst v0  }
0x1c6: {  	[tilespmem:$0x1CA8] =	vst v0  }
0x1c7: {  	[tilespmem:$0x1CB8] =	vst v0  }
0x1c8: {  	[tilespmem:$0x1CC8] =	vst v0  }
0x1c9: {  	[tilespmem:$0x1CD8] =	vst v0  }
0x1ca: {  	[tilespmem:$0x1CE8] =	vst v0  }
0x1cb: {  	[tilespmem:$0x1CF8] =	vst v0  }
0x1cc: {  	[tilespmem:$0x1D08] =	vst v0  }
0x1cd: {  	[tilespmem:$0x1D18] =	vst v0  }
0x1ce: {  	[tilespmem:$0x1D28] =	vst v0  }
0x1cf: {  	[tilespmem:$0x1D38] =	vst v0  }
0x1d0: {  	[tilespmem:$0x1D48] =	vst v0  }
0x1d1: {  	[tilespmem:$0x1D58] =	vst v0  }
0x1d2: {  	[tilespmem:$0x1D68] =	vst v0  }
0x1d3: {  	[tilespmem:$0x1D78] =	vst v0  }
0x1d4: {  	[tilespmem:$0x1D88] =	vst v0  }
0x1d5: {  	[tilespmem:$0x1D98] =	vst v0  }
0x1d6: {  	[tilespmem:$0x1DA8] =	vst v0  }
0x1d7: {  	[tilespmem:$0x1DB8] =	vst v0  }
0x1d8: {  	[tilespmem:$0x1DC8] =	vst v0  }
0x1d9: {  	[tilespmem:$0x1DD8] =	vst v0  }
0x1da: {  	[tilespmem:$0x1DE8] =	vst v0  }
0x1db: {  	[tilespmem:$0x1DF8] =	vst v0  }
0x1dc: {  	[tilespmem:$0x1E08] =	vst v0  }
0x1dd: {  	[tilespmem:$0x1E18] =	vst v0  }
0x1de: {  	[tilespmem:$0x1E28] =	vst v0  }
0x1df: {  	[tilespmem:$0x1E38] =	vst v0  }
0x1e0: {  	[tilespmem:$0x1E48] =	vst v0  }
0x1e1: {  	[tilespmem:$0x1E58] =	vst v0  }
0x1e2: {  	[tilespmem:$0x1E68] =	vst v0  }
0x1e3: {  	[tilespmem:$0x1E78] =	vst v0  }
0x1e4: {  	[tilespmem:$0x1E88] =	vst v0  }
0x1e5: {  	[tilespmem:$0x1E98] =	vst v0  }
0x1e6: {  	[tilespmem:$0x1EA8] =	vst v0  }
0x1e7: {  	[tilespmem:$0x1EB8] =	vst v0  }
0x1e8: {  	[tilespmem:$0x1EC8] =	vst v0  }
0x1e9: {  	[tilespmem:$0x1ED8] =	vst v0  }
0x1ea: {  	[tilespmem:$0x1EE8] =	vst v0  }
0x1eb: {  	[tilespmem:$0x1EF8] =	vst v0  }
0x1ec: {  	[tilespmem:$0x1F08] =	vst v0  }
0x1ed: {  	[tilespmem:$0x1F18] =	vst v0  }
0x1ee: {  	[tilespmem:$0x1F28] =	vst v0  }
0x1ef: {  	[tilespmem:$0x1F38] =	vst v0  }
0x1f0: {  	[tilespmem:$0x1F48] =	vst v0  }
0x1f1: {  	[tilespmem:$0x1F58] =	vst v0  }
0x1f2: {  	[tilespmem:$0x1F68] =	vst v0  }
0x1f3: {  	[tilespmem:$0x1F78] =	vst v0  }
0x1f4: {  	[tilespmem:$0x1F88] =	vst v0  }
0x1f5: {  	[tilespmem:$0x1F98] =	vst v0  }
0x1f6: {  	[tilespmem:$0x1FA8] =	vst v0  }
0x1f7: {  	[tilespmem:$0x1FB8] =	vst v0  }
0x1f8: {  	[tilespmem:$0x1FC8] =	vst v0  }
0x1f9: {  	[tilespmem:$0x1FD8] =	vst v0  }
0x1fa: {  	[tilespmem:$0x1FE8] =	vst v0  }
0x1fb: {  	[tilespmem:$0x1FF8] =	vst v0  }
0x1fc: {  	[tilespmem:$0x2008] =	vst v0  }
0x1fd: {  	[tilespmem:$0x2018] =	vst v0  }
0x1fe: {  	[tilespmem:$0x2028] =	vst v0  }
0x1ff: {  	[tilespmem:$0x2038] =	vst v0  }
0x200: {  	[tilespmem:$0x2048] =	vst v0  }
0x201: {  	[tilespmem:$0x2058] =	vst v0  }
0x202: {  	[tilespmem:$0x2068] =	vst v0  }
0x203: {  	[tilespmem:$0x2078] =	vst v0  }
0x204: {  	[tilespmem:$0x2088] =	vst v0  }
0x205: {  	[tilespmem:$0x2098] =	vst v0  }
0x206: {  	[tilespmem:$0x20A8] =	vst v0  }
0x207: {  	[tilespmem:$0x20B8] =	vst v0  }
0x208: {  	[tilespmem:$0x20C8] =	vst v0  }
0x209: {  	[tilespmem:$0x20D8] =	vst v0  }
0x20a: {  	[tilespmem:$0x20E8] =	vst v0  }
0x20b: {  	[tilespmem:$0x20F8] =	vst v0  }
0x20c: {  	[tilespmem:$0x2108] =	vst v0  }
0x20d: {  	[tilespmem:$0x2118] =	vst v0  }
0x20e: {  	[tilespmem:$0x2128] =	vst v0  }
0x20f: {  	[tilespmem:$0x2138] =	vst v0  }
0x210: {  	[tilespmem:$0x2148] =	vst v0  }
0x211: {  	[tilespmem:$0x2158] =	vst v0  }
0x212: {  	[tilespmem:$0x2168] =	vst v0  }
0x213: {  	[tilespmem:$0x2178] =	vst v0  }
0x214: {  	[tilespmem:$0x2188] =	vst v0  }
0x215: {  	[tilespmem:$0x2198] =	vst v0  }
0x216: {  	[tilespmem:$0x21C8] =	vst v0  }
0x217: {  	[tilespmem:$0x21D8] =	vst v0  }
0x218: {  	[tilespmem:$0x21E8] =	vst v0  }
0x219: {  	[tilespmem:$0x21F8] =	vst v0  }
0x21a: {  	[tilespmem:$0x2208] =	vst v0  }
0x21b: {  	[tilespmem:$0x2218] =	vst v0  }
0x21c: {  	[tilespmem:$0x2228] =	vst v0  }
0x21d: {  	[tilespmem:$0x2238] =	vst v0  }
0x21e: {  	[tilespmem:$0x2248] =	vst v0  }
0x21f: {  	[tilespmem:$0x2258] =	vst v0  }
0x220: {  	[tilespmem:$0x2268] =	vst v0  }
0x221: {  	[tilespmem:$0x2278] =	vst v0  }
0x222: {  	[tilespmem:$0x2288] =	vst v0  }
0x223: {  	[tilespmem:$0x2298] =	vst v0  }
0x224: {  	[tilespmem:$0x22A8] =	vst v0  }
0x225: {  	[tilespmem:$0x22B8] =	vst v0  }
0x226: {  	[tilespmem:$0x22C8] =	vst v0  }
0x227: {  	[tilespmem:$0x22D8] =	vst v0  }
0x228: {  	[tilespmem:$0x22E8] =	vst v0  }
0x229: {  	[tilespmem:$0x22F8] =	vst v0  }
0x22a: {  	[tilespmem:$0x2308] =	vst v0  }
0x22b: {  	[tilespmem:$0x2318] =	vst v0  }
0x22c: {  	[tilespmem:$0x2328] =	vst v0  }
0x22d: {  	[tilespmem:$0x2338] =	vst v0  }
0x22e: {  	[tilespmem:$0x2348] =	vst v0  }
0x22f: {  	[tilespmem:$0x2358] =	vst v0  }
0x230: {  	[tilespmem:$0x2368] =	vst v0  }
0x231: {  	[tilespmem:$0x2378] =	vst v0  }
0x232: {  	[tilespmem:$0x2388] =	vst v0  }
0x233: {  	[tilespmem:$0x2398] =	vst v0  }
0x234: {  	[tilespmem:$0x23A8] =	vst v0  }
0x235: {  	[tilespmem:$0x23B8] =	vst v0  }
0x236: {  	[tilespmem:$0x23C8] =	vst v0  }
0x237: {  	[tilespmem:$0x23D8] =	vst v0  }
0x238: {  	[tilespmem:$0x23E8] =	vst v0  }
0x239: {  	[tilespmem:$0x23F8] =	vst v0  }
0x23a: {  	[tilespmem:$0x2408] =	vst v0  }
0x23b: {  	[tilespmem:$0x2418] =	vst v0  }
0x23c: {  	[tilespmem:$0x2428] =	vst v0  }
0x23d: {  	[tilespmem:$0x2438] =	vst v0  }
0x23e: {  	[tilespmem:$0x2448] =	vst v0  }
0x23f: {  	[tilespmem:$0x2458] =	vst v0  }
0x240: {  	[tilespmem:$0x2468] =	vst v0  }
0x241: {  	[tilespmem:$0x2478] =	vst v0  }
0x242: {  	[tilespmem:$0x2488] =	vst v0  }
0x243: {  	[tilespmem:$0x2498] =	vst v0  }
0x244: {  	[tilespmem:$0x24A8] =	vst v0  }
0x245: {  	[tilespmem:$0x24B8] =	vst v0  }
0x246: {  	[tilespmem:$0x24C8] =	vst v0  }
0x247: {  	[tilespmem:$0x24D8] =	vst v0  }
0x248: {  	[tilespmem:$0x24E8] =	vst v0  }
0x249: {  	[tilespmem:$0x24F8] =	vst v0  }
0x24a: {  	[tilespmem:$0x2508] =	vst v0  }
0x24b: {  	[tilespmem:$0x2518] =	vst v0  }
0x24c: {  	[tilespmem:$0x2528] =	vst v0  }
0x24d: {  	[tilespmem:$0x2538] =	vst v0  }
0x24e: {  	[tilespmem:$0x2548] =	vst v0  }
0x24f: {  	[tilespmem:$0x2558] =	vst v0  }
0x250: {  	[tilespmem:$0x2568] =	vst v0  }
0x251: {  	[tilespmem:$0x2578] =	vst v0  }
0x252: {  	[tilespmem:$0x2588] =	vst v0  }
0x253: {  	[tilespmem:$0x2598] =	vst v0  }
0x254: {  	[tilespmem:$0x25A8] =	vst v0  }
0x255: {  	[tilespmem:$0x25B8] =	vst v0  }
0x256: {  	[tilespmem:$0x25C8] =	vst v0  }
0x257: {  	[tilespmem:$0x25D8] =	vst v0  }
0x258: {  	[tilespmem:$0x25E8] =	vst v0  }
0x259: {  	[tilespmem:$0x25F8] =	vst v0  }
0x25a: {  	[tilespmem:$0x2608] =	vst v0  }
0x25b: {  	[tilespmem:$0x2618] =	vst v0  }
0x25c: {  	[tilespmem:$0x2628] =	vst v0  }
0x25d: {  	[tilespmem:$0x2638] =	vst v0  }
0x25e: {  	[tilespmem:$0x2648] =	vst v0  }
0x25f: {  	[tilespmem:$0x2658] =	vst v0  }
0x260: {  	[tilespmem:$0x2668] =	vst v0  }
0x261: {  	[tilespmem:$0x2678] =	vst v0  }
0x262: {  	[tilespmem:$0x2688] =	vst v0  }
0x263: {  	[tilespmem:$0x2698] =	vst v0  }
0x264: {  	[tilespmem:$0x26A8] =	vst v0  }
0x265: {  	[tilespmem:$0x26B8] =	vst v0  }
0x266: {  	[tilespmem:$0x26C8] =	vst v0  }
0x267: {  	[tilespmem:$0x26D8] =	vst v0  }
0x268: {  	[tilespmem:$0x26E8] =	vst v0  }
0x269: {  	[tilespmem:$0x26F8] =	vst v0  }
0x26a: {  	[tilespmem:$0x2708] =	vst v0  }
0x26b: {  	[tilespmem:$0x2718] =	vst v0  }
0x26c: {  	[tilespmem:$0x2728] =	vst v0  }
0x26d: {  	[tilespmem:$0x2738] =	vst v0  }
0x26e: {  	[tilespmem:$0x2748] =	vst v0  }
0x26f: {  	[tilespmem:$0x2758] =	vst v0  }
0x270: {  	[tilespmem:$0x2768] =	vst v0  }
0x271: {  	[tilespmem:$0x2778] =	vst v0  }
0x272: {  	[tilespmem:$0x2788] =	vst v0  }
0x273: {  	[tilespmem:$0x2798] =	vst v0  }
0x274: {  	[tilespmem:$0x27A8] =	vst v0  }
0x275: {  	[tilespmem:$0x27B8] =	vst v0  }
0x276: {  	[tilespmem:$0x27C8] =	vst v0  }
0x277: {  	[tilespmem:$0x27D8] =	vst v0  }
0x278: {  	[tilespmem:$0x27E8] =	vst v0  }
0x279: {  	[tilespmem:$0x27F8] =	vst v0  }
0x27a: {  	[tilespmem:$0x2808] =	vst v0  }
0x27b: {  	[tilespmem:$0x2818] =	vst v0  }
0x27c: {  	[tilespmem:$0x2828] =	vst v0  }
0x27d: {  	[tilespmem:$0x2838] =	vst v0  }
0x27e: {  	[tilespmem:$0x2848] =	vst v0  }
0x27f: {  	[tilespmem:$0x2858] =	vst v0  }
0x280: {  	[tilespmem:$0x2868] =	vst v0  }
0x281: {  	[tilespmem:$0x2878] =	vst v0  }
0x282: {  	[tilespmem:$0x2888] =	vst v0  }
0x283: {  	[tilespmem:$0x2898] =	vst v0  }
0x284: {  	[tilespmem:$0x28A8] =	vst v0  }
0x285: {  	[tilespmem:$0x28B8] =	vst v0  }
0x286: {  	[tilespmem:$0x28C8] =	vst v0  }
0x287: {  	[tilespmem:$0x28D8] =	vst v0  }
0x288: {  	[tilespmem:$0x28E8] =	vst v0  }
0x289: {  	[tilespmem:$0x28F8] =	vst v0  }
0x28a: {  	[tilespmem:$0x2908] =	vst v0  }
0x28b: {  	[tilespmem:$0x2918] =	vst v0  }
0x28c: {  	[tilespmem:$0x2928] =	vst v0  }
0x28d: {  	[tilespmem:$0x2938] =	vst v0  }
0x28e: {  	[tilespmem:$0x2948] =	vst v0  }
0x28f: {  	[tilespmem:$0x2958] =	vst v0  }
0x290: {  	[tilespmem:$0x2968] =	vst v0  }
0x291: {  	[tilespmem:$0x2978] =	vst v0  }
0x292: {  	[tilespmem:$0x2988] =	vst v0  }
0x293: {  	[tilespmem:$0x2998] =	vst v0  }
0x294: {  	[tilespmem:$0x29A8] =	vst v0  }
0x295: {  	[tilespmem:$0x29B8] =	vst v0  }
0x296: {  	[tilespmem:$0x29C8] =	vst v0  }
0x297: {  	[tilespmem:$0x29D8] =	vst v0  }
0x298: {  	[tilespmem:$0x29E8] =	vst v0  }
0x299: {  	[tilespmem:$0x29F8] =	vst v0  }
0x29a: {  	[tilespmem:$0x2A08] =	vst v0  }
0x29b: {  	[tilespmem:$0x2A18] =	vst v0  }
0x29c: {  	[tilespmem:$0x2A28] =	vst v0  }
0x29d: {  	[tilespmem:$0x2A38] =	vst v0  }
0x29e: {  	[tilespmem:$0x2A48] =	vst v0  }
0x29f: {  	[tilespmem:$0x2A58] =	vst v0  }
0x2a0: {  	[tilespmem:$0x2A68] =	vst v0  }
0x2a1: {  	[tilespmem:$0x2A78] =	vst v0  }
0x2a2: {  	[tilespmem:$0x2A88] =	vst v0  }
0x2a3: {  	[tilespmem:$0x2A98] =	vst v0  }
0x2a4: {  	[tilespmem:$0x2AA8] =	vst v0  }
0x2a5: {  	[tilespmem:$0x2AB8] =	vst v0  }
0x2a6: {  	[tilespmem:$0x2AC8] =	vst v0  }
0x2a7: {  	[tilespmem:$0x2AD8] =	vst v0  }
0x2a8: {  	[tilespmem:$0x2AE8] =	vst v0  }
0x2a9: {  	[tilespmem:$0x2AF8] =	vst v0  }
0x2aa: {  	[tilespmem:$0x2B08] =	vst v0  }
0x2ab: {  	[tilespmem:$0x2B18] =	vst v0  }
0x2ac: {  	[tilespmem:$0x2B28] =	vst v0  }
0x2ad: {  	[tilespmem:$0x2B38] =	vst v0  }
0x2ae: {  	[tilespmem:$0x2B48] =	vst v0  }
0x2af: {  	[tilespmem:$0x2B58] =	vst v0  }
0x2b0: {  	[tilespmem:$0x2B68] =	vst v0  }
0x2b1: {  	[tilespmem:$0x2B78] =	vst v0  }
0x2b2: {  	[tilespmem:$0x2B88] =	vst v0  }
0x2b3: {  	[tilespmem:$0x2B98] =	vst v0  }
0x2b4: {  	[tilespmem:$0x2BA8] =	vst v0  }
0x2b5: {  	[tilespmem:$0x2BB8] =	vst v0  }
0x2b6: {  	[tilespmem:$0x2BC8] =	vst v0  }
0x2b7: {  	[tilespmem:$0x2BD8] =	vst v0  }
0x2b8: {  	[tilespmem:$0x2BE8] =	vst v0  }
0x2b9: {  	[tilespmem:$0x2BF8] =	vst v0  }
0x2ba: {  	[tilespmem:$0x2C08] =	vst v0  }
0x2bb: {  	[tilespmem:$0x2C18] =	vst v0  }
0x2bc: {  	[tilespmem:$0x2C28] =	vst v0  }
0x2bd: {  	[tilespmem:$0x2C38] =	vst v0  }
0x2be: {  	[tilespmem:$0x2C48] =	vst v0  }
0x2bf: {  	[tilespmem:$0x2C58] =	vst v0  }
0x2c0: {  	[tilespmem:$0x2C68] =	vst v0  }
0x2c1: {  	[tilespmem:$0x2C78] =	vst v0  }
0x2c2: {  	[tilespmem:$0x2C88] =	vst v0  }
0x2c3: {  	[tilespmem:$0x2C98] =	vst v0  }
0x2c4: {  	[tilespmem:$0x2CA8] =	vst v0  }
0x2c5: {  	[tilespmem:$0x2CB8] =	vst v0  }
0x2c6: {  	[tilespmem:$0x2CC8] =	vst v0  }
0x2c7: {  	[tilespmem:$0x2CD8] =	vst v0  }
0x2c8: {  	[tilespmem:$0x2CE8] =	vst v0  }
0x2c9: {  	[tilespmem:$0x2CF8] =	vst v0  }
0x2ca: {  	[tilespmem:$0x2D08] =	vst v0  }
0x2cb: {  	[tilespmem:$0x2D18] =	vst v0  }
0x2cc: {  	[tilespmem:$0x2D28] =	vst v0  }
0x2cd: {  	[tilespmem:$0x2D38] =	vst v0  }
0x2ce: {  	[tilespmem:$0x2D48] =	vst v0  }
0x2cf: {  	[tilespmem:$0x2D58] =	vst v0  }
0x2d0: {  	[tilespmem:$0x2D68] =	vst v0  }
0x2d1: {  	[tilespmem:$0x2D78] =	vst v0  }
0x2d2: {  	[tilespmem:$0x2D88] =	vst v0  }
0x2d3: {  	[tilespmem:$0x2D98] =	vst v0  }
0x2d4: {  	[tilespmem:$0x2DA8] =	vst v0  }
0x2d5: {  	[tilespmem:$0x2DB8] =	vst v0  }
0x2d6: {  	[tilespmem:$0x2DC8] =	vst v0  }
0x2d7: {  	[tilespmem:$0x2DD8] =	vst v0  }
0x2d8: {  	[tilespmem:$0x2DE8] =	vst v0  }
0x2d9: {  	[tilespmem:$0x2DF8] =	vst v0  }
0x2da: {  	[tilespmem:$0x2E08] =	vst v0  }
0x2db: {  	[tilespmem:$0x2E18] =	vst v0  }
0x2dc: {  	[tilespmem:$0x2E28] =	vst v0  }
0x2dd: {  	[tilespmem:$0x2E38] =	vst v0  }
0x2de: {  	[tilespmem:$0x2E48] =	vst v0  }
0x2df: {  	[tilespmem:$0x2E58] =	vst v0  }
0x2e0: {  	[tilespmem:$0x2E68] =	vst v0  }
0x2e1: {  	[tilespmem:$0x2E78] =	vst v0  }
0x2e2: {  	[tilespmem:$0x2E88] =	vst v0  }
0x2e3: {  	[tilespmem:$0x2E98] =	vst v0  }
0x2e4: {  	[tilespmem:$0x2EA8] =	vst v0  }
0x2e5: {  	[tilespmem:$0x2EB8] =	vst v0  }
0x2e6: {  	[tilespmem:$0x2EC8] =	vst v0  }
0x2e7: {  	[tilespmem:$0x2ED8] =	vst v0  }
0x2e8: {  	[tilespmem:$0x2EE8] =	vst v0  }
0x2e9: {  	[tilespmem:$0x2EF8] =	vst v0  }
0x2ea: {  	[tilespmem:$0x2F08] =	vst v0  }
0x2eb: {  	[tilespmem:$0x2F18] =	vst v0  }
0x2ec: {  	[tilespmem:$0x2F28] =	vst v0  }
0x2ed: {  	[tilespmem:$0x2F38] =	vst v0  }
0x2ee: {  	[tilespmem:$0x2F48] =	vst v0  }
0x2ef: {  	[tilespmem:$0x2F58] =	vst v0  }
0x2f0: {  	[tilespmem:$0x2F68] =	vst v0  }
0x2f1: {  	[tilespmem:$0x2F78] =	vst v0  }
0x2f2: {  	[tilespmem:$0x2F88] =	vst v0  }
0x2f3: {  	[tilespmem:$0x2F98] =	vst v0  }
0x2f4: {  	[tilespmem:$0x2FA8] =	vst v0  }
0x2f5: {  	[tilespmem:$0x2FB8] =	vst v0  }
0x2f6: {  	[tilespmem:$0x2FC8] =	vst v0  }
0x2f7: {  	[tilespmem:$0x2FD8] =	vst v0  }
0x2f8: {  	[tilespmem:$0x2FE8] =	vst v0  }
0x2f9: {  	[tilespmem:$0x2FF8] =	vst v0  }
0x2fa: {  	[tilespmem:$0x3008] =	vst v0  }
0x2fb: {  	[tilespmem:$0x3018] =	vst v0  }
0x2fc: {  	[tilespmem:$0x3028] =	vst v0  }
0x2fd: {  	[tilespmem:$0x3038] =	vst v0  }
0x2fe: {  	[tilespmem:$0x3048] =	vst v0  }
0x2ff: {  	[tilespmem:$0x3058] =	vst v0  }
0x300: {  	[tilespmem:$0x3068] =	vst v0  }
0x301: {  	[tilespmem:$0x3078] =	vst v0  }
0x302: {  	[tilespmem:$0x3088] =	vst v0  }
0x303: {  	[tilespmem:$0x3098] =	vst v0  }
0x304: {  	[tilespmem:$0x30A8] =	vst v0  }
0x305: {  	[tilespmem:$0x30B8] =	vst v0  }
0x306: {  	[tilespmem:$0x30C8] =	vst v0  }
0x307: {  	[tilespmem:$0x30D8] =	vst v0  }
0x308: {  	[tilespmem:$0x30E8] =	vst v0  }
0x309: {  	[tilespmem:$0x30F8] =	vst v0  }
0x30a: {  	[tilespmem:$0x3108] =	vst v0  }
0x30b: {  	[tilespmem:$0x3118] =	vst v0  }
0x30c: {  	[tilespmem:$0x3128] =	vst v0  }
0x30d: {  	[tilespmem:$0x3138] =	vst v0  }
0x30e: {  	[tilespmem:$0x3148] =	vst v0  }
0x30f: {  	[tilespmem:$0x3158] =	vst v0  }
0x310: {  	[tilespmem:$0x3168] =	vst v0  }
0x311: {  	[tilespmem:$0x3178] =	vst v0  }
0x312: {  	[tilespmem:$0x3188] =	vst v0  }
0x313: {  	[tilespmem:$0x3198] =	vst v0  }
0x314: {  	[tilespmem:$0x31A8] =	vst v0  }
0x315: {  	[tilespmem:$0x31B8] =	vst v0  }
0x316: {  	[tilespmem:$0x40E8] =	vst v0  }
0x317: {  	[tilespmem:$0x40F8] =	vst v0  }
0x318: {  	[tilespmem:$0x31C8] =	vst v0  }
0x319: {  	[tilespmem:$0x31D8] =	vst v0  }
0x31a: {  	[tilespmem:$0x31E8] =	vst v0  }
0x31b: {  	[tilespmem:$0x31F8] =	vst v0  }
0x31c: {  	[tilespmem:$0x3208] =	vst v0  }
0x31d: {  	[tilespmem:$0x3218] =	vst v0  }
0x31e: {  	[tilespmem:$0x3228] =	vst v0  }
0x31f: {  	[tilespmem:$0x3238] =	vst v0  }
0x320: {  	[tilespmem:$0x3248] =	vst v0  }
0x321: {  	[tilespmem:$0x3258] =	vst v0  }
0x322: {  	[tilespmem:$0x3268] =	vst v0  }
0x323: {  	[tilespmem:$0x3278] =	vst v0  }
0x324: {  	[tilespmem:$0x3288] =	vst v0  }
0x325: {  	[tilespmem:$0x3298] =	vst v0  }
0x326: {  	[tilespmem:$0x32A8] =	vst v0  }
0x327: {  	[tilespmem:$0x32B8] =	vst v0  }
0x328: {  	[tilespmem:$0x32C8] =	vst v0  }
0x329: {  	[tilespmem:$0x32D8] =	vst v0  }
0x32a: {  	[tilespmem:$0x32E8] =	vst v0  }
0x32b: {  	[tilespmem:$0x32F8] =	vst v0  }
0x32c: {  	[tilespmem:$0x3308] =	vst v0  }
0x32d: {  	[tilespmem:$0x3318] =	vst v0  }
0x32e: {  	[tilespmem:$0x3328] =	vst v0  }
0x32f: {  	[tilespmem:$0x3338] =	vst v0  }
0x330: {  	[tilespmem:$0x3348] =	vst v0  }
0x331: {  	[tilespmem:$0x3358] =	vst v0  }
0x332: {  	[tilespmem:$0x3368] =	vst v0  }
0x333: {  	[tilespmem:$0x3378] =	vst v0  }
0x334: {  	[tilespmem:$0x3388] =	vst v0  }
0x335: {  	[tilespmem:$0x3398] =	vst v0  }
0x336: {  	[tilespmem:$0x33A8] =	vst v0  }
0x337: {  	[tilespmem:$0x33B8] =	vst v0  }
0x338: {  	[tilespmem:$0x33C8] =	vst v0  }
0x339: {  	[tilespmem:$0x33D8] =	vst v0  }
0x33a: {  	[tilespmem:$0x33E8] =	vst v0  }
0x33b: {  	[tilespmem:$0x33F8] =	vst v0  }
0x33c: {  	[tilespmem:$0x3408] =	vst v0  }
0x33d: {  	[tilespmem:$0x3418] =	vst v0  }
0x33e: {  	[tilespmem:$0x3428] =	vst v0  }
0x33f: {  	[tilespmem:$0x3438] =	vst v0  }
0x340: {  	[tilespmem:$0x3448] =	vst v0  }
0x341: {  	[tilespmem:$0x3458] =	vst v0  }
0x342: {  	[tilespmem:$0x3468] =	vst v0  }
0x343: {  	[tilespmem:$0x3478] =	vst v0  }
0x344: {  	[tilespmem:$0x3488] =	vst v0  }
0x345: {  	[tilespmem:$0x3498] =	vst v0  }
0x346: {  	[tilespmem:$0x34A8] =	vst v0  }
0x347: {  	[tilespmem:$0x34B8] =	vst v0  }
0x348: {  	[tilespmem:$0x34C8] =	vst v0  }
0x349: {  	[tilespmem:$0x34D8] =	vst v0  }
0x34a: {  	[tilespmem:$0x34E8] =	vst v0  }
0x34b: {  	[tilespmem:$0x34F8] =	vst v0  }
0x34c: {  	[tilespmem:$0x3508] =	vst v0  }
0x34d: {  	[tilespmem:$0x3518] =	vst v0  }
0x34e: {  	[tilespmem:$0x3528] =	vst v0  }
0x34f: {  	[tilespmem:$0x3538] =	vst v0  }
0x350: {  	[tilespmem:$0x3548] =	vst v0  }
0x351: {  	[tilespmem:$0x3558] =	vst v0  }
0x352: {  	[tilespmem:$0x3568] =	vst v0  }
0x353: {  	[tilespmem:$0x3578] =	vst v0  }
0x354: {  	[tilespmem:$0x3588] =	vst v0  }
0x355: {  	[tilespmem:$0x3598] =	vst v0  }
0x356: {  	[tilespmem:$0x35A8] =	vst v0  }
0x357: {  	[tilespmem:$0x35B8] =	vst v0  }
0x358: {  	[tilespmem:$0x35C8] =	vst v0  }
0x359: {  	[tilespmem:$0x35D8] =	vst v0  }
0x35a: {  	[tilespmem:$0x35E8] =	vst v0  }
0x35b: {  	[tilespmem:$0x35F8] =	vst v0  }
0x35c: {  	[tilespmem:$0x3608] =	vst v0  }
0x35d: {  	[tilespmem:$0x3618] =	vst v0  }
0x35e: {  	[tilespmem:$0x3628] =	vst v0  }
0x35f: {  	[tilespmem:$0x3638] =	vst v0  }
0x360: {  	[tilespmem:$0x3648] =	vst v0  }
0x361: {  	[tilespmem:$0x3658] =	vst v0  }
0x362: {  	[tilespmem:$0x3668] =	vst v0  }
0x363: {  	[tilespmem:$0x3678] =	vst v0  }
0x364: {  	[tilespmem:$0x3688] =	vst v0  }
0x365: {  	[tilespmem:$0x3698] =	vst v0  }
0x366: {  	[tilespmem:$0x36A8] =	vst v0  }
0x367: {  	[tilespmem:$0x36B8] =	vst v0  }
0x368: {  	[tilespmem:$0x36C8] =	vst v0  }
0x369: {  	[tilespmem:$0x36D8] =	vst v0  }
0x36a: {  	[tilespmem:$0x36E8] =	vst v0  }
0x36b: {  	[tilespmem:$0x36F8] =	vst v0  }
0x36c: {  	[tilespmem:$0x3708] =	vst v0  }
0x36d: {  	[tilespmem:$0x3718] =	vst v0  }
0x36e: {  	[tilespmem:$0x3728] =	vst v0  }
0x36f: {  	[tilespmem:$0x3738] =	vst v0  }
0x370: {  	[tilespmem:$0x3748] =	vst v0  }
0x371: {  	[tilespmem:$0x3758] =	vst v0  }
0x372: {  	[tilespmem:$0x3768] =	vst v0  }
0x373: {  	[tilespmem:$0x3778] =	vst v0  }
0x374: {  	[tilespmem:$0x3788] =	vst v0  }
0x375: {  	[tilespmem:$0x3798] =	vst v0  }
0x376: {  	[tilespmem:$0x37A8] =	vst v0  }
0x377: {  	[tilespmem:$0x37B8] =	vst v0  }
0x378: {  	[tilespmem:$0x37C8] =	vst v0  }
0x379: {  	[tilespmem:$0x37D8] =	vst v0  }
0x37a: {  	[tilespmem:$0x37E8] =	vst v0  }
0x37b: {  	[tilespmem:$0x37F8] =	vst v0  }
0x37c: {  	[tilespmem:$0x3808] =	vst v0  }
0x37d: {  	[tilespmem:$0x3818] =	vst v0  }
0x37e: {  	[tilespmem:$0x3828] =	vst v0  }
0x37f: {  	[tilespmem:$0x3838] =	vst v0  }
0x380: {  	[tilespmem:$0x3848] =	vst v0  }
0x381: {  	[tilespmem:$0x3858] =	vst v0  }
0x382: {  	[tilespmem:$0x3868] =	vst v0  }
0x383: {  	[tilespmem:$0x3878] =	vst v0  }
0x384: {  	[tilespmem:$0x3888] =	vst v0  }
0x385: {  	[tilespmem:$0x3898] =	vst v0  }
0x386: {  	[tilespmem:$0x38A8] =	vst v0  }
0x387: {  	[tilespmem:$0x38B8] =	vst v0  }
0x388: {  	[tilespmem:$0x38C8] =	vst v0  }
0x389: {  	[tilespmem:$0x38D8] =	vst v0  }
0x38a: {  	[tilespmem:$0x38E8] =	vst v0  }
0x38b: {  	[tilespmem:$0x38F8] =	vst v0  }
0x38c: {  	[tilespmem:$0x3908] =	vst v0  }
0x38d: {  	[tilespmem:$0x3918] =	vst v0  }
0x38e: {  	[tilespmem:$0x3928] =	vst v0  }
0x38f: {  	[tilespmem:$0x3938] =	vst v0  }
0x390: {  	[tilespmem:$0x3948] =	vst v0  }
0x391: {  	[tilespmem:$0x3958] =	vst v0  }
0x392: {  	[tilespmem:$0x3968] =	vst v0  }
0x393: {  	[tilespmem:$0x3978] =	vst v0  }
0x394: {  	[tilespmem:$0x3988] =	vst v0  }
0x395: {  	[tilespmem:$0x3998] =	vst v0  }
0x396: {  	[tilespmem:$0x39A8] =	vst v0  }
0x397: {  	[tilespmem:$0x39B8] =	vst v0  }
0x398: {  	[tilespmem:$0x39C8] =	vst v0  }
0x399: {  	[tilespmem:$0x39D8] =	vst v0  }
0x39a: {  	[tilespmem:$0x39E8] =	vst v0  }
0x39b: {  	[tilespmem:$0x39F8] =	vst v0  }
0x39c: {  	[tilespmem:$0x3A08] =	vst v0  }
0x39d: {  	[tilespmem:$0x3A18] =	vst v0  }
0x39e: {  	[tilespmem:$0x3A28] =	vst v0  }
0x39f: {  	[tilespmem:$0x3A38] =	vst v0  }
0x3a0: {  	[tilespmem:$0x3A48] =	vst v0  }
0x3a1: {  	[tilespmem:$0x3A58] =	vst v0  }
0x3a2: {  	[tilespmem:$0x3A68] =	vst v0  }
0x3a3: {  	[tilespmem:$0x3A78] =	vst v0  }
0x3a4: {  	[tilespmem:$0x3A88] =	vst v0  }
0x3a5: {  	[tilespmem:$0x3A98] =	vst v0  }
0x3a6: {  	[tilespmem:$0x3AA8] =	vst v0  }
0x3a7: {  	[tilespmem:$0x3AB8] =	vst v0  }
0x3a8: {  	[tilespmem:$0x3AC8] =	vst v0  }
0x3a9: {  	[tilespmem:$0x3AD8] =	vst v0  }
0x3aa: {  	[tilespmem:$0x3AE8] =	vst v0  }
0x3ab: {  	[tilespmem:$0x3AF8] =	vst v0  }
0x3ac: {  	[tilespmem:$0x3B08] =	vst v0  }
0x3ad: {  	[tilespmem:$0x3B18] =	vst v0  }
0x3ae: {  	[tilespmem:$0x3B28] =	vst v0  }
0x3af: {  	[tilespmem:$0x3B38] =	vst v0  }
0x3b0: {  	[tilespmem:$0x3B48] =	vst v0  }
0x3b1: {  	[tilespmem:$0x3B58] =	vst v0  }
0x3b2: {  	[tilespmem:$0x3B68] =	vst v0  }
0x3b3: {  	[tilespmem:$0x3B78] =	vst v0  }
0x3b4: {  	[tilespmem:$0x3B88] =	vst v0  }
0x3b5: {  	[tilespmem:$0x3B98] =	vst v0  }
0x3b6: {  	[tilespmem:$0x3BA8] =	vst v0  }
0x3b7: {  	[tilespmem:$0x3BB8] =	vst v0  }
0x3b8: {  	[tilespmem:$0x3BC8] =	vst v0  }
0x3b9: {  	[tilespmem:$0x3BD8] =	vst v0  }
0x3ba: {  	[tilespmem:$0x3BE8] =	vst v0  }
0x3bb: {  	[tilespmem:$0x3BF8] =	vst v0  }
0x3bc: {  	[tilespmem:$0x3C08] =	vst v0  }
0x3bd: {  	[tilespmem:$0x3C18] =	vst v0  }
0x3be: {  	[tilespmem:$0x3C28] =	vst v0  }
0x3bf: {  	[tilespmem:$0x3C38] =	vst v0  }
0x3c0: {  	[tilespmem:$0x3C48] =	vst v0  }
0x3c1: {  	[tilespmem:$0x3C58] =	vst v0  }
0x3c2: {  	[tilespmem:$0x3C68] =	vst v0  }
0x3c3: {  	[tilespmem:$0x3C78] =	vst v0  }
0x3c4: {  	[tilespmem:$0x3C88] =	vst v0  }
0x3c5: {  	[tilespmem:$0x3C98] =	vst v0  }
0x3c6: {  	[tilespmem:$0x3CA8] =	vst v0  }
0x3c7: {  	[tilespmem:$0x3CB8] =	vst v0  }
0x3c8: {  	[tilespmem:$0x3CC8] =	vst v0  }
0x3c9: {  	[tilespmem:$0x3CD8] =	vst v0  }
0x3ca: {  	[tilespmem:$0x3CE8] =	vst v0  }
0x3cb: {  	[tilespmem:$0x3CF8] =	vst v0  }
0x3cc: {  	[tilespmem:$0x3D08] =	vst v0  }
0x3cd: {  	[tilespmem:$0x3D18] =	vst v0  }
0x3ce: {  	[tilespmem:$0x3D28] =	vst v0  }
0x3cf: {  	[tilespmem:$0x3D38] =	vst v0  }
0x3d0: {  	[tilespmem:$0x3D48] =	vst v0  }
0x3d1: {  	[tilespmem:$0x3D58] =	vst v0  }
0x3d2: {  	[tilespmem:$0x3D68] =	vst v0  }
0x3d3: {  	[tilespmem:$0x3D78] =	vst v0  }
0x3d4: {  	[tilespmem:$0x3D88] =	vst v0  }
0x3d5: {  	[tilespmem:$0x3D98] =	vst v0  }
0x3d6: {  	[tilespmem:$0x3DA8] =	vst v0  }
0x3d7: {  	[tilespmem:$0x3DB8] =	vst v0  }
0x3d8: {  	[tilespmem:$0x3DC8] =	vst v0  }
0x3d9: {  	[tilespmem:$0x3DD8] =	vst v0  }
0x3da: {  	[tilespmem:$0x3DE8] =	vst v0  }
0x3db: {  	[tilespmem:$0x3DF8] =	vst v0  }
0x3dc: {  	[tilespmem:$0x3E08] =	vst v0  }
0x3dd: {  	[tilespmem:$0x3E18] =	vst v0  }
0x3de: {  	[tilespmem:$0x3E28] =	vst v0  }
0x3df: {  	[tilespmem:$0x3E38] =	vst v0  }
0x3e0: {  	[tilespmem:$0x3E48] =	vst v0  }
0x3e1: {  	[tilespmem:$0x3E58] =	vst v0  }
0x3e2: {  	[tilespmem:$0x3E68] =	vst v0  }
0x3e3: {  	[tilespmem:$0x3E78] =	vst v0  }
0x3e4: {  	[tilespmem:$0x3E88] =	vst v0  }
0x3e5: {  	[tilespmem:$0x3E98] =	vst v0  }
0x3e6: {  	[tilespmem:$0x3EA8] =	vst v0  }
0x3e7: {  	[tilespmem:$0x3EB8] =	vst v0  }
0x3e8: {  	[tilespmem:$0x3EC8] =	vst v0  }
0x3e9: {  	[tilespmem:$0x3ED8] =	vst v0  }
0x3ea: {  	[tilespmem:$0x3EE8] =	vst v0  }
0x3eb: {  	[tilespmem:$0x3EF8] =	vst v0  }
0x3ec: {  	[tilespmem:$0x3F08] =	vst v0  }
0x3ed: {  	[tilespmem:$0x3F18] =	vst v0  }
0x3ee: {  	[tilespmem:$0x3F28] =	vst v0  }
0x3ef: {  	[tilespmem:$0x3F38] =	vst v0  }
0x3f0: {  	[tilespmem:$0x3F48] =	vst v0  }
0x3f1: {  	[tilespmem:$0x3F58] =	vst v0  }
0x3f2: {  	[tilespmem:$0x3F68] =	vst v0  }
0x3f3: {  	[tilespmem:$0x3F78] =	vst v0  }
0x3f4: {  	[tilespmem:$0x3F88] =	vst v0  }
0x3f5: {  	[tilespmem:$0x3F98] =	vst v0  }
0x3f6: {  	[tilespmem:$0x3FA8] =	vst v0  }
0x3f7: {  	[tilespmem:$0x3FB8] =	vst v0  }
0x3f8: {  	[tilespmem:$0x3FC8] =	vst v0  }
0x3f9: {  	[tilespmem:$0x3FD8] =	vst v0  }
0x3fa: {  	[tilespmem:$0x3FE8] =	vst v0  }
0x3fb: {  	[tilespmem:$0x3FF8] =	vst v0  }
0x3fc: {  	[tilespmem:$0x4008] =	vst v0  }
0x3fd: {  	[tilespmem:$0x4018] =	vst v0  }
0x3fe: {  	[tilespmem:$0x4028] =	vst v0  }
0x3ff: {  	[tilespmem:$0x4038] =	vst v0  }
0x400: {  	[tilespmem:$0x4048] =	vst v0  }
0x401: {  	[tilespmem:$0x4058] =	vst v0  }
0x402: {  	[tilespmem:$0x4068] =	vst v0  }
0x403: {  	[tilespmem:$0x4078] =	vst v0  }
0x404: {  	[tilespmem:$0x4088] =	vst v0  }
0x405: {  	[tilespmem:$0x4098] =	vst v0  }
0x406: {  	[tilespmem:$0x40A8] =	vst v0  }
0x407: {  	[tilespmem:$0x40B8] =	vst v0  }
0x408: {  	[tilespmem:$0x40C8] =	vst v0  }
0x409: {  	[tilespmem:$0x40D8] =	vst v0  }
0x40a: {  	[tilespmem:$0x4108] =	vst v0  }
0x40b: {  	[tilespmem:$0x4118] =	vst v0  }
0x40c: {  	[tilespmem:$0x4128] =	vst v0  }
0x40d: {  	[tilespmem:$0x4138] =	vst v0  }
0x40e: {  	[tilespmem:$0x4148] =	vst v0  }
0x40f: {  	[tilespmem:$0x4158] =	vst v0  }
0x410: {  	[tilespmem:$0x4168] =	vst v0  }
0x411: {  	[tilespmem:$0x4178] =	vst v0  }
0x412: {  	[tilespmem:$0x4188] =	vst v0  }
0x413: {  	[tilespmem:$0x4198] =	vst v0  }
0x414: {  	[tilespmem:$0x41A8] =	vst v0  }
0x415: {  	[tilespmem:$0x41B8] =	vst v0  }
0x416: {  	[tilespmem:$0x41C8] =	vst v0  }
0x417: {  	[tilespmem:$0x41D8] =	vst v0  }
0x418: {  	[tilespmem:$0x41E8] =	vst v0  }
0x419: {  	[tilespmem:$0x41F8] =	vst v0  }
0x41a: {  	[tilespmem:$0x4208] =	vst v0  }
0x41b: {  	[tilespmem:$0x4218] =	vst v0  }
0x41c: {  	[tilespmem:$0x4228] =	vst v0  }
0x41d: {  	[tilespmem:$0x4238] =	vst v0  }
0x41e: {  	[tilespmem:$0x4248] =	vst v0  }
0x41f: {  	[tilespmem:$0x4258] =	vst v0  }
0x420: {  	[tilespmem:$0x4268] =	vst v0  }
0x421: {  	[tilespmem:$0x4278] =	vst v0  }
0x422: {  	[tilespmem:$0x4288] =	vst v0  }
0x423: {  	[tilespmem:$0x4298] =	vst v0  }
0x424: {  	[tilespmem:$0x42A8] =	vst v0  }
0x425: {  	[tilespmem:$0x42B8] =	vst v0  }
0x426: {  	[tilespmem:$0x42C8] =	vst v0  }
0x427: {  	[tilespmem:$0x42D8] =	vst v0  }
0x428: {  	[tilespmem:$0x42E8] =	vst v0  }
0x429: {  	[tilespmem:$0x42F8] =	vst v0  }
0x42a: {  	[tilespmem:$0x4308] =	vst v0  }
0x42b: {  	[tilespmem:$0x4318] =	vst v0  }
0x42c: {  	[tilespmem:$0x4328] =	vst v0  }
0x42d: {  	[tilespmem:$0x4338] =	vst v0  }
0x42e: {  	[tilespmem:$0x4348] =	vst v0  }
0x42f: {  	[tilespmem:$0x4358] =	vst v0  }
0x430: {  	[tilespmem:$0x4368] =	vst v0  }
0x431: {  	[tilespmem:$0x4378] =	vst v0  }
0x432: {  	[tilespmem:$0x4388] =	vst v0  }
0x433: {  	[tilespmem:$0x4398] =	vst v0  }
0x434: {  	[tilespmem:$0x43A8] =	vst v0  }
0x435: {  	[tilespmem:$0x43B8] =	vst v0  }
0x436: {  	[tilespmem:$0x43C8] =	vst v0  }
0x437: {  	[tilespmem:$0x43D8] =	vst v0  }
0x438: {  	[tilespmem:$0x43E8] =	vst v0  }
0x439: {  	[tilespmem:$0x43F8] =	vst v0  }
0x43a: {  	[tilespmem:$0x4408] =	vst v0  }
0x43b: {  	[tilespmem:$0x4418] =	vst v0  }
0x43c: {  	[tilespmem:$0x4428] =	vst v0  }
0x43d: {  	[tilespmem:$0x4438] =	vst v0  }
0x43e: {  	[tilespmem:$0x4448] =	vst v0  }
0x43f: {  	[tilespmem:$0x4458] =	vst v0  }
0x440: {  	[tilespmem:$0x4468] =	vst v0  }
0x441: {  	[tilespmem:$0x4478] =	vst v0  }
0x442: {  	[tilespmem:$0x4488] =	vst v0  }
0x443: {  	[tilespmem:$0x4498] =	vst v0  }
0x444: {  	[tilespmem:$0x44A8] =	vst v0  }
0x445: {  	[tilespmem:$0x44B8] =	vst v0  }
0x446: {  	[tilespmem:$0x44C8] =	vst v0  }
0x447: {  	[tilespmem:$0x44D8] =	vst v0  }
0x448: {  	[tilespmem:$0x44E8] =	vst v0  }
0x449: {  	[tilespmem:$0x44F8] =	vst v0  }
0x44a: {  	[tilespmem:$0x4508] =	vst v0  }
0x44b: {  	[tilespmem:$0x4518] =	vst v0  }
0x44c: {  	[tilespmem:$0x4528] =	vst v0  }
0x44d: {  	[tilespmem:$0x4538] =	vst v0  }
0x44e: {  	[tilespmem:$0x4548] =	vst v0  }
0x44f: {  	[tilespmem:$0x4558] =	vst v0  }
0x450: {  	[tilespmem:$0x4568] =	vst v0  }
0x451: {  	[tilespmem:$0x4578] =	vst v0  }
0x452: {  	[tilespmem:$0x4588] =	vst v0  }
0x453: {  	[tilespmem:$0x4598] =	vst v0  }
0x454: {  	[tilespmem:$0x45A8] =	vst v0  }
0x455: {  	[tilespmem:$0x45B8] =	vst v0  }
0x456: {  	[tilespmem:$0x45C8] =	vst v0  }
0x457: {  	[tilespmem:$0x45D8] =	vst v0  }
0x458: {  	[tilespmem:$0x45E8] =	vst v0  }
0x459: {  	[tilespmem:$0x45F8] =	vst v0  }
0x45a: {  	[tilespmem:$0x4608] =	vst v0  }
0x45b: {  	[tilespmem:$0x4618] =	vst v0  }
0x45c: {  	[tilespmem:$0x4628] =	vst v0  }
0x45d: {  	[tilespmem:$0x4638] =	vst v0  }
0x45e: {  	[tilespmem:$0x4648] =	vst v0  }
0x45f: {  	[tilespmem:$0x4658] =	vst v0  }
0x460: {  	[tilespmem:$0x4668] =	vst v0  }
0x461: {  	[tilespmem:$0x4678] =	vst v0  }
0x462: {  	[tilespmem:$0x4688] =	vst v0  }
0x463: {  	[tilespmem:$0x4698] =	vst v0  }
0x464: {  	[tilespmem:$0x46A8] =	vst v0  }
0x465: {  	[tilespmem:$0x46B8] =	vst v0  }
0x466: {  	[tilespmem:$0x46C8] =	vst v0  }
0x467: {  	[tilespmem:$0x46D8] =	vst v0  }
0x468: {  	[tilespmem:$0x46E8] =	vst v0  }
0x469: {  	[tilespmem:$0x46F8] =	vst v0  }
0x46a: {  	[tilespmem:$0x4708] =	vst v0  }
0x46b: {  	[tilespmem:$0x4718] =	vst v0  }
0x46c: {  	[tilespmem:$0x4728] =	vst v0  }
0x46d: {  	[tilespmem:$0x4738] =	vst v0  }
0x46e: {  	[tilespmem:$0x4748] =	vst v0  }
0x46f: {  	[tilespmem:$0x4758] =	vst v0  }
0x470: {  	[tilespmem:$0x4768] =	vst v0  }
0x471: {  	[tilespmem:$0x4778] =	vst v0  }
0x472: {  	[tilespmem:$0x4788] =	vst v0  }
0x473: {  	[tilespmem:$0x4798] =	vst v0  }
0x474: {  	[tilespmem:$0x47A8] =	vst v0  }
0x475: {  	[tilespmem:$0x47B8] =	vst v0  }
0x476: {  	[tilespmem:$0x47C8] =	vst v0  }
0x477: {  	[tilespmem:$0x47D8] =	vst v0  }
0x478: {  	[tilespmem:$0x47E8] =	vst v0  }
0x479: {  	[tilespmem:$0x47F8] =	vst v0  }
0x47a: {  	[tilespmem:$0x4808] =	vst v0  }
0x47b: {  	[tilespmem:$0x4818] =	vst v0  }
0x47c: {  	[tilespmem:$0x4828] =	vst v0  }
0x47d: {  	[tilespmem:$0x4838] =	vst v0  }
0x47e: {  	[tilespmem:$0x4848] =	vst v0  }
0x47f: {  	[tilespmem:$0x4858] =	vst v0  }
0x480: {  	[tilespmem:$0x4868] =	vst v0  }
0x481: {  	[tilespmem:$0x4878] =	vst v0  }
0x482: {  	[tilespmem:$0x4888] =	vst v0  }
0x483: {  	[tilespmem:$0x4898] =	vst v0  }
0x484: {  	[tilespmem:$0x48A8] =	vst v0  }
0x485: {  	[tilespmem:$0x48B8] =	vst v0  }
0x486: {  	[tilespmem:$0x48C8] =	vst v0  }
0x487: {  	[tilespmem:$0x48D8] =	vst v0  }
0x488: {  	[tilespmem:$0x48E8] =	vst v0  }
0x489: {  	[tilespmem:$0x48F8] =	vst v0  }
0x48a: {  	[tilespmem:$0x4908] =	vst v0  }
0x48b: {  	[tilespmem:$0x4918] =	vst v0  }
0x48c: {  	[tilespmem:$0x4928] =	vst v0  }
0x48d: {  	[tilespmem:$0x4938] =	vst v0  }
0x48e: {  	[tilespmem:$0x4948] =	vst v0  }
0x48f: {  	[tilespmem:$0x4958] =	vst v0  }
0x490: {  	[tilespmem:$0x4968] =	vst v0  }
0x491: {  	[tilespmem:$0x4978] =	vst v0  }
0x492: {  	[tilespmem:$0x4988] =	vst v0  }
0x493: {  	[tilespmem:$0x4998] =	vst v0  }
0x494: {  	[tilespmem:$0x49A8] =	vst v0  }
0x495: {  	[tilespmem:$0x49B8] =	vst v0  }
0x496: {  	[tilespmem:$0x49C8] =	vst v0  }
0x497: {  	[tilespmem:$0x49D8] =	vst v0  }
0x498: {  	[tilespmem:$0x49E8] =	vst v0  }
0x499: {  	[tilespmem:$0x49F8] =	vst v0  }
0x49a: {  	[tilespmem:$0x4A08] =	vst v0  }
0x49b: {  	[tilespmem:$0x4A18] =	vst v0  }
0x49c: {  	[tilespmem:$0x4A28] =	vst v0  }
0x49d: {  	[tilespmem:$0x4A38] =	vst v0  }
0x49e: {  	[tilespmem:$0x4A48] =	vst v0  }
0x49f: {  	[tilespmem:$0x4A58] =	vst v0  }
0x4a0: {  	[tilespmem:$0x4A68] =	vst v0  }
0x4a1: {  	[tilespmem:$0x4A78] =	vst v0  }
0x4a2: {  	[tilespmem:$0x4A88] =	vst v0  }
0x4a3: {  	[tilespmem:$0x4A98] =	vst v0  }
0x4a4: {  	[tilespmem:$0x4AA8] =	vst v0  }
0x4a5: {  	[tilespmem:$0x4AB8] =	vst v0  }
0x4a6: {  	[tilespmem:$0x4AC8] =	vst v0  }
0x4a7: {  	[tilespmem:$0x4AD8] =	vst v0  }
0x4a8: {  	[tilespmem:$0x4AE8] =	vst v0  }
0x4a9: {  	[tilespmem:$0x4AF8] =	vst v0  }
0x4aa: {  	[tilespmem:$0x4B08] =	vst v0  }
0x4ab: {  	[tilespmem:$0x4B18] =	vst v0  }
0x4ac: {  	[tilespmem:$0x4B28] =	vst v0  }
0x4ad: {  	[tilespmem:$0x4B38] =	vst v0  }
0x4ae: {  	[tilespmem:$0x4B48] =	vst v0  }
0x4af: {  	[tilespmem:$0x4B58] =	vst v0  }
0x4b0: {  	[tilespmem:$0x4B68] =	vst v0  }
0x4b1: {  	[tilespmem:$0x4B78] =	vst v0  }
0x4b2: {  	[tilespmem:$0x4B88] =	vst v0  }
0x4b3: {  	[tilespmem:$0x4B98] =	vst v0  }
0x4b4: {  	[tilespmem:$0x4BA8] =	vst v0  }
0x4b5: {  	[tilespmem:$0x4BB8] =	vst v0  }
0x4b6: {  	[tilespmem:$0x4BC8] =	vst v0  }
0x4b7: {  	[tilespmem:$0x4BD8] =	vst v0  }
0x4b8: {  	[tilespmem:$0x4BE8] =	vst v0  }
0x4b9: {  	[tilespmem:$0x4BF8] =	vst v0  }
0x4ba: {  	[tilespmem:$0x4C08] =	vst v0  }
0x4bb: {  	[tilespmem:$0x4C18] =	vst v0  }
0x4bc: {  	[tilespmem:$0x4C28] =	vst v0  }
0x4bd: {  	[tilespmem:$0x4C38] =	vst v0  }
0x4be: {  	[tilespmem:$0x4C48] =	vst v0  }
0x4bf: {  	[tilespmem:$0x4C58] =	vst v0  }
0x4c0: {  	[tilespmem:$0x4C68] =	vst v0  }
0x4c1: {  	[tilespmem:$0x4C78] =	vst v0  }
0x4c2: {  	[tilespmem:$0x4C88] =	vst v0  }
0x4c3: {  	[tilespmem:$0x4C98] =	vst v0  }
0x4c4: {  	[tilespmem:$0x4CA8] =	vst v0  }
0x4c5: {  	[tilespmem:$0x4CB8] =	vst v0  }
0x4c6: {  	[tilespmem:$0x4CC8] =	vst v0  }
0x4c7: {  	[tilespmem:$0x4CD8] =	vst v0  }
0x4c8: {  	[tilespmem:$0x4CE8] =	vst v0  }
0x4c9: {  	[tilespmem:$0x4CF8] =	vst v0  }
0x4ca: {  	[tilespmem:$0x4D08] =	vst v0  }
0x4cb: {  	[tilespmem:$0x4D18] =	vst v0  }
0x4cc: {  	[tilespmem:$0x4D28] =	vst v0  }
0x4cd: {  	[tilespmem:$0x4D38] =	vst v0  }
0x4ce: {  	[tilespmem:$0x4D48] =	vst v0  }
0x4cf: {  	[tilespmem:$0x4D58] =	vst v0  }
0x4d0: {  	[tilespmem:$0x4D68] =	vst v0  }
0x4d1: {  	[tilespmem:$0x4D78] =	vst v0  }
0x4d2: {  	[tilespmem:$0x4D88] =	vst v0  }
0x4d3: {  	[tilespmem:$0x4D98] =	vst v0  }
0x4d4: {  	[tilespmem:$0x4DA8] =	vst v0  }
0x4d5: {  	[tilespmem:$0x4DB8] =	vst v0  }
0x4d6: {  	[tilespmem:$0x4DC8] =	vst v0  }
0x4d7: {  	[tilespmem:$0x4DD8] =	vst v0  }
0x4d8: {  	[tilespmem:$0x4DE8] =	vst v0  }
0x4d9: {  	[tilespmem:$0x4DF8] =	vst v0  }
0x4da: {  	[tilespmem:$0x4E08] =	vst v0  }
0x4db: {  	[tilespmem:$0x4E18] =	vst v0  }
0x4dc: {  	[tilespmem:$0x4E28] =	vst v0  }
0x4dd: {  	[tilespmem:$0x4E38] =	vst v0  }
0x4de: {  	[tilespmem:$0x4E48] =	vst v0  }
0x4df: {  	[tilespmem:$0x4E58] =	vst v0  }
0x4e0: {  	[tilespmem:$0x4E68] =	vst v0  }
0x4e1: {  	[tilespmem:$0x4E78] =	vst v0  }
0x4e2: {  	[tilespmem:$0x4E88] =	vst v0  }
0x4e3: {  	[tilespmem:$0x4E98] =	vst v0  }
0x4e4: {  	[tilespmem:$0x4EA8] =	vst v0  }
0x4e5: {  	[tilespmem:$0x4EB8] =	vst v0  }
0x4e6: {  	[tilespmem:$0x4EC8] =	vst v0  }
0x4e7: {  	[tilespmem:$0x4ED8] =	vst v0  }
0x4e8: {  	[tilespmem:$0x4EE8] =	vst v0  }
0x4e9: {  	[tilespmem:$0x4EF8] =	vst v0  }
0x4ea: {  	[tilespmem:$0x4F08] =	vst v0  }
0x4eb: {  	[tilespmem:$0x4F18] =	vst v0  }
0x4ec: {  	[tilespmem:$0x4F28] =	vst v0  }
0x4ed: {  	[tilespmem:$0x4F38] =	vst v0  }
0x4ee: {  	[tilespmem:$0x4F48] =	vst v0  }
0x4ef: {  	[tilespmem:$0x4F58] =	vst v0  }
0x4f0: {  	[tilespmem:$0x4F68] =	vst v0  }
0x4f1: {  	[tilespmem:$0x4F78] =	vst v0  }
0x4f2: {  	[tilespmem:$0x4F88] =	vst v0  }
0x4f3: {  	[tilespmem:$0x4F98] =	vst v0  }
0x4f4: {  	[tilespmem:$0x4FA8] =	vst v0  }
0x4f5: {  	[tilespmem:$0x4FB8] =	vst v0  }
0x4f6: {  	[tilespmem:$0x4FC8] =	vst v0  }
0x4f7: {  	[tilespmem:$0x4FD8] =	vst v0  }
0x4f8: {  	[tilespmem:$0x4FE8] =	vst v0  }
0x4f9: {  	[tilespmem:$0x4FF8] =	vst v0  }
0x4fa: {  	[tilespmem:$0x5008] =	vst v0  }
0x4fb: {  	[tilespmem:$0x5018] =	vst v0  }
0x4fc: {  	[tilespmem:$0x5028] =	vst v0  }
0x4fd: {  	[tilespmem:$0x5038] =	vst v0  }
0x4fe: {  	[tilespmem:$0x5048] =	vst v0  }
0x4ff: {  	[tilespmem:$0x5058] =	vst v0  }
0x500: {  	[tilespmem:$0x5068] =	vst v0  }
0x501: {  	[tilespmem:$0x5078] =	vst v0  }
0x502: {  	[tilespmem:$0x5088] =	vst v0  }
0x503: {  	[tilespmem:$0x5098] =	vst v0  }
0x504: {  	[tilespmem:$0x50A8] =	vst v0  }
0x505: {  	[tilespmem:$0x50B8] =	vst v0  }
0x506: {  	[tilespmem:$0x50C8] =	vst v0  }
0x507: {  	[tilespmem:$0x50D8] =	vst v0  }
0x508: {  	[tilespmem:$0x50E8] =	vst v0  }
0x509: {  	[tilespmem:$0x50F8] =	vst v0  }
0x50a: {  	[tilespmem:$0x5168] =	vst v0  }
0x50b: {  	[tilespmem:$0x5FE8] =	vst v0  }
0x50c: {  	[tilespmem:$0x5FD8] =	vst v0  }
0x50d: {  	[tilespmem:$0x5138] =	vst v0  }
0x50e: {  	[tilespmem:$0x5FC8] =	vst v0  }
0x50f: {  	[tilespmem:$0x5FB8] =	vst v0  }
0x510: {  	[tilespmem:$0x5FA8] =	vst v0  }
0x511: {  	[tilespmem:$0x5F98] =	vst v0  }
0x512: {  	[tilespmem:$0x5F88] =	vst v0  }
0x513: {  	[tilespmem:$0x5F78] =	vst v0  }
0x514: {  	[tilespmem:$0x5F68] =	vst v0  }
0x515: {  	[tilespmem:$0x5F58] =	vst v0  }
0x516: {  	[tilespmem:$0x5F48] =	vst v0  }
0x517: {  	[tilespmem:$0x5F38] =	vst v0  }
0x518: {  	[tilespmem:$0x5F28] =	vst v0  }
0x519: {  	[tilespmem:$0x5F18] =	vst v0  }
0x51a: {  	[tilespmem:$0x5F08] =	vst v0  }
0x51b: {  	[tilespmem:$0x5EF8] =	vst v0  }
0x51c: {  	[tilespmem:$0x5EE8] =	vst v0  }
0x51d: {  	[tilespmem:$0x5ED8] =	vst v0  }
0x51e: {  	[tilespmem:$0x5EC8] =	vst v0  }
0x51f: {  	[tilespmem:$0x5EB8] =	vst v0  }
0x520: {  	[tilespmem:$0x5EA8] =	vst v0  }
0x521: {  	[tilespmem:$0x5E98] =	vst v0  }
0x522: {  	[tilespmem:$0x5E88] =	vst v0  }
0x523: {  	[tilespmem:$0x5E78] =	vst v0  }
0x524: {  	[tilespmem:$0x5E68] =	vst v0  }
0x525: {  	[tilespmem:$0x5E58] =	vst v0  }
0x526: {  	[tilespmem:$0x5E48] =	vst v0  }
0x527: {  	[tilespmem:$0x5E38] =	vst v0  }
0x528: {  	[tilespmem:$0x5E28] =	vst v0  }
0x529: {  	[tilespmem:$0x5E18] =	vst v0  }
0x52a: {  	[tilespmem:$0x5E08] =	vst v0  }
0x52b: {  	[tilespmem:$0x5DF8] =	vst v0  }
0x52c: {  	[tilespmem:$0x5DE8] =	vst v0  }
0x52d: {  	[tilespmem:$0x5DD8] =	vst v0  }
0x52e: {  	[tilespmem:$0x5DC8] =	vst v0  }
0x52f: {  	[tilespmem:$0x5DB8] =	vst v0  }
0x530: {  	[tilespmem:$0x5DA8] =	vst v0  }
0x531: {  	[tilespmem:$0x5D98] =	vst v0  }
0x532: {  	[tilespmem:$0x5D88] =	vst v0  }
0x533: {  	[tilespmem:$0x5D78] =	vst v0  }
0x534: {  	[tilespmem:$0x5D68] =	vst v0  }
0x535: {  	[tilespmem:$0x5D58] =	vst v0  }
0x536: {  	[tilespmem:$0x5D48] =	vst v0  }
0x537: {  	[tilespmem:$0x5D38] =	vst v0  }
0x538: {  	[tilespmem:$0x5D28] =	vst v0  }
0x539: {  	[tilespmem:$0x5D18] =	vst v0  }
0x53a: {  	[tilespmem:$0x5D08] =	vst v0  }
0x53b: {  	[tilespmem:$0x5CF8] =	vst v0  }
0x53c: {  	[tilespmem:$0x5CE8] =	vst v0  }
0x53d: {  	[tilespmem:$0x5CD8] =	vst v0  }
0x53e: {  	[tilespmem:$0x5CC8] =	vst v0  }
0x53f: {  	[tilespmem:$0x5CB8] =	vst v0  }
0x540: {  	[tilespmem:$0x5CA8] =	vst v0  }
0x541: {  	[tilespmem:$0x5C98] =	vst v0  }
0x542: {  	[tilespmem:$0x5C88] =	vst v0  }
0x543: {  	[tilespmem:$0x5C78] =	vst v0  }
0x544: {  	[tilespmem:$0x5C68] =	vst v0  }
0x545: {  	[tilespmem:$0x5C58] =	vst v0  }
0x546: {  	[tilespmem:$0x5C48] =	vst v0  }
0x547: {  	[tilespmem:$0x5C38] =	vst v0  }
0x548: {  	[tilespmem:$0x5C28] =	vst v0  }
0x549: {  	[tilespmem:$0x5C18] =	vst v0  }
0x54a: {  	[tilespmem:$0x5C08] =	vst v0  }
0x54b: {  	[tilespmem:$0x5BF8] =	vst v0  }
0x54c: {  	[tilespmem:$0x5BE8] =	vst v0  }
0x54d: {  	[tilespmem:$0x5BD8] =	vst v0  }
0x54e: {  	[tilespmem:$0x5BC8] =	vst v0  }
0x54f: {  	[tilespmem:$0x5BB8] =	vst v0  }
0x550: {  	[tilespmem:$0x5BA8] =	vst v0  }
0x551: {  	[tilespmem:$0x5B98] =	vst v0  }
0x552: {  	[tilespmem:$0x5B88] =	vst v0  }
0x553: {  	[tilespmem:$0x5B78] =	vst v0  }
0x554: {  	[tilespmem:$0x5B68] =	vst v0  }
0x555: {  	[tilespmem:$0x5B58] =	vst v0  }
0x556: {  	[tilespmem:$0x5B48] =	vst v0  }
0x557: {  	[tilespmem:$0x5B38] =	vst v0  }
0x558: {  	[tilespmem:$0x5B28] =	vst v0  }
0x559: {  	[tilespmem:$0x5B18] =	vst v0  }
0x55a: {  	[tilespmem:$0x5B08] =	vst v0  }
0x55b: {  	[tilespmem:$0x5AF8] =	vst v0  }
0x55c: {  	[tilespmem:$0x5AE8] =	vst v0  }
0x55d: {  	[tilespmem:$0x5AD8] =	vst v0  }
0x55e: {  	[tilespmem:$0x5AC8] =	vst v0  }
0x55f: {  	[tilespmem:$0x5AB8] =	vst v0  }
0x560: {  	[tilespmem:$0x5AA8] =	vst v0  }
0x561: {  	[tilespmem:$0x5A98] =	vst v0  }
0x562: {  	[tilespmem:$0x5A88] =	vst v0  }
0x563: {  	[tilespmem:$0x5A78] =	vst v0  }
0x564: {  	[tilespmem:$0x5A68] =	vst v0  }
0x565: {  	[tilespmem:$0x5A58] =	vst v0  }
0x566: {  	[tilespmem:$0x5A48] =	vst v0  }
0x567: {  	[tilespmem:$0x5A38] =	vst v0  }
0x568: {  	[tilespmem:$0x5A28] =	vst v0  }
0x569: {  	[tilespmem:$0x5A18] =	vst v0  }
0x56a: {  	[tilespmem:$0x5A08] =	vst v0  }
0x56b: {  	[tilespmem:$0x59F8] =	vst v0  }
0x56c: {  	[tilespmem:$0x59E8] =	vst v0  }
0x56d: {  	[tilespmem:$0x59D8] =	vst v0  }
0x56e: {  	[tilespmem:$0x59C8] =	vst v0  }
0x56f: {  	[tilespmem:$0x59B8] =	vst v0  }
0x570: {  	[tilespmem:$0x59A8] =	vst v0  }
0x571: {  	[tilespmem:$0x5998] =	vst v0  }
0x572: {  	[tilespmem:$0x5988] =	vst v0  }
0x573: {  	[tilespmem:$0x5978] =	vst v0  }
0x574: {  	[tilespmem:$0x5968] =	vst v0  }
0x575: {  	[tilespmem:$0x5958] =	vst v0  }
0x576: {  	[tilespmem:$0x5948] =	vst v0  }
0x577: {  	[tilespmem:$0x5938] =	vst v0  }
0x578: {  	[tilespmem:$0x5928] =	vst v0  }
0x579: {  	[tilespmem:$0x5918] =	vst v0  }
0x57a: {  	[tilespmem:$0x5908] =	vst v0  }
0x57b: {  	[tilespmem:$0x58F8] =	vst v0  }
0x57c: {  	[tilespmem:$0x58E8] =	vst v0  }
0x57d: {  	[tilespmem:$0x58D8] =	vst v0  }
0x57e: {  	[tilespmem:$0x58C8] =	vst v0  }
0x57f: {  	[tilespmem:$0x58B8] =	vst v0  }
0x580: {  	[tilespmem:$0x58A8] =	vst v0  }
0x581: {  	[tilespmem:$0x5898] =	vst v0  }
0x582: {  	[tilespmem:$0x5888] =	vst v0  }
0x583: {  	[tilespmem:$0x5878] =	vst v0  }
0x584: {  	[tilespmem:$0x5868] =	vst v0  }
0x585: {  	[tilespmem:$0x5858] =	vst v0  }
0x586: {  	[tilespmem:$0x5848] =	vst v0  }
0x587: {  	[tilespmem:$0x5838] =	vst v0  }
0x588: {  	[tilespmem:$0x5828] =	vst v0  }
0x589: {  	[tilespmem:$0x5818] =	vst v0  }
0x58a: {  	[tilespmem:$0x5808] =	vst v0  }
0x58b: {  	[tilespmem:$0x57F8] =	vst v0  }
0x58c: {  	[tilespmem:$0x57E8] =	vst v0  }
0x58d: {  	[tilespmem:$0x57D8] =	vst v0  }
0x58e: {  	[tilespmem:$0x57C8] =	vst v0  }
0x58f: {  	[tilespmem:$0x57B8] =	vst v0  }
0x590: {  	[tilespmem:$0x57A8] =	vst v0  }
0x591: {  	[tilespmem:$0x5798] =	vst v0  }
0x592: {  	[tilespmem:$0x5788] =	vst v0  }
0x593: {  	[tilespmem:$0x5778] =	vst v0  }
0x594: {  	[tilespmem:$0x5768] =	vst v0  }
0x595: {  	[tilespmem:$0x5758] =	vst v0  }
0x596: {  	[tilespmem:$0x5748] =	vst v0  }
0x597: {  	[tilespmem:$0x5738] =	vst v0  }
0x598: {  	[tilespmem:$0x5728] =	vst v0  }
0x599: {  	[tilespmem:$0x5718] =	vst v0  }
0x59a: {  	[tilespmem:$0x5708] =	vst v0  }
0x59b: {  	[tilespmem:$0x56F8] =	vst v0  }
0x59c: {  	[tilespmem:$0x56E8] =	vst v0  }
0x59d: {  	[tilespmem:$0x56D8] =	vst v0  }
0x59e: {  	[tilespmem:$0x56C8] =	vst v0  }
0x59f: {  	[tilespmem:$0x56B8] =	vst v0  }
0x5a0: {  	[tilespmem:$0x56A8] =	vst v0  }
0x5a1: {  	[tilespmem:$0x5698] =	vst v0  }
0x5a2: {  	[tilespmem:$0x5688] =	vst v0  }
0x5a3: {  	[tilespmem:$0x5678] =	vst v0  }
0x5a4: {  	[tilespmem:$0x5668] =	vst v0  }
0x5a5: {  	[tilespmem:$0x5658] =	vst v0  }
0x5a6: {  	[tilespmem:$0x5648] =	vst v0  }
0x5a7: {  	[tilespmem:$0x5638] =	vst v0  }
0x5a8: {  	[tilespmem:$0x5628] =	vst v0  }
0x5a9: {  	[tilespmem:$0x5618] =	vst v0  }
0x5aa: {  	[tilespmem:$0x5608] =	vst v0  }
0x5ab: {  	[tilespmem:$0x55F8] =	vst v0  }
0x5ac: {  	[tilespmem:$0x55E8] =	vst v0  }
0x5ad: {  	[tilespmem:$0x55D8] =	vst v0  }
0x5ae: {  	[tilespmem:$0x55C8] =	vst v0  }
0x5af: {  	[tilespmem:$0x55B8] =	vst v0  }
0x5b0: {  	[tilespmem:$0x55A8] =	vst v0  }
0x5b1: {  	[tilespmem:$0x5598] =	vst v0  }
0x5b2: {  	[tilespmem:$0x5588] =	vst v0  }
0x5b3: {  	[tilespmem:$0x5578] =	vst v0  }
0x5b4: {  	[tilespmem:$0x5568] =	vst v0  }
0x5b5: {  	[tilespmem:$0x5558] =	vst v0  }
0x5b6: {  	[tilespmem:$0x5548] =	vst v0  }
0x5b7: {  	[tilespmem:$0x5538] =	vst v0  }
0x5b8: {  	[tilespmem:$0x5528] =	vst v0  }
0x5b9: {  	[tilespmem:$0x5518] =	vst v0  }
0x5ba: {  	[tilespmem:$0x5508] =	vst v0  }
0x5bb: {  	[tilespmem:$0x54F8] =	vst v0  }
0x5bc: {  	[tilespmem:$0x54E8] =	vst v0  }
0x5bd: {  	[tilespmem:$0x54D8] =	vst v0  }
0x5be: {  	[tilespmem:$0x54C8] =	vst v0  }
0x5bf: {  	[tilespmem:$0x54B8] =	vst v0  }
0x5c0: {  	[tilespmem:$0x54A8] =	vst v0  }
0x5c1: {  	[tilespmem:$0x5498] =	vst v0  }
0x5c2: {  	[tilespmem:$0x5488] =	vst v0  }
0x5c3: {  	[tilespmem:$0x5478] =	vst v0  }
0x5c4: {  	[tilespmem:$0x5468] =	vst v0  }
0x5c5: {  	[tilespmem:$0x5458] =	vst v0  }
0x5c6: {  	[tilespmem:$0x5448] =	vst v0  }
0x5c7: {  	[tilespmem:$0x5438] =	vst v0  }
0x5c8: {  	[tilespmem:$0x5428] =	vst v0  }
0x5c9: {  	[tilespmem:$0x5418] =	vst v0  }
0x5ca: {  	[tilespmem:$0x5408] =	vst v0  }
0x5cb: {  	[tilespmem:$0x53F8] =	vst v0  }
0x5cc: {  	[tilespmem:$0x53E8] =	vst v0  }
0x5cd: {  	[tilespmem:$0x53D8] =	vst v0  }
0x5ce: {  	[tilespmem:$0x53C8] =	vst v0  }
0x5cf: {  	[tilespmem:$0x53B8] =	vst v0  }
0x5d0: {  	[tilespmem:$0x53A8] =	vst v0  }
0x5d1: {  	[tilespmem:$0x5398] =	vst v0  }
0x5d2: {  	[tilespmem:$0x5388] =	vst v0  }
0x5d3: {  	[tilespmem:$0x5378] =	vst v0  }
0x5d4: {  	[tilespmem:$0x5368] =	vst v0  }
0x5d5: {  	[tilespmem:$0x5358] =	vst v0  }
0x5d6: {  	[tilespmem:$0x5348] =	vst v0  }
0x5d7: {  	[tilespmem:$0x5338] =	vst v0  }
0x5d8: {  	[tilespmem:$0x5328] =	vst v0  }
0x5d9: {  	[tilespmem:$0x5318] =	vst v0  }
0x5da: {  	[tilespmem:$0x5308] =	vst v0  }
0x5db: {  	[tilespmem:$0x52F8] =	vst v0  }
0x5dc: {  	[tilespmem:$0x52E8] =	vst v0  }
0x5dd: {  	[tilespmem:$0x52D8] =	vst v0  }
0x5de: {  	[tilespmem:$0x52C8] =	vst v0  }
0x5df: {  	[tilespmem:$0x52B8] =	vst v0  }
0x5e0: {  	[tilespmem:$0x52A8] =	vst v0  }
0x5e1: {  	[tilespmem:$0x5298] =	vst v0  }
0x5e2: {  	[tilespmem:$0x5288] =	vst v0  }
0x5e3: {  	[tilespmem:$0x5278] =	vst v0  }
0x5e4: {  	[tilespmem:$0x5268] =	vst v0  }
0x5e5: {  	[tilespmem:$0x5258] =	vst v0  }
0x5e6: {  	[tilespmem:$0x5248] =	vst v0  }
0x5e7: {  	[tilespmem:$0x5238] =	vst v0  }
0x5e8: {  	[tilespmem:$0x5228] =	vst v0  }
0x5e9: {  	[tilespmem:$0x5218] =	vst v0  }
0x5ea: {  	[tilespmem:$0x5208] =	vst v0  }
0x5eb: {  	[tilespmem:$0x51F8] =	vst v0  }
0x5ec: {  	[tilespmem:$0x51E8] =	vst v0  }
0x5ed: {  	[tilespmem:$0x51D8] =	vst v0  }
0x5ee: {  	[tilespmem:$0x51C8] =	vst v0  }
0x5ef: {  	s10 =	stileid.u32;
	[tilespmem:$0x51B8] =	vst v0  }
0x5f0: {  	s0 =	simm.s32 $0x2600;
	s8 =	smul.u32 $0x2730, s10;
	p0 =	seq.s32 s10, $0xF;
	[tilespmem:$0x51A8] =	vst v0  }
0x5f1: {  	[tilespmem:$0x5198] =	vst v0;
	s0 =	simm.s32 @!p0 $0x2730  }
0x5f2: {  	s5 =	simm.s32 $0x2;
	s6 =	simm.s32 $0x9;
	[tilespmem:$0x5188] =	vst v0;
	s0 =	sadd.s32 s8, s0  }
0x5f3: {  	s30 =	simm.s32 $0xA;
	s12 =	simm.s32 $0xB;
	[tilespmem:$0x5178] =	vst v0;
	s9 =	smin.u32 s0, $0x27100  }
0x5f4: {  	s18 =	simm.s32 $0x0;
	p1 =	por $0x0, $0x0;
	[tilespmem:$0x5118] =	vst v0;
	s0 =	ssub.s32 s9, s8  }
0x5f5: {  	s19 =	simm.s32 $0xC;
	s23 =	simm.s32 $0x0;
	[tilespmem:$0x5158] =	vst v0;
	p0 =	sgt.s32 s0, $0x0  }
0x5f6: {  	s20 =	simm.s32 $0x0;
	s31 =	smul.u32 $0x280, s10;
	[tilespmem:$0x5148] =	vst v0;
	s0 =	simm.s32 @!p0 $0x0  }
0x5f7: {  	s22 =	simm.s32 $0x0;
	s2 =	sand.u32 $0x1, s1;
	[tilespmem:$0x5128] =	vst v0;
	s29 =	smulhi.u32 $0xD79436, s0  }
0x5f8: {  	[tilespmem:$0x5108] =	vst v0;
	[sflag:s5] =	ssyncpa.u1 $0x0;
	v0 =	vimm.s32 $0xFFFFFFFF;
	[dreg:$0x4] =	wrdreg s2;
	s2 =	smul.u32 $0x4E20, s2  }
0x5f9: {  	s5 =	sadd.s32 $0x6600, s4;
	[tilespmem:$0xBF48] =	vst v0;
	[sflag:s6] =	ssyncpa.u1 $0x0;
	s7 =	smul.u32 $0x130, s29  }
.Ltmp0:
0x5fa: {  	s16 =	sshrl.u32 s31, $0x2;
	s21 =	smov.u32 s8;
	(pc) =	sbr.rel .LBB2_1-.Ltmp0, $4  }
0x5fb: {  	s2 =	sadd.s32 s2, s4;
	p0 =	sne.s32 s0, s7;
	s0 =	simm.s32 $0x1  }
0x5fc: {  	s4 =	sadd.s32 $0x8B600, s4;
	[sflag:s30] =	ssyncpa.u1 $0x0;
	s0 =	simm.s32 @!p0 $0x0  }
0x5fd: {  	[sflag:s12] =	ssyncpa.u1 $0x0;
	s14 =	sadd.s32 $0xF3B400, s2;
	s13 =	sadd.s32 s0, s29  }
0x5fe: {  	v0 =	vlaneseq.u32;
	s15 =	sadd.s32 $0xF31600, s2;
	p0 =	por $0x1, $0x1;
	s17 =	sadd.s32 $0x1, s13  }
.LBB2_22:
0x5ff: {  	s0 =	sshrl.u32 s0, $0x2  }
.LBB2_24:
0x600: {  	_ =	swait.ge [sflag:s19], s0  }
0x601: {  	s30 =	ssub.s32 $0x0, s0;
	v1 =	vmov s25;
	vm0 =	veq.s32 v0, $0x0;
	[sflag:s19] =	ssyncset.done $0x0  }
0x602: {  	vm15 =	veq.s32 v0, $0x2;
	v1 =	vsel vm0, s31, v1;
	[sflag:s19] =	ssyncadd.s32 s30  }
0x603: {  	v1 =	vsel vm15, s23, v1;
	[sflag:s19] =	ssyncpa.u1 $0x1  }
0x604: {  	[tilespmem:$0xBF48] =	vst v1  }
.LBB2_25:
0x605: {  	s0 =	sadd.s32 $0x130, s21  }
0x606: {  	s1 =	smov.u32 s8;
	p2 =	slt.s32 s0, s9  }
0x607: {  	s1 =	smov.u32 @p2 s0;
	p2 =	sne.s32 s22, s17  }
.Ltmp1:
0x608: {  	_ = 	snop;
	(pc) =	sbr.rel @!p2 .LBB2_26-.Ltmp1, $4  }
0x609: {  	_ = 	snop  }
0x60a: {  	s23 =	smov.u32 s20  }
0x60b: {  	s31 =	sadd.s32 $0x1, s22;
	s20 =	smov.u32 s21;
	p0 =	por !p0, !p0  }
0x60c: {  	p1 =	por !p1, !p1;
	s22 =	smov.u32 s31;
	s21 =	smov.u32 s1  }
.LBB2_1:
0x60d: {  	p2 =	sge.u32 s22, s13  }
0x60e: {  	s0 =	smulhi.u32 @!p2 $0xAAAAAAAB, s22  }
0x60f: {  	s1 =	smov.u32 s21;
	p3 =	sgt.s32 @!p2 s21, $0x26FD0  }
0x610: {  	s2 =	sshra.s32 @!p2 s21, $0x1F;
	p3 =	por !p3, p2;
	s0 =	sshrl.u32 @!p2 s0, $0x1  }
0x611: {  	s2 =	sand.u32 @!p2 s2, s21;
	s1 =	simm.s32 @p3 $0x26FD0;
	s0 =	smul.u32 @!p2 $0x3, s0  }
0x612: {  	s1 =	ssub.s32 @!p2 s1, s2  }
0x613: {  	s1 =	sadd.s32 @!p2 $0xFFFD9030, s1;
	s0 =	ssub.s32 @!p2 s22, s0  }
0x614: {  	s2 =	sshll.u32 @!p2 s1, $0x2;
	p3 =	sgt.s32 @!p2 s1, $0x12F;
	s0 =	smul.u32 @!p2 $0x4C0, s0  }
0x615: {  	s6 =	sand.u32 @!p2 $0x7, s21;
	s1 =	ssub.s32 @!p2 $0x4C0, s2;
	p3 =	por !p3, p2  }
0x616: {  	s2 =	sshrl.u32 @!p2 s21, $0x3;
	s1 =	sshrl.u32 @!p2 s1, $0x2;
	s0 =	sshrl.u32 @!p2 s0, $0x2  }
0x617: {  	s2 =	sadd.s32 @!p2 s2, s14;
	s1 =	simm.s32 @!p3 $0x0;
	s0 =	sadd.s32 @!p2 $0xC988, s0  }
0x618: {  	[tilespmem:s0], [sflag:$0xA] =	stream.linear.gather @!p2 [hbm4b:s2+s6], s1, $0x38;
	[tilespmem:$0x1FF78] =	vst v63  }
0x619: {  	s1 =	sadd.s32 $0xFFFFFFFF, s22  }
0x61a: {  	p2 =	sge.u32 s1, s13  }
0x61b: {  	p3 =	sgt.s32 @!p2 s20, $0x26FD0  }
0x61c: {  	s0 =	smov.u32 s20;
	s2 =	sshra.s32 @!p2 s20, $0x1F;
	p3 =	por !p3, p2  }
0x61d: {  	s2 =	sand.u32 @!p2 s2, s20;
	s0 =	simm.s32 @p3 $0x26FD0  }
0x61e: {  	s0 =	ssub.s32 @!p2 s0, s2  }
0x61f: {  	s0 =	sadd.s32 @!p2 $0xFFFD9030, s0  }
0x620: {  	s2 =	sshll.u32 @!p2 s0, $0x2  }
0x621: {  	p3 =	sgt.s32 @!p2 s0, $0x12F;
	s0 =	ssub.s32 @!p2 $0x4C0, s2  }
0x622: {  	p3 =	por !p3, p2;
	s0 =	sshrl.u32 @!p2 s0, $0x2  }
0x623: {  	s6 =	simm.s32 @!p2 $0xA;
	s2 =	sand.u32 @!p2 $0x1, s1;
	s0 =	simm.s32 @!p3 $0x0  }
0x624: {  	s2 =	smul.u32 @!p2 $0x4C0, s2;
	_ =	swait.ge @!p2 [sflag:s6], s0  }
0x625: {  	s7 =	ssub.s32 @!p2 $0x0, s0;
	[sflag:s6] =	ssyncset.done @!p2 $0x0  }
0x626: {  	s2 =	sshrl.u32 @!p2 s2, $0x2;
	[sflag:s6] =	ssyncadd.s32 @!p2 s7;
	s6 =	sshrl.u32 @!p2 s20, $0x3  }
0x627: {  	s2 =	sadd.s32 @!p2 $0xCD18, s2;
	s7 =	sand.u32 @!p2 $0x7, s20;
	s6 =	sadd.s32 @!p2 s6, s15  }
0x628: {  	[tilespmem:s2], [sflag:$0xB] =	stream.linear.gather @!p2 [hbm4b:s6+s7], s0, $0x38;
	[tilespmem:$0x1FF78] =	vst v63  }
0x629: {  	s0 =	ssub.s32 @!p2 $0x27100, s20  }
0x62a: {  	p3 =	slt.s32 @!p2 s0, $0x1  }
0x62b: {  	p3 =	por p2, p3  }
.Ltmp2:
0x62c: {  	_ = 	snop;
	(pc) =	sbr.rel @p3 .LBB2_7-.Ltmp2, $1  }
0x62d: {  	_ =	sdelay $0x3  }
0x62e: {  	s2 =	smulhi.u32 $0xAAAAAAAB, s1;
	_ =	sdelay $0x1  }
0x62f: {  	s2 =	sshrl.u32 s2, $0x1  }
0x630: {  	s2 =	smul.u32 $0x3, s2;
	_ =	sdelay $0x1  }
0x631: {  	s29 =	ssub.s32 s1, s2  }
0x632: {  	s6 =	simm.s32 $0x1;
	s1 =	smul.u32 $0x4C0, s29  }
.Ltmp3:
0x633: {  	s6 =	simm.s32 @!p0 $0x0;
	(pc) =	sbr.rel .LBB2_4-.Ltmp3, $4  }
0x634: {  	s30 =	smul.u32 $0x26000, s6  }
0x635: {  	p3 =	slt.s32 @!p2 s0, $0x130;
	s1 =	sshrl.u32 s1, $0x2  }
0x636: {  	p2 =	por !p3, p2;
	s2 =	sshrl.u32 s30, $0x2;
	s31 =	sadd.s32 $0xC988, s1  }
0x637: {  	s24 =	simm.s32 $0x0;
	s0 =	simm.s32 @p2 $0x130;
	s1 =	sadd.s32 $0xCF78, s2;
	v1 =	vmov s31  }
.LBB2_3:
0x638: {  	p2 =	sge.s32 s24, s0  }
.Ltmp4:
0x639: {  	_ = 	snop;
	(pc) =	sbr.rel @p2 .LBB2_7-.Ltmp4, $2  }
0x63a: {  	_ =	sdelay $0x2  }
0x63b: {  	s1 =	sadd.s32 $0x800, s1  }
.LBB2_4:
0x63c: {  	p2 =	sle.s32 s0, s24  }
.Ltmp5:
0x63d: {  	_ = 	snop;
	(pc) =	sbr.rel @p2 .LBB2_3-.Ltmp5, $2  }
0x63e: {  	_ =	sdelay $0x2  }
0x63f: {  	s2 =	smov.u32 s24;
	s24 =	sadd.s32 $0x10, s24  }
0x640: {  	s6 =	ssub.s32 s0, s2  }
0x641: {  	p2 =	slt.s32 s6, $0x10  }
0x642: {  	s6 =	simm.s32 @!p2 $0x10  }
0x643: {  	v2 =	vmov s6  }
0x644: {  	vm0 =	vgt.s32 v2, v0;
	_ =	sdelay $0x5  }
0x645: {  	v2 =	vld.idx.msk [tilespmem:v1+s2+$0x0 ss:$0x1], vm0;
	_ =	sdelay $0x2  }
0x646: {  	s7 =	smov.u32 s0;
	p2 =	slt.s32 s24, s0  }
0x647: {  	s25 =	simm.s32 $0x0;
	s7 =	smov.u32 @p2 s24;
	s6 =	smov.u32 s1  }
.LBB2_6:
0x648: {  	(v2sf) =	vpush v2, s25;
	_ =	sdelay $0xc  }
0x649: {  	s25 =	sadd.s32 $0x1, s25  }
0x64a: {  	s31 =	sadd.s32 s25, s2  }
0x64b: {  	p2 =	slt.s32 s31, s7;
	s10 =	spop (v2sf)  }
.Ltmp6:
0x64c: {  	s10 =	sshll.u32 s10, $0x4;
	(pc) =	sbr.rel @p2 .LBB2_6-.Ltmp6, $4  }
0x64d: {  	s10 =	sand.u32 $0x1FFFFFF0, s10  }
0x64e: {  	s10 =	sadd.s32 s4, s10  }
0x64f: {  	[tilespmem:s6], [sflag:$0x9] =	stream.linear.gather [hbm4b:s10+s18], $0x50, $0x38;
	[tilespmem:$0x1FF78] =	vst v63  }
0x650: {  	s6 =	sadd.s32 $0x80, s6  }
.Ltmp7:
0x651: {  	_ = 	snop;
	(pc) =	sbr.rel .LBB2_3-.Ltmp7, $1  }
0x652: {  	_ =	sdelay $0x3  }
.LBB2_7:
0x653: {  	p2 =	slt.u32 s22, $0x2  }
.Ltmp8:
0x654: {  	_ = 	snop;
	(pc) =	sbr.rel @p2 .LBB2_25-.Ltmp8, $1  }
0x655: {  	_ =	sdelay $0x3  }
0x656: {  	s0 =	ssub.s32 $0x27100, s23;
	p2 =	sgt.s32 s23, $0x26FD0  }
0x657: {  	s1 =	smov.u32 s23;
	s2 =	sshra.s32 s23, $0x1F;
	p3 =	slt.s32 s0, $0x130  }
0x658: {  	s1 =	simm.s32 @!p2 $0x26FD0;
	s2 =	sand.u32 s2, s23;
	s0 =	simm.s32 @!p3 $0x130  }
0x659: {  	s1 =	ssub.s32 s1, s2;
	s0 =	smul.u32 $0x140, s0  }
0x65a: {  	s1 =	sadd.s32 $0xFFFD9030, s1  }
0x65b: {  	s29 =	simm.s32 $0x9;
	s25 =	sshll.u32 s1, $0x2;
	s0 =	sshrl.u32 s0, $0x2  }
0x65c: {  	p2 =	sgt.s32 s1, $0x12F;
	s26 =	ssub.s32 $0x4C0, s25;
	_ =	swait.ge [sflag:s29], s0  }
0x65d: {  	s0 =	ssub.s32 $0x0, s0;
	s1 =	sshrl.u32 s26, $0x2;
	[sflag:s29] =	ssyncset.done $0x0  }
0x65e: {  	s1 =	simm.s32 @p2 $0x0;
	[sflag:s29] =	ssyncadd.s32 s0  }
0x65f: {  	_ =	swait.ge [sflag:s12], s1  }
0x660: {  	s30 =	ssub.s32 $0x0, s1;
	[sflag:s12] =	ssyncset.done $0x0  }
0x661: {  	[sflag:s12] =	ssyncadd.s32 s30  }
0x662: {  	v1 =	vld [tilespmem:$0xBF48];
	_ =	sdelay $0x4  }
0x663: {  	(v2sf) =	vpush v1, $0x0  }
0x664: {  	(v2sf) =	vpush v1, $0x1  }
0x665: {  	(v2sf) =	vpush v1, $0x2;
	_ =	sdelay $0x3  }
0x666: {  	s0 =	sadd.s32 $0x130, s23  }
0x667: {  	p2 =	slt.s32 s9, s0;
	s1 =	ssub.s32 $0x4E200, s23  }
0x668: {  	s0 =	smov.u32 @p2 s9;
	p2 =	sgt.s32 s1, $0x0  }
0x669: {  	s0 =	ssub.s32 s0, s23;
	s1 =	simm.s32 @!p2 $0x0  }
0x66a: {  	p2 =	slt.s32 s1, s0  }
0x66b: {  	s0 =	smov.u32 @p2 s1  }
0x66c: {  	s26 =	simm.s32 $0x1;
	p2 =	slt.s32 s0, $0x1  }
.Ltmp9:
0x66d: {  	s26 =	simm.s32 @!p1 $0x0;
	(pc) =	sbr.rel @p2 .LBB2_12-.Ltmp9, $4  }
0x66e: {  	s31 =	smul.u32 $0x4C0, s26  }
0x66f: {  	s28 =	spop (v2sf)  }
0x670: {  	s2 =	sshrl.u32 s31, $0x2;
	s1 =	spop (v2sf)  }
0x671: {  	s24 =	sadd.s32 $0xCD18, s2;
	s23 =	spop (v2sf)  }
0x672: {  	s2 =	smin.u32 s0, $0x10  }
0x673: {  	v1 =	vmov s2  }
0x674: {  	p3 =	sgt.s32 s0, $0x10;
	vm1 =	vgt.u32 v1, v0  }
.Ltmp10:
0x675: {  	_ = 	snop;
	(pc) =	sbr.rel @!p3 .LBB2_11-.Ltmp10, $2  }
0x676: {  	_ =	sdelay $0x2  }
0x677: {  	s25 =	simm.s32 $0x10;
	s29 =	sadd.s32 $0xFFFFFFF0, s0;
	s2 =	smov.u32 s24;
	vm0 =	vmmov vm1  }
.LBB2_10:
0x678: {  	s6 =	smin.u32 s29, $0x10;
	s25 =	sadd.s32 $0x10, s25;
	v1 =	vld.msk [tilespmem:s2+$0x0 ss:$0x1], vm1  }
0x679: {  	v2 =	vmov s6;
	p3 =	slt.s32 s25, s0  }
0x67a: {  	vm1 =	vgt.u32 v2, v0  }
.Ltmp11:
0x67b: {  	(pc) =	sbr.rel @p3 .LBB2_10-.Ltmp11, $3  }
0x67c: {  	_ =	sdelay $0x1  }
0x67d: {  	v1 =	vshll.u32 v1, $0x4  }
0x67e: {  	s29 =	sadd.s32 $0xFFFFFFF0, s29;
	[tilespmem:s2+$0x0] =	vst.msk vm0, v1;
	s2 =	sadd.s32 $0x10, s2;
	vm0 =	vmmov vm1  }
.LBB2_11:
0x67f: {  	_ =	sdelay $0x4  }
0x680: {  	v1 =	vld.msk [tilespmem:s2+$0x0 ss:$0x1], vm1;
	_ =	sdelay $0x4  }
0x681: {  	v1 =	vshll.u32 v1, $0x4  }
0x682: {  	[tilespmem:s2+$0x0] =	vst.msk vm0, v1  }
.LBB2_12:
0x683: {  	s2 =	sand.u32 $0x1, s22  }
0x684: {  	s2 =	smul.u32 $0x130, s2  }
0x685: {  	p3 =	sne.s32 s1, $0xFFFFFFFF  }
0x686: {  	v1 =	vld.msk @!p3 [tilespmem:s2+$0xCD18], $0x1;
	_ =	sdelay $0x4  }
0x687: {  	(v2sf) =	vpush @!p3 v1, $0x0;
	_ =	sdelay $0xc  }
.Ltmp12:
0x688: {  	_ = 	snop;
	(pc) =	sbr.rel @p2 .LBB2_23-.Ltmp12, $4  }
0x689: {  	_ = 	snop  }
0x68a: {  	s30 =	spop @!p3 (v2sf)  }
0x68b: {  	s23 =	simm.s32 @!p3 $0x0;
	s25 =	smov.u32 s30  }
0x68c: {  	[sflag:s19] =	ssyncpa.u1 $0x0;
	s30 =	smov.u32 @p3 s28;
	s25 =	smov.u32 @p3 s1  }
0x68d: {  	v1 =	vld.msk [tilespmem:s24+$0x0], $0x1;
	_ =	sdelay $0x4  }
0x68e: {  	(v2sf) =	vpush v1, $0x0;
	_ =	sdelay $0xd  }
0x68f: {  	s2 =	smul.u32 $0x26000, s26  }
0x690: {  	s26 =	ssub.s32 $0x0, s0;
	s28 =	simm.s32 $0x0;
	s1 =	spop (v2sf)  }
0x691: {  	s7 =	smov.u32 s30;
	s0 =	sadd.s32 $0x1, s26;
	p2 =	seq.s32 s30, s1  }
0x692: {  	p4 =	seq.s32 s0, $0x0;
	p3 =	sgt.s32 @!p2 s30, $0x0;
	s6 =	smul.u32 @!p2 $0x140, s28  }
.Ltmp13:
0x693: {  	s2 =	sshrl.u32 s2, $0x2;
	p3 =	por !p3, p2;
	(pc) =	sbr.rel @p4 .LBB2_15-.Ltmp13, $4  }
0x694: {  	s29 =	sadd.s32 $0xCF98, s2;
	s7 =	simm.s32 @p3 $0x0  }
0x695: {  	s2 =	simm.s32 @!p2 $0x1;
	s6 =	sshra.s32 @!p2 s6, $0x2;
	s10 =	smin.u32 @!p2 s7, $0x27FF6  }
0x696: {  	s2 =	smov.u32 @p2 s28;
	s7 =	sadd.s32 @!p2 $0x5FF8, s6;
	s31 =	sand.u32 @!p2 $0x3FFF8, s10  }
0x697: {  	s6 =	sand.u32 @!p2 $0x7, s10;
	s10 =	sadd.s32 @!p2 s5, s31;
	s31 =	sadd.s32 $0x1, s24  }
.LBB2_14:
0x698: {  	s11 =	smov.u32 s2  }
0x699: {  	[tilespmem:s7], [sflag:$0x2] =	stream.linear.gather @!p2 [hbm4b:s10+s6], $0x50, $0x38;
	[tilespmem:$0x1FF78] =	vst v63  }
0x69a: {  	s0 =	sadd.s32 $0x1, s0;
	s6 =	smov.u32 s1;
	v1 =	vld.msk [tilespmem:s31+$0x0], $0x1  }
0x69b: {  	p3 =	seq.s32 s0, $0x0;
	_ =	sdelay $0x3  }
0x69c: {  	(v2sf) =	vpush v1, $0x0;
	_ =	sdelay $0xe  }
0x69d: {  	s1 =	spop (v2sf)  }
0x69e: {  	p2 =	seq.s32 s6, s1  }
0x69f: {  	p4 =	sgt.s32 @!p2 s6, $0x0;
	s7 =	smul.u32 @!p2 $0x140, s2;
	s2 =	sadd.s32 @!p2 $0x1, s2  }
.Ltmp14:
0x6a0: {  	p4 =	por !p4, p2;
	s2 =	smov.u32 @p2 s11;
	(pc) =	sbr.rel @!p3 .LBB2_14-.Ltmp14, $4  }
0x6a1: {  	s6 =	simm.s32 @p4 $0x0;
	s7 =	sshra.s32 @!p2 s7, $0x2  }
0x6a2: {  	s6 =	smin.u32 @!p2 s6, $0x27FF6;
	s7 =	sadd.s32 @!p2 $0x5FF8, s7  }
0x6a3: {  	s10 =	sand.u32 @!p2 $0x3FFF8, s6;
	s6 =	sand.u32 @!p2 $0x7, s6  }
0x6a4: {  	s31 =	sadd.s32 $0x1, s31;
	s10 =	sadd.s32 @!p2 s5, s10  }
.LBB2_15:
0x6a5: {  	s0 =	smul.u32 $0x140, s2  }
0x6a6: {  	[tilespmem:s7], [sflag:$0x2] =	stream.linear.gather @!p2 [hbm4b:s10+s6], $0x50, $0x38;
	[tilespmem:$0x1FF78] =	vst v63  }
.Ltmp15:
0x6a7: {  	_ = 	snop;
	(pc) =	sbr.rel .LBB2_16-.Ltmp15, $4  }
0x6a8: {  	s1 =	simm.s32 $0x2;
	s0 =	sshrl.u32 s0, $0x2  }
0x6a9: {  	_ =	swait.ge [sflag:s1], s0  }
0x6aa: {  	s0 =	ssub.s32 $0x0, s0;
	[sflag:s1] =	ssyncset.done $0x0  }
0x6ab: {  	[sflag:s1] =	ssyncadd.s32 s0;
	s0 =	simm.s32 $0x0  }
.LBB2_17:
0x6ac: {  	v1 =	vld [tilespmem:s29+$0xFFFFFFE0];
	_ =	sdelay $0x4  }
0x6ad: {  	[tilespmem:s1+$0xA8] =	vst.add.f32.msk $0xffff, v1  }
0x6ae: {  	v1 =	vld [tilespmem:s29+$0xFFFFFFF0];
	_ =	sdelay $0x4  }
0x6af: {  	[tilespmem:s1+$0xB8] =	vst.add.f32.msk $0xffff, v1  }
0x6b0: {  	v1 =	vld [tilespmem:s29+$0x0];
	_ =	sdelay $0x4  }
0x6b1: {  	[tilespmem:s1+$0xC8] =	vst.add.f32.msk $0xffff, v1  }
0x6b2: {  	v1 =	vld [tilespmem:s29+$0x10];
	_ =	sdelay $0x4  }
0x6b3: {  	[tilespmem:s1+$0xD8] =	vst.add.f32.msk $0xffff, v1  }
0x6b4: {  	v1 =	vld [tilespmem:s29+$0x20];
	_ =	sdelay $0x4  }
0x6b5: {  	[tilespmem:s1+$0xE8] =	vst.add.f32.msk $0xffff, v1  }
.LBB2_21:
0x6b6: {  	s26 =	sadd.s32 $0x1, s26  }
0x6b7: {  	p2 =	seq.s32 s26, $0x0  }
.Ltmp16:
0x6b8: {  	_ = 	snop;
	(pc) =	sbr.rel @p2 .LBB2_22-.Ltmp16, $2  }
0x6b9: {  	_ =	sdelay $0x2  }
0x6ba: {  	s24 =	sadd.s32 $0x1, s24;
	s29 =	sadd.s32 $0x80, s29;
	s30 =	smov.u32 s31  }
.LBB2_16:
0x6bb: {  	v1 =	vld.msk [tilespmem:s24+$0x0], $0x1;
	_ =	sdelay $0x4  }
0x6bc: {  	(v2sf) =	vpush v1, $0x0;
	_ =	sdelay $0xe  }
0x6bd: {  	s31 =	spop (v2sf)  }
0x6be: {  	p2 =	sne.s32 s30, s31  }
.Ltmp17:
0x6bf: {  	_ = 	snop;
	(pc) =	sbr.rel @!p2 .LBB2_17-.Ltmp17, $3  }
0x6c0: {  	_ = 	snop  }
0x6c1: {  	s1 =	smul.u32 $0x140, s23;
	_ =	sdelay $0x1  }
0x6c2: {  	s1 =	sshra.s32 s1, $0x2  }
0x6c3: {  	p2 =	seq.s32 s30, s25  }
.Ltmp18:
0x6c4: {  	_ = 	snop;
	(pc) =	sbr.rel @!p2 .LBB2_19-.Ltmp18, $1  }
0x6c5: {  	_ =	sdelay $0x3  }
.Ltmp19:
0x6c6: {  	s1 =	sadd.s32 $0xA8, s1;
	(pc) =	sbr.rel .LBB2_20-.Ltmp19, $4  }
0x6c7: {  	[spmem:s16] =	stream.linear.scatter [tilespmem:s1], [sflag:$0x1], $0x50, $0x38;
	[tilespmem:$0x1FF78] =	vst v63  }
0x6c8: {  	_ =	swait.ge [sflag:s3], $0x50  }
0x6c9: {  	[sflag:s3] =	ssyncset.done $0x0  }
0x6ca: {  	[sflag:s3] =	ssyncadd.s32 $0xFFFFFFB0  }
.LBB2_19:
0x6cb: {  	s2 =	smul.u32 $0x140, s28;
	_ =	sdelay $0x1  }
0x6cc: {  	s2 =	sshra.s32 s2, $0x2  }
0x6cd: {  	v1 =	vld [tilespmem:s2+$0x5FF8];
	_ =	sdelay $0x4  }
0x6ce: {  	[tilespmem:s1+$0xA8] =	vst.add.f32.msk $0xffff, v1  }
0x6cf: {  	v1 =	vld [tilespmem:s2+$0x6008];
	_ =	sdelay $0x4  }
0x6d0: {  	[tilespmem:s1+$0xB8] =	vst.add.f32.msk $0xffff, v1  }
0x6d1: {  	v1 =	vld [tilespmem:s2+$0x6018];
	_ =	sdelay $0x4  }
0x6d2: {  	[tilespmem:s1+$0xC8] =	vst.add.f32.msk $0xffff, v1  }
0x6d3: {  	v1 =	vld [tilespmem:s2+$0x6028];
	_ =	sdelay $0x4  }
0x6d4: {  	[tilespmem:s1+$0xD8] =	vst.add.f32.msk $0xffff, v1  }
0x6d5: {  	v1 =	vld [tilespmem:s2+$0x6038];
	_ =	sdelay $0x2  }
0x6d6: {  	p2 =	sgt.u32 s30, $0x27FF6  }
0x6d7: {  	s2 =	sand.u32 @!p2 $0x3FFF8, s30  }
0x6d8: {  	s6 =	sadd.s32 $0xA8, s1;
	[tilespmem:s1+$0xE8] =	vst.add.f32.msk $0xffff, v1;
	s1 =	sadd.s32 @!p2 s5, s2;
	s2 =	sand.u32 @!p2 $0x7, s30  }
0x6d9: {  	[hbm4b:s1+s2] =	stream.linear.scatter @!p2 [tilespmem:s6], [sflag:$0xC], $0x50, $0x38;
	[tilespmem:$0x1FF78] =	vst v63  }
0x6da: {  	s1 =	simm.s32 $0x0  }
0x6db: {  	s1 =	simm.s32 @!p2 $0x140  }
0x6dc: {  	s0 =	sadd.s32 s1, s0  }
.LBB2_20:
0x6dd: {  	s1 =	sadd.s32 $0x1, s23  }
0x6de: {  	s2 =	sshrl.u32 s1, $0x4  }
0x6df: {  	s2 =	smulhi.u32 $0xD79435F, s2;
	_ =	sdelay $0x1  }
0x6e0: {  	s2 =	smul.u32 $0x130, s2  }
0x6e1: {  	v1 =	vld [tilespmem:s29+$0xFFFFFFE0]  }
0x6e2: {  	s23 =	ssub.s32 s1, s2  }
0x6e3: {  	s1 =	smul.u32 $0x140, s23;
	_ =	sdelay $0x1  }
0x6e4: {  	s1 =	sshrl.u32 s1, $0x2  }
0x6e5: {  	[tilespmem:s1+$0xA8] =	vst v1  }
0x6e6: {  	v1 =	vld [tilespmem:s29+$0xFFFFFFF0];
	_ =	sdelay $0x4  }
0x6e7: {  	[tilespmem:s1+$0xB8] =	vst v1  }
0x6e8: {  	v1 =	vld [tilespmem:s29+$0x0];
	_ =	sdelay $0x4  }
0x6e9: {  	[tilespmem:s1+$0xC8] =	vst v1  }
0x6ea: {  	v1 =	vld [tilespmem:s29+$0x10];
	_ =	sdelay $0x4  }
0x6eb: {  	[tilespmem:s1+$0xD8] =	vst v1  }
0x6ec: {  	v1 =	vld [tilespmem:s29+$0x20]  }
.Ltmp20:
0x6ed: {  	_ = 	snop;
	(pc) =	sbr.rel .LBB2_21-.Ltmp20, $2  }
0x6ee: {  	_ =	sdelay $0x2  }
0x6ef: {  	s28 =	sadd.s32 $0x1, s28;
	[tilespmem:s1+$0xE8] =	vst v1  }
.LBB2_23:
.Ltmp21:
0x6f0: {  	(pc) =	sbr.rel .LBB2_24-.Ltmp21, $4  }
0x6f1: {  	_ = 	snop  }
0x6f2: {  	s0 =	simm.s32 $0x2  }
0x6f3: {  	_ =	swait.ge [sflag:s0], $0x0  }
0x6f4: {  	s31 =	smov.u32 s30;
	[sflag:s0] =	ssyncset.done $0x0;
	s0 =	simm.s32 $0x0  }
.LBB2_26:
0x6f5: {  	_ =	sfence.sel $0x180000  }
0x6f6: {  	s0 =	simm.s32 $0x9;
	[bflag:$0x0] =	sbarrier.arrive $0xFFFF  }
0x6f7: {  	s24 =	simm.s32 $0xA;
	[sflag:s0] =	ssyncpa.u1 $0x1  }
0x6f8: {  	s25 =	simm.s32 $0xB;
	[sflag:s24] =	ssyncpa.u1 $0x1  }
0x6f9: {  	s26 =	simm.s32 $0x2;
	[sflag:s25] =	ssyncpa.u1 $0x1  }
0x6fa: {  	[sflag:s26] =	ssyncpa.u1 $0x1  }
0x6fb: {  	v0 =	vld [tilespmem:$0xBF48];
	_ =	sdelay $0x4  }
0x6fc: {  	(v2sf) =	vpush v0, $0x0  }
0x6fd: {  	(v2sf) =	vpush v0, $0x1  }
0x6fe: {  	(v2sf) =	vpush v0, $0x2;
	_ =	sdelay $0xc  }
0x6ff: {  	s0 =	spop (v2sf)  }
0x700: {  	s1 =	spop (v2sf)  }
0x701: {  	s2 =	smov.u32 s0;
	p0 =	sne.s32 s0, s1;
	s3 =	spop (v2sf)  }
0x702: {  	s2 =	simm.s32 @!p0 $0xFFFFFFFF;
	p0 =	seq.s32 s3, $0xFFFFFFFF  }
0x703: {  	v2 =	vimm.s32 $0x1;
	v3 =	vlaneseq.u32;
	v1 =	vmov s2;
	p1 =	sne.s32 @!p0 s0, s1  }
0x704: {  	s14 =	stileid.u32;
	v0 =	vperm.xlane v0, v2;
	s0 =	simm.s32 @!p0 $0x1;
	v1 =	vperm.xlane v1, v3;
	p1 =	por !p1, p0  }
0x705: {  	vm0 =	vcmask $0x3F04;
	s2 =	sshll.u32 s14, $0x1;
	s1 =	smul.u32 @!p0 $0x140, s3;
	s0 =	simm.s32 @p1 $0x0  }
0x706: {  	s6 =	simm.s32 $0xBF48;
	v0 =	vsel vm0, v1, v0;
	s0 =	sor.u32 @!p0 s0, s2  }
0x707: {  	s4 =	sor.u32 $0xA00, s2;
	s1 =	sshra.s32 @!p0 s1, $0x2;
	[tilespmem:$0xBF48] =	vst v0;
	s0 =	smul.u32 @!p0 $0x140, s0  }
0x708: {  	[spmem:s4] =	stream.linear.scatter [tilespmem:s6], [sflag:$0x1], $0x2, $0x38;
	[tilespmem:$0x1FF78] =	vst v63  }
0x709: {  	s1 =	sadd.s32 @!p0 $0xA8, s1;
	s0 =	sshrl.u32 @!p0 s0, $0x2  }
0x70a: {  	[spmem:s0] =	stream.linear.scatter @!p0 [tilespmem:s1], [sflag:$0x1], $0x50, $0x38;
	[tilespmem:$0x1FF78] =	vst v63  }
0x70b: {  	s0 =	simm.s32 @!p0 $0x52  }
0x70c: {  	s28 =	simm.s32 $0x1;
	s0 =	simm.s32 @p0 $0x2  }
0x70d: {  	_ =	swait.ge [sflag:s28], s0  }
0x70e: {  	s0 =	ssub.s32 $0x0, s0;
	[sflag:s28] =	ssyncset.done $0x0  }
0x70f: {  	p0 =	sne.s32 s14, $0x0;
	[sflag:s28] =	ssyncadd.s32 s0  }
.Ltmp22:
0x710: {  	_ =	sfence.stream.spmem;
	(pc) =	sbr.rel @p0 .LBB2_43-.Ltmp22, $4  }
0x711: {  	s29 =	simm.s32 $0x3;
	[bflag:$0x0] =	sbarrier.arrive $0xFFFF  }
0x712: {  	s30 =	simm.s32 $0x4;
	[sflag:s29] =	ssyncpa.u1 $0x1  }
0x713: {  	s31 =	simm.s32 $0x3C;
	[sflag:s30] =	ssyncpa.u1 $0x1  }
0x714: {  	s15 =	rddreg [dreg:$0x4];
	[sflag:s31] =	ssyncpa.u1 $0x1  }
0x715: {  	_ =	sfence.stream.spmem;
	s0 =	simm.s32 $0x5  }
0x716: {  	s1 =	simm.s32 $0xA00;
	s2 =	simm.s32 $0xBF58;
	[sflag:s0] =	ssyncpa.u1 $0x0  }
0x717: {  	[tilespmem:s2], [sflag:$0x5] =	stream.linear.gather [spmem:s1], $0x20, $0x38;
	[tilespmem:$0x1FF78] =	vst v63  }
0x718: {  	s26 =	simm.s32 $0x0;
	s28 =	simm.s32 $0xBF78  }
0x719: {  	[tilespmem:s28], [sflag:$0x5] =	stream.linear.gather [spmem:s26], $0xA00, $0x38;
	[tilespmem:$0x1FF78] =	vst v63  }
0x71a: {  	_ =	swait.ge [sflag:s0], $0xA20  }
0x71b: {  	[sflag:s0] =	ssyncset.done $0x0  }
0x71c: {  	s29 =	simm.s32 $0x0;
	[sflag:s0] =	ssyncadd.s32 $0xFFFFF5E0  }
0x71d: {  	v0 =	vld.msk [tilespmem:s29+$0xBF58], $0x1;
	_ =	sdelay $0x1  }
0x71e: {  	s30 =	simm.s32 $0x1  }
0x71f: {  	v1 =	vld.msk [tilespmem:s30+$0xBF58], $0x1;
	_ =	sdelay $0x1  }
0x720: {  	(v2sf) =	vpush v0, $0x0;
	_ =	sdelay $0x2  }
0x721: {  	(v2sf) =	vpush v1, $0x0;
	_ =	sdelay $0x2  }
0x722: {  	s31 =	simm.s32 $0x2  }
0x723: {  	v0 =	vld.msk [tilespmem:s31+$0xBF58], $0x1;
	_ =	sdelay $0x2  }
0x724: {  	s1 =	simm.s32 $0xFFFFFFFF;
	s2 =	simm.s32 $0xFFFFFFFF;
	s0 =	simm.s32 $0xC  }
.LBB2_28:
0x725: {  	s3 =	smov.u32 s2;
	s4 =	smov.u32 s1  }
0x726: {  	s1 =	sshra.s32 s0, $0x2;
	p1 =	sne.s32 s0, $0x7C;
	s0 =	sadd.s32 $0x4, s0;
	(v2sf) =	vpush v0, $0x0  }
0x727: {  	v0 =	vld.msk [tilespmem:s1+$0xBF58], $0x1  }
.Ltmp23:
0x728: {  	(pc) =	sbr.rel @p1 .LBB2_28-.Ltmp23, $4  }
0x729: {  	s2 =	spop (v2sf)  }
0x72a: {  	p2 =	sne.s32 s4, $0xFFFFFFFF;
	s1 =	smov.u32 s2  }
0x72b: {  	p3 =	seq.s32 s2, $0xFFFFFFFF;
	s1 =	smov.u32 @p2 s4  }
0x72c: {  	s2 =	smov.u32 @p3 s3;
	s1 =	smov.u32 @p3 s4  }
0x72d: {  	(v2sf) =	vpush v0, $0x0;
	_ =	sdelay $0x8  }
0x72e: {  	s0 =	spop (v2sf)  }
0x72f: {  	p1 =	sne.s32 s1, $0xFFFFFFFF;
	s3 =	smov.u32 s0  }
0x730: {  	s9 =	simm.s32 $0x6;
	p2 =	seq.s32 s0, $0xFFFFFFFF;
	s3 =	smov.u32 @p1 s1  }
0x731: {  	s10 =	simm.s32 $0xBEF8;
	s3 =	smov.u32 @p2 s1;
	s1 =	spop (v2sf)  }
0x732: {  	s0 =	smov.u32 @p2 s2;
	p1 =	sne.s32 s3, $0xFFFFFFFF;
	s6 =	smov.u32 s1  }
.Ltmp24:
0x733: {  	p2 =	seq.s32 s1, $0xFFFFFFFF;
	s6 =	smov.u32 @p1 s3;
	(pc) =	sbr.rel .LBB2_30-.Ltmp24, $4  }
0x734: {  	s11 =	simm.s32 $0x0;
	s6 =	smov.u32 @p2 s3;
	s4 =	spop (v2sf)  }
0x735: {  	[sflag:s9] =	ssyncpa.u1 $0x0;
	p1 =	sne.s32 s6, $0xFFFFFFFF;
	s8 =	smov.u32 s4  }
0x736: {  	s1 =	smov.u32 @p2 s0;
	p2 =	seq.s32 s4, $0xFFFFFFFF;
	s8 =	smov.u32 @p1 s6  }
0x737: {  	s3 =	simm.s32 $0x0;
	s4 =	smov.u32 @p2 s1;
	s8 =	smov.u32 @p2 s6  }
.LBB2_36:
0x738: {  	p1 =	sgt.u32 s0, $0x27FF6  }
0x739: {  	p2 =	seq.s32 @!p1 s0, s8  }
0x73a: {  	p1 =	por p1, p2  }
0x73b: {  	p2 =	sne.s32 @!p1 s0, s4  }
0x73c: {  	p1 =	por p1, !p2  }
0x73d: {  	s0 =	smul.u32 @p1 $0x140, s11;
	_ =	sdelay $0x1  }
0x73e: {  	s1 =	sand.u32 @!p1 $0x3FFF8, s0  }
0x73f: {  	s0 =	sand.u32 @!p1 $0x7, s0;
	s1 =	sadd.s32 @!p1 s5, s1  }
0x740: {  	[tilespmem:s10], [sflag:$0x6] =	stream.linear.gather @!p1 [hbm4b:s1+s0], $0x50, $0x38;
	[tilespmem:$0x1FF78] =	vst v63  }
0x741: {  	_ =	swait.ge @!p1 [sflag:s9], $0x50  }
0x742: {  	[sflag:s9] =	ssyncset.done @!p1 $0x0  }
0x743: {  	[sflag:s9] =	ssyncadd.s32 @!p1 $0xFFFFFFB0  }
0x744: {  	v1 =	vld @!p1 [tilespmem:$0xBEF8];
	_ =	sdelay $0x1  }
0x745: {  	s0 =	smul.u32 @!p1 $0x140, s11;
	_ =	sdelay $0x1  }
0x746: {  	s1 =	sshra.s32 @!p1 s0, $0x2  }
0x747: {  	[tilespmem:s1+$0xBF78] =	vst.add.f32.msk @!p1 $0xffff, v1  }
0x748: {  	v1 =	vld @!p1 [tilespmem:$0xBF08];
	_ =	sdelay $0x4  }
0x749: {  	[tilespmem:s1+$0xBF88] =	vst.add.f32.msk @!p1 $0xffff, v1  }
0x74a: {  	v1 =	vld @!p1 [tilespmem:$0xBF18];
	_ =	sdelay $0x4  }
0x74b: {  	[tilespmem:s1+$0xBF98] =	vst.add.f32.msk @!p1 $0xffff, v1  }
0x74c: {  	v1 =	vld @!p1 [tilespmem:$0xBF28];
	_ =	sdelay $0x4  }
0x74d: {  	[tilespmem:s1+$0xBFA8] =	vst.add.f32.msk @!p1 $0xffff, v1  }
0x74e: {  	v1 =	vld @!p1 [tilespmem:$0xBF38];
	_ =	sdelay $0x4  }
0x74f: {  	[tilespmem:s1+$0xBFB8] =	vst.add.f32.msk @!p1 $0xffff, v1  }
0x750: {  	s0 =	sshra.s32 s0, $0x2;
	[tilespmem:s3+$0xBF58] =	vst.msk $0x1, v0  }
0x751: {  	v0 =	vld [tilespmem:s0+$0xBF78];
	_ =	sdelay $0x1  }
0x752: {  	s31 =	smul.u32 $0x140, s3;
	_ =	sdelay $0x1  }
0x753: {  	s1 =	sshra.s32 s31, $0x2  }
0x754: {  	[tilespmem:s1+$0xBF78] =	vst v0  }
0x755: {  	v0 =	vld [tilespmem:s0+$0xBF88];
	_ =	sdelay $0x4  }
0x756: {  	[tilespmem:s1+$0xBF88] =	vst v0  }
0x757: {  	v0 =	vld [tilespmem:s0+$0xBF98];
	_ =	sdelay $0x4  }
0x758: {  	[tilespmem:s1+$0xBF98] =	vst v0  }
0x759: {  	v0 =	vld [tilespmem:s0+$0xBFA8];
	_ =	sdelay $0x4  }
0x75a: {  	[tilespmem:s1+$0xBFA8] =	vst v0  }
0x75b: {  	v0 =	vld [tilespmem:s0+$0xBFB8];
	_ =	sdelay $0x4  }
0x75c: {  	s3 =	sadd.s32 $0x1, s3;
	[tilespmem:s1+$0xBFB8] =	vst v0  }
.LBB2_37:
0x75d: {  	s11 =	sadd.s32 $0x1, s11  }
0x75e: {  	p1 =	sne.s32 s11, $0x20  }
.Ltmp25:
0x75f: {  	_ = 	snop;
	(pc) =	sbr.rel @!p1 .LBB2_38-.Ltmp25, $1  }
0x760: {  	_ =	sdelay $0x3  }
.LBB2_30:
0x761: {  	v0 =	vld.msk [tilespmem:s11+$0xBF58], $0x1;
	_ =	sdelay $0x4  }
0x762: {  	(v2sf) =	vpush v0, $0x0;
	_ =	sdelay $0xe  }
0x763: {  	s0 =	spop (v2sf)  }
0x764: {  	p1 =	seq.s32 s0, $0xFFFFFFFF  }
.Ltmp26:
0x765: {  	_ = 	snop;
	(pc) =	sbr.rel @p1 .LBB2_37-.Ltmp26, $1  }
0x766: {  	_ =	sdelay $0x3  }
0x767: {  	p1 =	slt.s32 s3, $0x1  }
.Ltmp27:
0x768: {  	_ = 	snop;
	(pc) =	sbr.rel @p1 .LBB2_36-.Ltmp27, $1  }
0x769: {  	_ =	sdelay $0x3  }
0x76a: {  	s12 =	simm.s32 $0xBF58;
	p1 =	por $0x0, $0x0  }
0x76b: {  	v1 =	vld.msk @!p1 [tilespmem:s12+$0x0], $0x1;
	_ =	sdelay $0x4  }
0x76c: {  	(v2sf) =	vpush @!p1 v1, $0x0;
	_ =	sdelay $0xd  }
0x76d: {  	p3 =	sne.s32 s3, $0x1  }
.Ltmp28:
0x76e: {  	s1 =	spop @!p1 (v2sf);
	(pc) =	sbr.rel @!p3 .LBB2_34-.Ltmp28, $4  }
0x76f: {  	p2 =	seq.s32 @!p1 s0, s1  }
0x770: {  	s13 =	simm.s32 $0x0;
	p2 =	por !p2, p1  }
0x771: {  	s2 =	simm.s32 $0xFFFFFFFF;
	s13 =	simm.s32 @p2 $0xFFFFFFFF  }
0x772: {  	s1 =	simm.s32 $0x1;
	s13 =	smov.u32 @p1 s2  }
.LBB2_33:
0x773: {  	s2 =	smov.u32 s13;
	p1 =	sne.s32 s13, $0xFFFFFFFF  }
0x774: {  	s12 =	sadd.s32 $0x1, s12;
	s13 =	smov.u32 s1;
	s1 =	sadd.s32 $0x1, s1  }
0x775: {  	p2 =	sne.s32 s3, s1;
	v1 =	vld.msk @!p1 [tilespmem:s12+$0x0], $0x1;
	_ =	sdelay $0x4  }
0x776: {  	(v2sf) =	vpush @!p1 v1, $0x0;
	_ =	sdelay $0xe  }
.Ltmp29:
0x777: {  	s6 =	spop @!p1 (v2sf);
	(pc) =	sbr.rel @p2 .LBB2_33-.Ltmp29, $4  }
0x778: {  	p3 =	seq.s32 @!p1 s0, s6  }
0x779: {  	p3 =	por !p3, p1  }
0x77a: {  	s13 =	simm.s32 @p3 $0xFFFFFFFF  }
0x77b: {  	s13 =	smov.u32 @p1 s2  }
.LBB2_34:
0x77c: {  	p1 =	seq.s32 s13, $0xFFFFFFFF  }
.Ltmp30:
0x77d: {  	_ = 	snop;
	(pc) =	sbr.rel @p1 .LBB2_36-.Ltmp30, $1  }
0x77e: {  	_ =	sdelay $0x3  }
0x77f: {  	s0 =	smul.u32 $0x140, s11;
	_ =	sdelay $0x1  }
0x780: {  	s0 =	sshra.s32 s0, $0x2  }
0x781: {  	v0 =	vld [tilespmem:s0+$0xBF78];
	_ =	sdelay $0x1  }
0x782: {  	s1 =	smul.u32 $0x140, s13;
	_ =	sdelay $0x1  }
0x783: {  	s1 =	sshra.s32 s1, $0x2  }
0x784: {  	[tilespmem:s1+$0xBF78] =	vst.add.f32.msk $0xffff, v0  }
0x785: {  	v0 =	vld [tilespmem:s0+$0xBF88];
	_ =	sdelay $0x4  }
0x786: {  	[tilespmem:s1+$0xBF88] =	vst.add.f32.msk $0xffff, v0  }
0x787: {  	v0 =	vld [tilespmem:s0+$0xBF98];
	_ =	sdelay $0x4  }
0x788: {  	[tilespmem:s1+$0xBF98] =	vst.add.f32.msk $0xffff, v0  }
0x789: {  	v0 =	vld [tilespmem:s0+$0xBFA8];
	_ =	sdelay $0x4  }
0x78a: {  	[tilespmem:s1+$0xBFA8] =	vst.add.f32.msk $0xffff, v0  }
0x78b: {  	v0 =	vld [tilespmem:s0+$0xBFB8]  }
.Ltmp31:
0x78c: {  	_ = 	snop;
	(pc) =	sbr.rel .LBB2_37-.Ltmp31, $2  }
0x78d: {  	_ =	sdelay $0x2  }
0x78e: {  	[tilespmem:s1+$0xBFB8] =	vst.add.f32.msk $0xffff, v0  }
.LBB2_38:
0x78f: {  	s0 =	simm.s32 $0x6;
	p1 =	seq.s32 s3, $0x0  }
0x790: {  	[sflag:s0] =	ssyncpa.u1 $0x1;
	v0 =	vimm.s32 @p1 $0xFFFFFFFF  }
0x791: {  	s0 =	sadd.s32 $0xFFFFFFFF, s3;
	[tilespmem:$0xC978] =	vst @p1 v0  }
0x792: {  	v0 =	vld.msk @!p1 [tilespmem:s0+$0xBF58], $0x1;
	_ =	sdelay $0x1  }
0x793: {  	v1 =	vld.msk @!p1 [tilespmem:$0xBF58], $0x1;
	_ =	sdelay $0x2  }
0x794: {  	p2 =	seq.s32 @!p1 s0, $0x0;
	v0 =	vbroadcast @!p1 v0, $0x0  }
0x795: {  	vm0 =	vmmov @!p1 $0x1;
	p3 =	por !p2, p1  }
0x796: {  	p2 =	sne.s32 @!p1 s8, s4;
	v1 =	vnsel @!p1 vm0, $0xFFFFFFFF, v1;
	vm0 =	vcmask @!p1 $0x308;
	v0 =	vpsel !p3, $0xFFFFFFFF, v0  }
0x797: {  	p3 =	por !p2, p1;
	v0 =	vsel @!p1 vm0, v1, v0  }
0x798: {  	s1 =	simm.s32 @!p1 $0xBF78;
	s2 =	simm.s32 @!p1 $0x0;
	s4 =	smul.u32 @!p3 $0x140, s0;
	[tilespmem:$0xC978] =	vst @!p1 v0  }
0x799: {  	[spmem:s2] =	stream.linear.scatter @!p1 [tilespmem:s1], [sflag:$0x1], $0x50, $0x38;
	[tilespmem:$0x1FF78] =	vst v63  }
0x79a: {  	s1 =	sshra.s32 @!p3 s4, $0x2  }
0x79b: {  	s2 =	simm.s32 @!p3 $0x50;
	s1 =	sadd.s32 @!p3 $0xBF78, s1  }
0x79c: {  	[spmem:s2] =	stream.linear.scatter @!p3 [tilespmem:s1], [sflag:$0x1], $0x50, $0x38;
	[tilespmem:$0x1FF78] =	vst v63  }
0x79d: {  	s1 =	simm.s32 @!p3 $0x1  }
0x79e: {  	_ =	swait.ge @!p3 [sflag:s1], $0xA0  }
0x79f: {  	p1 =	por p2, p1;
	[sflag:s1] =	ssyncset.done @!p3 $0x0  }
0x7a0: {  	[sflag:s1] =	ssyncadd.s32 @!p3 $0xFFFFFF60;
	s1 =	simm.s32 @!p1 $0x1  }
0x7a1: {  	_ =	swait.ge @!p1 [sflag:s1], $0x50  }
0x7a2: {  	s29 =	simm.s32 $0xC978;
	[sflag:s1] =	ssyncset.done @!p1 $0x0  }
0x7a3: {  	s30 =	simm.s32 $0xA00;
	s31 =	simm.s32 $0x1;
	[sflag:s1] =	ssyncadd.s32 @!p1 $0xFFFFFFB0  }
0x7a4: {  	[spmem:s30] =	stream.linear.scatter [tilespmem:s29], [sflag:$0x1], $0x10, $0x38;
	[tilespmem:$0x1FF78] =	vst v63  }
0x7a5: {  	_ =	swait.ge [sflag:s31], $0x10  }
0x7a6: {  	[sflag:s31] =	ssyncset.done $0x0  }
0x7a7: {  	p1 =	seq.s32 s15, $0x0;
	s9 =	rddreg [dreg:$0x1];
	[sflag:s31] =	ssyncadd.s32 $0xFFFFFFF0  }
0x7a8: {  	s2 =	sshll.u32 @p1 s9, $0xE;
	s8 =	rddreg [dreg:$0x2]  }
0x7a9: {  	s1 =	sadd.s32 @p1 $0x15C3C, s2;
	s2 =	sshll.u32 @p1 s8, $0x11  }
0x7aa: {  	_ =	sfence.stream.spmem;
	s1 =	sor.u32 @p1 s2, s1  }
0x7ab: {  	[sflag:s1] =	ssyncadd.remote.s32 @p1 $0x1;
	s1 =	simm.s32 @p1 $0x4  }
0x7ac: {  	s4 =	simm.s32 @!p1 $0x3C;
	s2 =	sand.u32 $0xFFFFFFFE, s9;
	_ =	swait.ge @p1 [sflag:s1], $0x16  }
0x7ad: {  	s6 =	simm.s32 @!p1 $0x0;
	s2 =	sadd.s32 @!p1 $0x4, s2;
	[sflag:s1] =	ssyncset.done @p1 $0x0  }
0x7ae: {  	s7 =	simm.s32 @!p1 $0xA0;
	[sflag:s1] =	ssyncadd.s32 @p1 $0xFFFFFFEA;
	s1 =	sshll.u32 @!p1 s2, $0x1A  }
0x7af: {  	s2 =	sshll.u32 @!p1 s2, $0xD;
	s1 =	sor.u32 @!p1 s1, s8;
	_ =	swait.eq @!p1 [sflag:s4], $0x1  }
0x7b0: {  	s2 =	sor.u32 @!p1 $0x1C04, s2;
	s4 =	simm.s32 @!p1 $0x1C03;
	s1 =	sor.u32 @!p1 $0x80004000, s1  }
0x7b1: {  	[spmem:s7], [sflag:s2] =	dma.general @!p1 [spmem:s6], [sflag:s4], length:$0x14, [dreg:$0x0], stride_count:$0x0, ici_dest:s1, dma_misc:DstOpCode:WRITE  }
0x7b2: {  	p2 =	slt.s32 s0, $0x2;
	s6 =	simm.s32 @!p1 $0x140;
	s7 =	simm.s32 @!p1 $0x142  }
0x7b3: {  	[spmem:s7], [sflag:s2] =	dma.general @!p1 [spmem:s6], [sflag:s4], length:$0x2, [dreg:$0x0], stride_count:$0x0, ici_dest:s1, dma_misc:DstOpCode:WRITE  }
.Ltmp32:
0x7b4: {  	s1 =	simm.s32 @!p1 $0x3;
	(pc) =	sbr.rel @p2 .LBB2_42-.Ltmp32, $4  }
0x7b5: {  	s2 =	sshll.u32 @!p1 s9, $0xE;
	_ =	swait.ge @!p1 [sflag:s1], $0x16  }
0x7b6: {  	s4 =	sshll.u32 @!p1 s8, $0x11;
	s2 =	sadd.s32 @!p1 $0x11C3C, s2;
	[sflag:s1] =	ssyncset.done @!p1 $0x0  }
0x7b7: {  	[sflag:s1] =	ssyncadd.s32 @!p1 $0xFFFFFFEA;
	s1 =	sor.u32 @!p1 s4, s2  }
0x7b8: {  	s0 =	simm.s32 $0x0;
	[sflag:s1] =	ssyncadd.remote.s32 @!p1 $0xFFFFFFFF  }
0x7b9: {  	s0 =	simm.s32 $0xBF59  }
0x7ba: {  	v0 =	vld.msk [tilespmem:s0+$0x0], $0x1;
	_ =	sdelay $0x4  }
0x7bb: {  	(v2sf) =	vpush v0, $0x0;
	_ =	sdelay $0xc  }
0x7bc: {  	s1 =	sadd.s32 $0xFFFFFFFE, s3  }
0x7bd: {  	s1 =	sadd.s32 $0xFFFFFFFF, s1  }
0x7be: {  	p2 =	sne.s32 s1, $0x0;
	s2 =	spop (v2sf)  }
.Ltmp33:
0x7bf: {  	p1 =	sgt.u32 s2, $0x27FF6;
	(pc) =	sbr.rel @!p2 .LBB2_41-.Ltmp33, $4  }
0x7c0: {  	s4 =	simm.s32 $0x0;
	s3 =	sand.u32 @!p1 $0x3FFF8, s2  }
0x7c1: {  	s0 =	simm.s32 $0xBFC8;
	s2 =	sand.u32 @!p1 $0x7, s2;
	s3 =	sadd.s32 @!p1 s5, s3  }
0x7c2: {  	[hbm4b:s3+s2] =	stream.linear.scatter @!p1 [tilespmem:s0], [sflag:$0x5], $0x50, $0x38;
	[tilespmem:$0x1FF78] =	vst v63  }
0x7c3: {  	s4 =	simm.s32 @!p1 $0x140;
	s2 =	simm.s32 $0x0;
	s3 =	simm.s32 $0xBF5A  }
.LBB2_40:
0x7c4: {  	v0 =	vld.msk [tilespmem:s3+$0x0], $0x1;
	s1 =	sadd.s32 $0xFFFFFFFF, s1;
	s2 =	sadd.s32 s2, s4  }
0x7c5: {  	p1 =	sne.s32 s1, $0x0;
	_ =	sdelay $0x3  }
0x7c6: {  	(v2sf) =	vpush v0, $0x0;
	_ =	sdelay $0xe  }
.Ltmp34:
0x7c7: {  	s6 =	spop (v2sf);
	(pc) =	sbr.rel @p1 .LBB2_40-.Ltmp34, $4  }
0x7c8: {  	s4 =	simm.s32 $0x0;
	p2 =	sgt.u32 s6, $0x27FF6  }
0x7c9: {  	s0 =	sadd.s32 $0x50, s0;
	s4 =	simm.s32 @!p2 $0x140;
	s7 =	sand.u32 @!p2 $0x3FFF8, s6  }
0x7ca: {  	s3 =	sadd.s32 $0x1, s3;
	s6 =	sand.u32 @!p2 $0x7, s6;
	s7 =	sadd.s32 @!p2 s5, s7  }
0x7cb: {  	[hbm4b:s7+s6] =	stream.linear.scatter @!p2 [tilespmem:s0], [sflag:$0x5], $0x50, $0x38;
	[tilespmem:$0x1FF78] =	vst v63  }
.LBB2_41:
0x7cc: {  	s0 =	sadd.s32 s2, s4  }
0x7cd: {  	s0 =	sshrl.u32 s0, $0x2  }
.LBB2_42:
0x7ce: {  	s1 =	simm.s32 $0x5  }
0x7cf: {  	_ =	swait.ge [sflag:s1], s0  }
0x7d0: {  	s31 =	ssub.s32 $0x0, s0;
	[sflag:s1] =	ssyncset.done $0x0  }
0x7d1: {  	[sflag:s1] =	ssyncadd.s32 s31  }
0x7d2: {  	[sflag:s1] =	ssyncpa.u1 $0x1  }
.LBB2_43:
0x7d3: {  	s0 =	sor.u32 s15, s14  }
0x7d4: {  	p1 =	sne.s32 s0, $0x0  }
.Ltmp35:
0x7d5: {  	_ = 	snop;
	(pc) =	sbr.rel @p1 .LBB2_58-.Ltmp35, $3  }
0x7d6: {  	_ =	sdelay $0x1  }
0x7d7: {  	[bflag:$0x0] =	sbarrier.arrive $0xFFFF  }
0x7d8: {  	_ =	sfence  }
0x7d9: {  	s0 =	simm.s32 $0x7  }
0x7da: {  	s1 =	simm.s32 $0xA00;
	s2 =	simm.s32 $0xBF58;
	[sflag:s0] =	ssyncpa.u1 $0x0  }
0x7db: {  	[tilespmem:s2], [sflag:$0x7] =	stream.linear.gather [spmem:s1], $0x20, $0x38;
	[tilespmem:$0x1FF78] =	vst v63  }
0x7dc: {  	s30 =	simm.s32 $0xBF78;
	s1 =	simm.s32 $0x0  }
0x7dd: {  	[tilespmem:s30], [sflag:$0x7] =	stream.linear.gather [spmem:s1], $0xA00, $0x38;
	[tilespmem:$0x1FF78] =	vst v63  }
.Ltmp36:
0x7de: {  	_ = 	snop;
	(pc) =	sbr.rel .LBB2_45-.Ltmp36, $4  }
0x7df: {  	_ =	swait.ge [sflag:s0], $0xA20  }
0x7e0: {  	[sflag:s0] =	ssyncset.done $0x0  }
0x7e1: {  	s31 =	simm.s32 $0x8;
	[sflag:s0] =	ssyncadd.s32 $0xFFFFF5E0  }
0x7e2: {  	s2 =	simm.s32 $0x0;
	[sflag:s31] =	ssyncpa.u1 $0x0  }
.LBB2_51:
0x7e3: {  	p1 =	slt.u32 s0, $0x27FF7  }
0x7e4: {  	s3 =	sand.u32 @p1 $0x3FFF8, s0  }
0x7e5: {  	s0 =	sand.u32 @p1 $0x7, s0;
	s4 =	simm.s32 @p1 $0xBEF8;
	s3 =	sadd.s32 @p1 s5, s3  }
0x7e6: {  	[tilespmem:s4], [sflag:$0x8] =	stream.linear.gather @p1 [hbm4b:s3+s0], $0x50, $0x38;
	[tilespmem:$0x1FF78] =	vst v63  }
0x7e7: {  	s0 =	simm.s32 @p1 $0x8  }
0x7e8: {  	_ =	swait.ge @p1 [sflag:s0], $0x50  }
0x7e9: {  	[sflag:s0] =	ssyncset.done @p1 $0x0  }
0x7ea: {  	[sflag:s0] =	ssyncadd.s32 @p1 $0xFFFFFFB0  }
0x7eb: {  	v1 =	vld @p1 [tilespmem:$0xBEF8];
	_ =	sdelay $0x1  }
0x7ec: {  	s0 =	smul.u32 @p1 $0x140, s2;
	_ =	sdelay $0x1  }
0x7ed: {  	s3 =	sshra.s32 @p1 s0, $0x2  }
0x7ee: {  	[tilespmem:s3+$0xBF78] =	vst.add.f32.msk @p1 $0xffff, v1  }
0x7ef: {  	v1 =	vld @p1 [tilespmem:$0xBF08];
	_ =	sdelay $0x4  }
0x7f0: {  	[tilespmem:s3+$0xBF88] =	vst.add.f32.msk @p1 $0xffff, v1  }
0x7f1: {  	v1 =	vld @p1 [tilespmem:$0xBF18];
	_ =	sdelay $0x4  }
0x7f2: {  	[tilespmem:s3+$0xBF98] =	vst.add.f32.msk @p1 $0xffff, v1  }
0x7f3: {  	v1 =	vld @p1 [tilespmem:$0xBF28];
	_ =	sdelay $0x4  }
0x7f4: {  	[tilespmem:s3+$0xBFA8] =	vst.add.f32.msk @p1 $0xffff, v1  }
0x7f5: {  	v1 =	vld @p1 [tilespmem:$0xBF38];
	_ =	sdelay $0x2  }
0x7f6: {  	s4 =	smul.u32 @!p1 $0x140, s2;
	_ =	sdelay $0x1  }
0x7f7: {  	s4 =	smov.u32 @p1 s0;
	[tilespmem:s3+$0xBFB8] =	vst.add.f32.msk @p1 $0xffff, v1  }
0x7f8: {  	s0 =	sshra.s32 s4, $0x2;
	[tilespmem:s1+$0xBF58] =	vst.msk $0x1, v0  }
0x7f9: {  	v0 =	vld [tilespmem:s0+$0xBF78];
	_ =	sdelay $0x1  }
0x7fa: {  	s31 =	smul.u32 $0x140, s1;
	_ =	sdelay $0x1  }
0x7fb: {  	s3 =	sshra.s32 s31, $0x2  }
0x7fc: {  	[tilespmem:s3+$0xBF78] =	vst v0  }
0x7fd: {  	v0 =	vld [tilespmem:s0+$0xBF88];
	_ =	sdelay $0x4  }
0x7fe: {  	[tilespmem:s3+$0xBF88] =	vst v0  }
0x7ff: {  	v0 =	vld [tilespmem:s0+$0xBF98];
	_ =	sdelay $0x4  }
0x800: {  	[tilespmem:s3+$0xBF98] =	vst v0  }
0x801: {  	v0 =	vld [tilespmem:s0+$0xBFA8];
	_ =	sdelay $0x4  }
0x802: {  	[tilespmem:s3+$0xBFA8] =	vst v0  }
0x803: {  	v0 =	vld [tilespmem:s0+$0xBFB8];
	_ =	sdelay $0x4  }
0x804: {  	s1 =	sadd.s32 $0x1, s1;
	[tilespmem:s3+$0xBFB8] =	vst v0  }
.LBB2_52:
0x805: {  	s2 =	sadd.s32 $0x1, s2  }
0x806: {  	p1 =	sne.s32 s2, $0x20  }
.Ltmp37:
0x807: {  	_ = 	snop;
	(pc) =	sbr.rel @!p1 .LBB2_53-.Ltmp37, $1  }
0x808: {  	_ =	sdelay $0x3  }
.LBB2_45:
0x809: {  	v0 =	vld.msk [tilespmem:s2+$0xBF58], $0x1;
	_ =	sdelay $0x4  }
0x80a: {  	(v2sf) =	vpush v0, $0x0;
	_ =	sdelay $0xe  }
0x80b: {  	s0 =	spop (v2sf)  }
0x80c: {  	p1 =	seq.s32 s0, $0xFFFFFFFF  }
.Ltmp38:
0x80d: {  	_ = 	snop;
	(pc) =	sbr.rel @p1 .LBB2_52-.Ltmp38, $1  }
0x80e: {  	_ =	sdelay $0x3  }
0x80f: {  	p1 =	slt.s32 s1, $0x1  }
.Ltmp39:
0x810: {  	_ = 	snop;
	(pc) =	sbr.rel @p1 .LBB2_51-.Ltmp39, $1  }
0x811: {  	_ =	sdelay $0x3  }
0x812: {  	s3 =	simm.s32 $0xBF58;
	p1 =	por $0x0, $0x0  }
0x813: {  	v1 =	vld.msk @!p1 [tilespmem:s3+$0x0], $0x1;
	_ =	sdelay $0x4  }
0x814: {  	(v2sf) =	vpush @!p1 v1, $0x0;
	_ =	sdelay $0xd  }
0x815: {  	p3 =	sne.s32 s1, $0x1  }
.Ltmp40:
0x816: {  	s4 =	spop @!p1 (v2sf);
	(pc) =	sbr.rel @!p3 .LBB2_49-.Ltmp40, $4  }
0x817: {  	p2 =	seq.s32 @!p1 s0, s4  }
0x818: {  	s4 =	simm.s32 $0x0;
	p2 =	por !p2, p1  }
0x819: {  	s7 =	simm.s32 $0xFFFFFFFF;
	s4 =	simm.s32 @p2 $0xFFFFFFFF  }
0x81a: {  	s6 =	simm.s32 $0x1;
	s4 =	smov.u32 @p1 s7  }
.LBB2_48:
0x81b: {  	s7 =	smov.u32 s4;
	p1 =	sne.s32 s4, $0xFFFFFFFF  }
0x81c: {  	s3 =	sadd.s32 $0x1, s3;
	s4 =	smov.u32 s6;
	s6 =	sadd.s32 $0x1, s6  }
0x81d: {  	p2 =	sne.s32 s1, s6;
	v1 =	vld.msk @!p1 [tilespmem:s3+$0x0], $0x1;
	_ =	sdelay $0x4  }
0x81e: {  	(v2sf) =	vpush @!p1 v1, $0x0;
	_ =	sdelay $0xe  }
.Ltmp41:
0x81f: {  	s8 =	spop @!p1 (v2sf);
	(pc) =	sbr.rel @p2 .LBB2_48-.Ltmp41, $4  }
0x820: {  	p3 =	seq.s32 @!p1 s0, s8  }
0x821: {  	p3 =	por !p3, p1  }
0x822: {  	s4 =	simm.s32 @p3 $0xFFFFFFFF  }
0x823: {  	s4 =	smov.u32 @p1 s7  }
.LBB2_49:
0x824: {  	p1 =	seq.s32 s4, $0xFFFFFFFF  }
.Ltmp42:
0x825: {  	_ = 	snop;
	(pc) =	sbr.rel @p1 .LBB2_51-.Ltmp42, $1  }
0x826: {  	_ =	sdelay $0x3  }
0x827: {  	s0 =	smul.u32 $0x140, s2;
	_ =	sdelay $0x1  }
0x828: {  	s0 =	sshra.s32 s0, $0x2  }
0x829: {  	v0 =	vld [tilespmem:s0+$0xBF78];
	_ =	sdelay $0x1  }
0x82a: {  	s3 =	smul.u32 $0x140, s4;
	_ =	sdelay $0x1  }
0x82b: {  	s3 =	sshra.s32 s3, $0x2  }
0x82c: {  	[tilespmem:s3+$0xBF78] =	vst.add.f32.msk $0xffff, v0  }
0x82d: {  	v0 =	vld [tilespmem:s0+$0xBF88];
	_ =	sdelay $0x4  }
0x82e: {  	[tilespmem:s3+$0xBF88] =	vst.add.f32.msk $0xffff, v0  }
0x82f: {  	v0 =	vld [tilespmem:s0+$0xBF98];
	_ =	sdelay $0x4  }
0x830: {  	[tilespmem:s3+$0xBF98] =	vst.add.f32.msk $0xffff, v0  }
0x831: {  	v0 =	vld [tilespmem:s0+$0xBFA8];
	_ =	sdelay $0x4  }
0x832: {  	[tilespmem:s3+$0xBFA8] =	vst.add.f32.msk $0xffff, v0  }
0x833: {  	v0 =	vld [tilespmem:s0+$0xBFB8]  }
.Ltmp43:
0x834: {  	_ = 	snop;
	(pc) =	sbr.rel .LBB2_52-.Ltmp43, $2  }
0x835: {  	_ =	sdelay $0x2  }
0x836: {  	[tilespmem:s3+$0xBFB8] =	vst.add.f32.msk $0xffff, v0  }
.LBB2_53:
0x837: {  	p1 =	slt.s32 s1, $0x1  }
.Ltmp44:
0x838: {  	_ = 	snop;
	(pc) =	sbr.rel @p1 .LBB2_57-.Ltmp44, $3  }
0x839: {  	_ =	sdelay $0x1  }
0x83a: {  	s0 =	simm.s32 $0x8  }
0x83b: {  	[sflag:s0] =	ssyncpa.u1 $0x1;
	s0 =	simm.s32 $0x0  }
0x83c: {  	s2 =	simm.s32 $0xBF58  }
0x83d: {  	v0 =	vld.msk [tilespmem:s2+$0x0], $0x1;
	_ =	sdelay $0x4  }
0x83e: {  	(v2sf) =	vpush v0, $0x0;
	_ =	sdelay $0xe  }
0x83f: {  	s1 =	sadd.s32 $0xFFFFFFFF, s1;
	s3 =	spop (v2sf)  }
0x840: {  	p2 =	sne.s32 s1, $0x0;
	p1 =	sgt.u32 s3, $0x27FF6  }
.Ltmp45:
0x841: {  	s4 =	sand.u32 @!p1 $0x3FFF8, s3;
	(pc) =	sbr.rel @!p2 .LBB2_56-.Ltmp45, $4  }
0x842: {  	s2 =	simm.s32 $0xBF78;
	s3 =	sand.u32 @!p1 $0x7, s3;
	s4 =	sadd.s32 @!p1 s5, s4  }
0x843: {  	[hbm4b:s4+s3] =	stream.linear.scatter @!p1 [tilespmem:s2], [sflag:$0x7], $0x50, $0x38;
	[tilespmem:$0x1FF78] =	vst v63  }
0x844: {  	s4 =	simm.s32 $0x0  }
0x845: {  	s3 =	simm.s32 $0xBF59;
	s4 =	simm.s32 @!p1 $0x140  }
.LBB2_55:
0x846: {  	v0 =	vld.msk [tilespmem:s3+$0x0], $0x1;
	s1 =	sadd.s32 $0xFFFFFFFF, s1;
	s0 =	sadd.s32 s0, s4  }
0x847: {  	p1 =	sne.s32 s1, $0x0;
	_ =	sdelay $0x3  }
0x848: {  	(v2sf) =	vpush v0, $0x0;
	_ =	sdelay $0xe  }
.Ltmp46:
0x849: {  	s6 =	spop (v2sf);
	(pc) =	sbr.rel @p1 .LBB2_55-.Ltmp46, $4  }
0x84a: {  	s4 =	simm.s32 $0x0;
	p2 =	sgt.u32 s6, $0x27FF6  }
0x84b: {  	s2 =	sadd.s32 $0x50, s2;
	s4 =	simm.s32 @!p2 $0x140;
	s7 =	sand.u32 @!p2 $0x3FFF8, s6  }
0x84c: {  	s3 =	sadd.s32 $0x1, s3;
	s6 =	sand.u32 @!p2 $0x7, s6;
	s7 =	sadd.s32 @!p2 s5, s7  }
0x84d: {  	[hbm4b:s7+s6] =	stream.linear.scatter @!p2 [tilespmem:s2], [sflag:$0x7], $0x50, $0x38;
	[tilespmem:$0x1FF78] =	vst v63  }
.LBB2_56:
0x84e: {  	s0 =	sadd.s32 s0, s4  }
0x84f: {  	s0 =	sshrl.u32 s0, $0x2  }
.LBB2_57:
0x850: {  	s1 =	simm.s32 $0x7  }
0x851: {  	_ =	swait.ge [sflag:s1], s0  }
0x852: {  	s31 =	ssub.s32 $0x0, s0;
	[sflag:s1] =	ssyncset.done $0x0  }
0x853: {  	[sflag:s1] =	ssyncadd.s32 s31  }
0x854: {  	[sflag:s1] =	ssyncpa.u1 $0x1  }
.LBB2_58:
0x855: {  	_ =	sfence;
	s0 =	simm.s32 $0x1  }
0x856: {  	[sflag:s0] =	ssyncpa.u1 $0x1  }
0x857: {  	_ =	strace $0x9000004A  }
0x858: {  	[bflag:$0x2] =	sbarrier.arrive $0xFFFF  }
0x859: {  	s0 =	rddreg [dreg:$0x3]  }
0x85a: {  	s0 =	sadd.s32 @!p0 $0x100000, s0  }
0x85b: {  	[sflag:s0] =	ssyncadd.tile.s32 @!p0 $0x1;
	_ =	shalt  }
.Lfunc_end2:
_tile_overlayer_lowered:
.L_overlay_start_2:
0x85c: {  	(tag) =	ssettag $0x2  }
0x85d: {  	s0 =	rddreg [dreg:$0x0];
	s2 =	stileid.u32  }
0x85e: {  	s1 =	rddreg [dreg:$0x1];
	p0 =	sne.s32 s2, $0x0  }
0x85f: {  	s3 =	rddreg [dreg:$0x2];
	[bflag:$0x3] =	sbarrier.arrive $0xFFFF;
	s2 =	simm.s32 @!p0 $0x1C01  }
0x860: {  	[timem:s3], [sflag:s2] =	dma.local @!p0 [hbm:s0], s1  }
0x861: {  	s0 =	simm.s32 @!p0 $0x1  }
0x862: {  	_ =	swait.ge @!p0 [sflag:s0], s1  }
0x863: {  	s1 =	ssub.s32 @!p0 $0x0, s1;
	[sflag:s0] =	ssyncset.done @!p0 $0x0  }
0x864: {  	[sflag:s0] =	ssyncadd.s32 @!p0 s1  }
0x865: {  	[bflag:$0x3] =	sbarrier.arrive $0xFFFF  }
0x866: {  	_ =	shalt  }

</sc_bundles>
